<compile_context>
chip_gen: v7x
topology: tpu7x:2x2x1
jax: 0.10.2.dev20260603
libtpu: 0.0.44.dev20260713+nightly
codegen_flags: <defaults>
</compile_context>

<pallas_src>
import functools

import jax
import jax.numpy as jnp
from jax import lax
from jax.experimental import pallas as pl
from jax.experimental.pallas import tpu as pltpu
from jax.experimental.pallas import tpu_sc as plsc

N = 10000
N2 = 10240
E = 320000
P = 100000
H = 128
PP = 102400
NC = 2
NS = 16
NW = NC * NS
L = 16
CH = 80
GRP = CH // L
EPT = E // NW
NCH_E = EPT // CH
PPT = PP // NW
NCH_P = PPT // CH
ZR = N2 // NS
ZB = 128
NZB = ZR // ZB

_f32 = jnp.float32
_i32 = jnp.int32


def _mesh():
  return plsc.VectorSubcoreMesh(core_axis_name="c", subcore_axis_name="s",
                                num_cores=NC, num_subcores=NS)


_SC_PARAMS = pltpu.CompilerParams(needs_layout_passes=False)


def _zero_shared(zbuf, shared, s):
  def zrow(i, carry):
    for k in range(H // L):
      zbuf[i, pl.ds(k * L, L)] = jnp.zeros((L,), _f32)
    return carry
  lax.fori_loop(0, ZB, zrow, 0)
  for j in range(NZB):
    pltpu.sync_copy(zbuf, shared.at[pl.ds(s * ZR + j * ZB, ZB)])


def _copy_out(shared, out, c, s):
  for j in range(NZB):
    sl = pl.ds(s * ZR + j * ZB, ZB)
    pltpu.sync_copy(shared.at[sl], out.at[c, sl])


def _scale_rows(rows, wv):
  def erow(e, carry):
    ws = plsc.load_gather(wv, [jnp.full((L,), e, _i32)])
    for k in range(H // L):
      sl = pl.ds(k * L, L)
      rows[e, sl] = rows[e, sl] * ws
    return carry
  lax.fori_loop(0, CH, erow, 0)


def _sc1_body(x_hbm, src_hbm, dst_hbm, w_hbm, out_hbm,
              shared, zbuf, srcv, dstv, wv, rows, sem):
  c = lax.axis_index("c")
  s = lax.axis_index("s")
  base0 = (c * NS + s) * EPT
  _zero_shared(zbuf, shared, s)
  plsc.subcore_barrier()

  def chunk(j, carry):
    base = base0 + j * CH
    pltpu.sync_copy(src_hbm.at[pl.ds(base, CH)], srcv)
    pltpu.sync_copy(dst_hbm.at[pl.ds(base, CH)], dstv)
    pltpu.sync_copy(w_hbm.at[pl.ds(base, CH)], wv)
    pltpu.async_copy(x_hbm.at[srcv], rows, sem).wait()
    _scale_rows(rows, wv)
    pltpu.sync_copy(rows, shared.at[dstv], add=True)
    return carry
  lax.fori_loop(0, NCH_E, chunk, 0)
  plsc.subcore_barrier()
  _copy_out(shared, out_hbm, c, s)


def _sc2_body(ap_hbm, b_hbm, h1_hbm, src_hbm, dst_hbm, w_hbm, we2_hbm, be2_hbm,
              out_hbm, ps_hbm,
              shared, zbuf, srcv, dstv, wv, arows, brows, hrows,
              we2v, be2v, psv, sem):
  c = lax.axis_index("c")
  s = lax.axis_index("s")
  wid = c * NS + s
  base0 = wid * EPT
  pltpu.sync_copy(we2_hbm, we2v)
  pltpu.sync_copy(be2_hbm, be2v)
  _zero_shared(zbuf, shared, s)
  plsc.subcore_barrier()
  iot = lax.iota(_i32, L)
  rows_g = [iot + g * L for g in range(GRP)]
  be2 = be2v[...]

  def chunk(j, psum):
    base = base0 + j * CH
    pltpu.sync_copy(src_hbm.at[pl.ds(base, CH)], srcv)
    pltpu.sync_copy(dst_hbm.at[pl.ds(base, CH)], dstv)
    pltpu.sync_copy(w_hbm.at[pl.ds(base, CH)], wv)
    pltpu.async_copy(ap_hbm.at[srcv], arows, sem).wait()
    pltpu.async_copy(b_hbm.at[dstv], brows, sem).wait()
    pltpu.async_copy(h1_hbm.at[srcv], hrows, sem).wait()

    def kbody(k, accs):
      kf = jnp.full((L,), k, _i32)
      w2 = plsc.load_gather(we2v, [kf])
      return tuple(
          accs[g] + jnp.maximum(
              plsc.load_gather(arows, [rows_g[g], kf])
              + plsc.load_gather(brows, [rows_g[g], kf]), 0.0) * w2
          for g in range(GRP))
    accs = lax.fori_loop(0, H, kbody, (jnp.zeros((L,), _f32),) * GRP)

    for g in range(GRP):
      logit = accs[g] + be2
      prob = 1.0 / (1.0 + jnp.exp(-logit))
      psum = psum + prob
      sl = pl.ds(g * L, L)
      rw = wv[sl] * prob
      rw = jnp.where(jnp.abs(rw) > 0.001, rw, 0.0)
      wv[sl] = rw
    _scale_rows(hrows, wv)
    pltpu.sync_copy(hrows, shared.at[dstv], add=True)
    return psum
  psum = lax.fori_loop(0, NCH_E, chunk, jnp.zeros((L,), _f32))
  psv[...] = psum
  pltpu.sync_copy(psv, ps_hbm.at[pl.ds(wid * L, L)])
  plsc.subcore_barrier()
  _copy_out(shared, out_hbm, c, s)


def _sc3_body(uv_hbm, pu_hbm, pv_hbm, o0_hbm, o1_hbm,
              uvv, puv, pvv, o0v, o1v, sem):
  c = lax.axis_index("c")
  s = lax.axis_index("s")
  base0 = (c * NS + s) * PPT
  pltpu.sync_copy(uv_hbm, uvv)

  def chunk(j, carry):
    base = base0 + j * CH
    pltpu.sync_copy(pu_hbm.at[pl.ds(base, CH)], puv)
    pltpu.sync_copy(pv_hbm.at[pl.ds(base, CH)], pvv)
    for g in range(GRP):
      sl = pl.ds(g * L, L)
      pu4 = puv[sl] * 4
      pv4 = pvv[sl] * 4
      o0v[sl] = (plsc.load_gather(uvv, [pu4])
                 + plsc.load_gather(uvv, [pv4 + 2]))
      o1v[sl] = (plsc.load_gather(uvv, [pu4 + 1])
                 + plsc.load_gather(uvv, [pv4 + 3]))
    pltpu.sync_copy(o0v, o0_hbm.at[pl.ds(base, CH)])
    pltpu.sync_copy(o1v, o1_hbm.at[pl.ds(base, CH)])
    return carry
  lax.fori_loop(0, NCH_P, chunk, 0)


_sc1 = functools.partial(
    pl.kernel,
    out_type=jax.ShapeDtypeStruct((NC, N2, H), _f32),
    mesh=_mesh(),
    compiler_params=_SC_PARAMS,
    scratch_types=[
        pltpu.VMEM_SHARED((N2, H), _f32),
        pltpu.VMEM((ZB, H), _f32),
        pltpu.VMEM((CH,), _i32),
        pltpu.VMEM((CH,), _i32),
        pltpu.VMEM((CH,), _f32),
        pltpu.VMEM((CH, H), _f32),
        pltpu.SemaphoreType.DMA,
    ])(_sc1_body)

_sc2 = functools.partial(
    pl.kernel,
    out_type=(jax.ShapeDtypeStruct((NC, N2, H), _f32),
              jax.ShapeDtypeStruct((NW * L,), _f32)),
    mesh=_mesh(),
    compiler_params=_SC_PARAMS,
    scratch_types=[
        pltpu.VMEM_SHARED((N2, H), _f32),
        pltpu.VMEM((ZB, H), _f32),
        pltpu.VMEM((CH,), _i32),
        pltpu.VMEM((CH,), _i32),
        pltpu.VMEM((CH,), _f32),
        pltpu.VMEM((CH, H), _f32),
        pltpu.VMEM((CH, H), _f32),
        pltpu.VMEM((CH, H), _f32),
        pltpu.VMEM((H,), _f32),
        pltpu.VMEM((L,), _f32),
        pltpu.VMEM((L,), _f32),
        pltpu.SemaphoreType.DMA,
    ])(_sc2_body)

_sc3 = functools.partial(
    pl.kernel,
    out_type=(jax.ShapeDtypeStruct((PP,), _f32),
              jax.ShapeDtypeStruct((PP,), _f32)),
    mesh=_mesh(),
    compiler_params=_SC_PARAMS,
    scratch_types=[
        pltpu.VMEM((N2 * 4,), _f32),
        pltpu.VMEM((CH,), _i32),
        pltpu.VMEM((CH,), _i32),
        pltpu.VMEM((CH,), _f32),
        pltpu.VMEM((CH,), _f32),
        pltpu.SemaphoreType.DMA,
    ])(_sc3_body)


RB = 2048
NRB = N2 // RB


def _tc1_body(x_ref, a_ref, b_ref, w1_ref, b1_ref, wt_ref, wb_ref, be1_ref,
              h1_ref, ap_ref, bm_ref):
  h = x_ref[...] + a_ref[...] + b_ref[...]
  h1 = jnp.maximum(
      jnp.dot(h, w1_ref[...], preferred_element_type=_f32) + b1_ref[...], 0.0)
  h1_ref[...] = h1
  ap_ref[...] = jnp.dot(h1, wt_ref[...], preferred_element_type=_f32) + be1_ref[...]
  bm_ref[...] = jnp.dot(h1, wb_ref[...], preferred_element_type=_f32)


def _tc2_body(h1_ref, a_ref, b_ref, w2_ref, b2_ref, wt_ref, wb_ref, bp_ref,
              ps_ref, uv_ref, l1_ref):
  h1 = h1_ref[...]
  h2 = jnp.maximum(
      jnp.dot(h1 + a_ref[...] + b_ref[...], w2_ref[...],
              preferred_element_type=_f32) + b2_ref[...], 0.0)
  uv_ref[...] = (jnp.dot(h1, wt_ref[...], preferred_element_type=_f32)
                 + jnp.dot(h2, wb_ref[...], preferred_element_type=_f32)
                 + bp_ref[...])

  @pl.when(pl.program_id(0) == 0)
  def _():
    l1_ref[...] = jnp.reshape(jnp.sum(ps_ref[...]) / float(E), (1, 1))


def _row_spec(r, cols):
  return pl.BlockSpec((r, cols), lambda i: (i, 0))


def _full_spec(rows, cols):
  return pl.BlockSpec((rows, cols), lambda i: (0, 0))


def _tc1(x, a0, a1, w1, b1, wt, wb, be1):
  return pl.pallas_call(
      _tc1_body,
      grid=(NRB,),
      in_specs=[_row_spec(RB, H), _row_spec(RB, H), _row_spec(RB, H),
                _full_spec(H, H), _full_spec(1, H),
                _full_spec(H, H), _full_spec(H, H), _full_spec(1, H)],
      out_specs=[_row_spec(RB, H), _row_spec(RB, H), _row_spec(RB, H)],
      out_shape=[jax.ShapeDtypeStruct((N2, H), _f32)] * 3,
  )(x, a0, a1, w1, b1, wt, wb, be1)


def _tc2(h1, a0, a1, w2, b2, wt, wb, bpuv, ps):
  return pl.pallas_call(
      _tc2_body,
      grid=(NRB,),
      in_specs=[_row_spec(RB, H), _row_spec(RB, H), _row_spec(RB, H),
                _full_spec(H, H), _full_spec(1, H),
                _full_spec(H, 4), _full_spec(H, 4), _full_spec(1, 4),
                _full_spec(1, NW * L)],
      out_specs=[_row_spec(RB, 4), _full_spec(1, 1)],
      out_shape=[jax.ShapeDtypeStruct((N2, 4), _f32),
                 jax.ShapeDtypeStruct((1, 1), _f32)],
  )(h1, a0, a1, w2, b2, wt, wb, bpuv, ps)


def kernel(x, edge_index, edge_weight, pred_edge_index,
           W1, b1, We1, be1, We2, be2, W2, b2, Wp, bp):
  src = edge_index[0].astype(_i32)
  dst = edge_index[1].astype(_i32)
  w = edge_weight.astype(_f32)
  pad = PP - P
  pu = jnp.concatenate([pred_edge_index[0].astype(_i32),
                        jnp.zeros((pad,), _i32)])
  pv = jnp.concatenate([pred_edge_index[1].astype(_i32),
                        jnp.zeros((pad,), _i32)])

  x2 = jnp.pad(x, ((0, N2 - N), (0, 0)))
  agg1 = _sc1(x2, src, dst, w)
  h1, ap, bm = _tc1(x2, agg1[0], agg1[1], W1, b1.reshape(1, H),
                    We1[:H], We1[H:], be1.reshape(1, H))
  agg2, ps = _sc2(ap, bm, h1, src, dst, w, We2[:, 0],
                  jnp.full((L,), be2[0], _f32))
  wuvt = jnp.concatenate([Wp[0:H], Wp[2 * H:3 * H]], axis=1)
  wuvb = jnp.concatenate([Wp[H:2 * H], Wp[3 * H:4 * H]], axis=1)
  bpuv = jnp.concatenate([bp, jnp.zeros_like(bp)]).reshape(1, 4)
  uv, l1 = _tc2(h1, agg2[0], agg2[1], W2, b2.reshape(1, H),
                wuvt, wuvb, bpuv, ps.reshape(1, NW * L))
  o0, o1 = _sc3(uv.reshape(N2 * 4), pu, pv)
  edge_logits = jnp.stack([o0[:P], o1[:P]], axis=1)
  return edge_logits, l1[0, 0]

# --- scband reference (transcript-rebuilt; emitter-appended) ---
"""Pipeline reference for scband-three-stage-sgnn-65738769432888 (READ-ONLY COPY).

The authoritative reference and input builder live on the scoring server;
editing this copy changes nothing except your own understanding.
"""

import jax, jax.numpy as jnp
import numpy as np

N = 10000
E = 320000
P = 100000
DIN = 128
H = 128
C = 2
TEMP = 1.0
EDGE_THRESHOLD = 0.001


def setup_inputs(seed: int = 0) -> dict:
    key = jax.random.key(seed)
    ks = jax.random.split(key, 16)
    x = jax.random.normal(ks[0], (N, DIN), dtype=jnp.float32)
    edge_index = jax.random.randint(ks[1], (2, E), 0, N, dtype=jnp.int64)
    edge_weight = jax.random.normal(ks[2], (E,), dtype=jnp.float32)
    pred_edge_index = jax.random.randint(ks[3], (2, P), 0, N, dtype=jnp.int64)
    # encoder1: SGCN layer in->hidden
    W1 = jax.random.normal(ks[4], (DIN, H), dtype=jnp.float32) / np.sqrt(DIN)
    b1 = jnp.zeros((H,), dtype=jnp.float32)
    # learnable edge pruning MLP: [2H] -> H -> 1
    We1 = jax.random.normal(ks[5], (2 * H, H), dtype=jnp.float32) / np.sqrt(2 * H)
    be1 = jnp.zeros((H,), dtype=jnp.float32)
    We2 = jax.random.normal(ks[6], (H, 1), dtype=jnp.float32) / np.sqrt(H)
    be2 = jnp.zeros((1,), dtype=jnp.float32)
    # encoder2: SGCN layer hidden->hidden
    W2 = jax.random.normal(ks[7], (H, H), dtype=jnp.float32) / np.sqrt(H)
    b2 = jnp.zeros((H,), dtype=jnp.float32)
    # edge predictor: concat fusion -> final_dim = 2H; predictor input = 2*final_dim = 4H
    Wp = jax.random.normal(ks[8], (4 * H, C), dtype=jnp.float32) / np.sqrt(4 * H)
    bp = jnp.zeros((C,), dtype=jnp.float32)
    return {
        'x': x, 'edge_index': edge_index, 'edge_weight': edge_weight,
        'pred_edge_index': pred_edge_index,
        'W1': W1, 'b1': b1, 'We1': We1, 'be1': be1, 'We2': We2, 'be2': be2,
        'W2': W2, 'b2': b2, 'Wp': Wp, 'bp': bp,
    }


def _sgcn_encoder(x, edge_index, edge_weight, W, b):
    src = edge_index[0]
    dst = edge_index[1]
    msg = edge_weight[:, None] * jnp.take(x, src, axis=0)
    agg = jax.ops.segment_sum(msg, dst, num_segments=N)
    return jax.nn.relu((x + agg) @ W + b)


def reference(x, edge_index, edge_weight, pred_edge_index,
              W1, b1, We1, be1, We2, be2, W2, b2, Wp, bp):
    # Stage 1: SGCN initial embeddings
    h1 = _sgcn_encoder(x, edge_index, edge_weight, W1, b1)
    # Stage 2: learnable edge pruning (soft gumbel-sigmoid, eval-mode: no noise, hard=False)
    src = edge_index[0]
    dst = edge_index[1]
    e_feat = jnp.concatenate([jnp.take(h1, src, axis=0), jnp.take(h1, dst, axis=0)], axis=1)
    e_hid = jax.nn.relu(e_feat @ We1 + be1)
    e_logit = (e_hid @ We2 + be2)[:, 0]
    edge_probs = jax.nn.sigmoid(e_logit / TEMP)
    l1_reg = jnp.mean(edge_probs)
    # reweight + threshold mask (zeroing is equivalent to dropping edges under scatter-add)
    refined_weight = edge_weight * edge_probs
    refined_weight = jnp.where(jnp.abs(refined_weight) > EDGE_THRESHOLD, refined_weight, 0.0)
    # Stage 3: second SGCN on refined graph
    h2 = _sgcn_encoder(h1, edge_index, refined_weight, W2, b2)
    # fusion = 'concat'
    h_fused = jnp.concatenate([h1, h2], axis=1)
    # edge predictor on pred_edge_index
    pu = pred_edge_index[0]
    pv = pred_edge_index[1]
    z = jnp.concatenate([jnp.take(h_fused, pu, axis=0), jnp.take(h_fused, pv, axis=0)], axis=1)
    edge_logits = z @ Wp + bp
    return edge_logits, l1_reg

if __name__ == "__main__":
    import jax
    _d = setup_inputs()
    print(jax.jit(kernel)(*tuple(_d.values())))

</pallas_src>

<mosaic_0001>
#map = affine_map<(d0, d1) -> (0, 0)>
#map1 = affine_map<(d0, d1) -> (0)>
#map2 = affine_map<(d0, d1) -> (0, 0, 0)>
module attributes {stable_mosaic.version = 14 : i64} {
  func.func @_sc1_body(%arg0: i32, %arg1: i32, %arg2: memref<10240x128xf32, #tpu.memory_space<hbm>>, %arg3: memref<320000xi32, #tpu.memory_space<hbm>>, %arg4: memref<320000xi32, #tpu.memory_space<hbm>>, %arg5: memref<320000xf32, #tpu.memory_space<hbm>>, %arg6: memref<2x10240x128xf32, #tpu.memory_space<hbm>>, %arg7: memref<10240x128xf32, #tpu.memory_space<vmem_shared>>, %arg8: memref<128x128xf32, #tpu.memory_space<vmem>>, %arg9: memref<80xi32, #tpu.memory_space<vmem>>, %arg10: memref<80xi32, #tpu.memory_space<vmem>>, %arg11: memref<80xf32, #tpu.memory_space<vmem>>, %arg12: memref<80x128xf32, #tpu.memory_space<vmem>>, %arg13: memref<!tpu.dma_semaphore, #tpu.memory_space<semaphore_mem>>) attributes {dimension_semantics = [#tpu.dimension_semantics<core_parallel>, #tpu.dimension_semantics<subcore_parallel>], iteration_bounds = array<i64: 2, 16>, scalar_prefetch = 0 : i64, scratch_operands = 7 : i64, tpu.core_type = #tpu.core_type<sc_vector_subcore>, window_params = [{transform_indices = #map}, {transform_indices = #map1}, {transform_indices = #map1}, {transform_indices = #map1}, {transform_indices = #map2}]} {
    %mul3A = arith.constant 16 : i32
    %mul3A_0 = arith.muli %arg0, %mul3A : i32
    %add3A = arith.addi %mul3A_0, %arg1 : i32
    %mul3A_1 = arith.constant 10000 : i32
    %mul3A_2 = arith.muli %add3A, %mul3A_1 : i32
    %scan3A = arith.constant 0 : i32
    %scan3A_3 = arith.constant 0 : i32
    %scan3A_4 = arith.constant 128 : i32
    %scan3A_5 = arith.addi %scan3A_3, %scan3A_4 : i32
    %scan3A_6 = arith.constant 1 : i32
    scf.for %scan3A_55 = %scan3A_3 to %scan3A_5 step %scan3A_6  : i32 {
      %broadcast_in_dim3A = arith.constant 0.000000e+00 : f32
      %broadcast_in_dim3A_56 = vector.broadcast %broadcast_in_dim3A : f32 to vector<16xf32>
      %swap3A = arith.index_cast %scan3A_55 : i32 to index
      %swap3A_57 = arith.constant 0 : index
      %swap3A_58 = tpu.vector_load %arg8[%swap3A, %swap3A_57] {strides = array<i32>} : memref<128x128xf32, #tpu.memory_space<vmem>>, vector<16xf32>,
      tpu.vector_store %arg8[%swap3A, %swap3A_57], %broadcast_in_dim3A_56 {strides = array<i32>} : memref<128x128xf32, #tpu.memory_space<vmem>>, vector<16xf32>,
      %broadcast_in_dim3A_59 = arith.constant 0.000000e+00 : f32
      %broadcast_in_dim3A_60 = vector.broadcast %broadcast_in_dim3A_59 : f32 to vector<16xf32>
      %swap3A_61 = arith.index_cast %scan3A_55 : i32 to index
      %swap3A_62 = arith.constant 16 : index
      %swap3A_63 = tpu.vector_load %arg8[%swap3A_61, %swap3A_62] {strides = array<i32>} : memref<128x128xf32, #tpu.memory_space<vmem>>, vector<16xf32>,
      tpu.vector_store %arg8[%swap3A_61, %swap3A_62], %broadcast_in_dim3A_60 {strides = array<i32>} : memref<128x128xf32, #tpu.memory_space<vmem>>, vector<16xf32>,
      %broadcast_in_dim3A_64 = arith.constant 0.000000e+00 : f32
      %broadcast_in_dim3A_65 = vector.broadcast %broadcast_in_dim3A_64 : f32 to vector<16xf32>
      %swap3A_66 = arith.index_cast %scan3A_55 : i32 to index
      %swap3A_67 = arith.constant 32 : index
      %swap3A_68 = tpu.vector_load %arg8[%swap3A_66, %swap3A_67] {strides = array<i32>} : memref<128x128xf32, #tpu.memory_space<vmem>>, vector<16xf32>,
      tpu.vector_store %arg8[%swap3A_66, %swap3A_67], %broadcast_in_dim3A_65 {strides = array<i32>} : memref<128x128xf32, #tpu.memory_space<vmem>>, vector<16xf32>,
      %broadcast_in_dim3A_69 = arith.constant 0.000000e+00 : f32
      %broadcast_in_dim3A_70 = vector.broadcast %broadcast_in_dim3A_69 : f32 to vector<16xf32>
      %swap3A_71 = arith.index_cast %scan3A_55 : i32 to index
      %swap3A_72 = arith.constant 48 : index
      %swap3A_73 = tpu.vector_load %arg8[%swap3A_71, %swap3A_72] {strides = array<i32>} : memref<128x128xf32, #tpu.memory_space<vmem>>, vector<16xf32>,
      tpu.vector_store %arg8[%swap3A_71, %swap3A_72], %broadcast_in_dim3A_70 {strides = array<i32>} : memref<128x128xf32, #tpu.memory_space<vmem>>, vector<16xf32>,
      %broadcast_in_dim3A_74 = arith.constant 0.000000e+00 : f32
      %broadcast_in_dim3A_75 = vector.broadcast %broadcast_in_dim3A_74 : f32 to vector<16xf32>
      %swap3A_76 = arith.index_cast %scan3A_55 : i32 to index
      %swap3A_77 = arith.constant 64 : index
      %swap3A_78 = tpu.vector_load %arg8[%swap3A_76, %swap3A_77] {strides = array<i32>} : memref<128x128xf32, #tpu.memory_space<vmem>>, vector<16xf32>,
      tpu.vector_store %arg8[%swap3A_76, %swap3A_77], %broadcast_in_dim3A_75 {strides = array<i32>} : memref<128x128xf32, #tpu.memory_space<vmem>>, vector<16xf32>,
      %broadcast_in_dim3A_79 = arith.constant 0.000000e+00 : f32
      %broadcast_in_dim3A_80 = vector.broadcast %broadcast_in_dim3A_79 : f32 to vector<16xf32>
      %swap3A_81 = arith.index_cast %scan3A_55 : i32 to index
      %swap3A_82 = arith.constant 80 : index
      %swap3A_83 = tpu.vector_load %arg8[%swap3A_81, %swap3A_82] {strides = array<i32>} : memref<128x128xf32, #tpu.memory_space<vmem>>, vector<16xf32>,
      tpu.vector_store %arg8[%swap3A_81, %swap3A_82], %broadcast_in_dim3A_80 {strides = array<i32>} : memref<128x128xf32, #tpu.memory_space<vmem>>, vector<16xf32>,
      %broadcast_in_dim3A_84 = arith.constant 0.000000e+00 : f32
      %broadcast_in_dim3A_85 = vector.broadcast %broadcast_in_dim3A_84 : f32 to vector<16xf32>
      %swap3A_86 = arith.index_cast %scan3A_55 : i32 to index
      %swap3A_87 = arith.constant 96 : index
      %swap3A_88 = tpu.vector_load %arg8[%swap3A_86, %swap3A_87] {strides = array<i32>} : memref<128x128xf32, #tpu.memory_space<vmem>>, vector<16xf32>,
      tpu.vector_store %arg8[%swap3A_86, %swap3A_87], %broadcast_in_dim3A_85 {strides = array<i32>} : memref<128x128xf32, #tpu.memory_space<vmem>>, vector<16xf32>,
      %broadcast_in_dim3A_89 = arith.constant 0.000000e+00 : f32
      %broadcast_in_dim3A_90 = vector.broadcast %broadcast_in_dim3A_89 : f32 to vector<16xf32>
      %swap3A_91 = arith.index_cast %scan3A_55 : i32 to index
      %swap3A_92 = arith.constant 112 : index
      %swap3A_93 = tpu.vector_load %arg8[%swap3A_91, %swap3A_92] {strides = array<i32>} : memref<128x128xf32, #tpu.memory_space<vmem>>, vector<16xf32>,
      tpu.vector_store %arg8[%swap3A_91, %swap3A_92], %broadcast_in_dim3A_90 {strides = array<i32>} : memref<128x128xf32, #tpu.memory_space<vmem>>, vector<16xf32>,
    }
    %scan3A_7 = arith.constant 128 : i32
    %mul3A_8 = arith.constant 640 : i32
    %mul3A_9 = arith.muli %arg1, %mul3A_8 : i32
    %add3A_10 = arith.constant 0 : i32
    %add3A_11 = arith.addi %mul3A_9, %add3A_10 : i32
    "tpu.region"() ({
      %run_scoped3A = tpu.sem_alloc : memref<!tpu.dma_semaphore, #tpu.memory_space<semaphore_mem>>
      %dma_start3A = arith.constant 0 : i32
      %dma_start3A_55 = tpu.memref_slice %arg7[%add3A_11, %dma_start3A] : memref<10240x128xf32, #tpu.memory_space<vmem_shared>> -> memref<128x128xf32, #tpu.memory_space<vmem_shared>>
      %dma_start3A_56 = arith.constant 0 : i32
      %dma_start3A_57 = tpu.memref_slice %arg7[%add3A_11, %dma_start3A_56] : memref<10240x128xf32, #tpu.memory_space<vmem_shared>> -> memref<128x128xf32, #tpu.memory_space<vmem_shared>>
      tpu.enqueue_dma source(%arg8 : memref<128x128xf32, #tpu.memory_space<vmem>>) target(%dma_start3A_57 : memref<128x128xf32, #tpu.memory_space<vmem_shared>>) target_semaphore(%run_scoped3A : memref<!tpu.dma_semaphore, #tpu.memory_space<semaphore_mem>>)
      %dma_wait3A = arith.constant 0 : i32
      %dma_wait3A_58 = tpu.memref_slice %arg7[%add3A_11, %dma_wait3A] : memref<10240x128xf32, #tpu.memory_space<vmem_shared>> -> memref<128x128xf32, #tpu.memory_space<vmem_shared>>
      %dma_wait3A_59 = arith.constant 0 : i32
      %dma_wait3A_60 = tpu.memref_slice %arg7[%add3A_11, %dma_wait3A_59] : memref<10240x128xf32, #tpu.memory_space<vmem_shared>> -> memref<128x128xf32, #tpu.memory_space<vmem_shared>>
      tpu.wait_dma2 semaphore(%run_scoped3A : memref<!tpu.dma_semaphore, #tpu.memory_space<semaphore_mem>>) src(%arg8 : memref<128x128xf32, #tpu.memory_space<vmem>>) dst(%dma_wait3A_60 : memref<128x128xf32, #tpu.memory_space<vmem_shared>>)
      tpu.yield
    }) : () -> ()
    %mul3A_12 = arith.constant 640 : i32
    %mul3A_13 = arith.muli %arg1, %mul3A_12 : i32
    %add3A_14 = arith.constant 128 : i32
    %add3A_15 = arith.addi %mul3A_13, %add3A_14 : i32
    "tpu.region"() ({
      %run_scoped3A = tpu.sem_alloc : memref<!tpu.dma_semaphore, #tpu.memory_space<semaphore_mem>>
      %dma_start3A = arith.constant 0 : i32
      %dma_start3A_55 = tpu.memref_slice %arg7[%add3A_15, %dma_start3A] : memref<10240x128xf32, #tpu.memory_space<vmem_shared>> -> memref<128x128xf32, #tpu.memory_space<vmem_shared>>
      %dma_start3A_56 = arith.constant 0 : i32
      %dma_start3A_57 = tpu.memref_slice %arg7[%add3A_15, %dma_start3A_56] : memref<10240x128xf32, #tpu.memory_space<vmem_shared>> -> memref<128x128xf32, #tpu.memory_space<vmem_shared>>
      tpu.enqueue_dma source(%arg8 : memref<128x128xf32, #tpu.memory_space<vmem>>) target(%dma_start3A_57 : memref<128x128xf32, #tpu.memory_space<vmem_shared>>) target_semaphore(%run_scoped3A : memref<!tpu.dma_semaphore, #tpu.memory_space<semaphore_mem>>)
      %dma_wait3A = arith.constant 0 : i32
      %dma_wait3A_58 = tpu.memref_slice %arg7[%add3A_15, %dma_wait3A] : memref<10240x128xf32, #tpu.memory_space<vmem_shared>> -> memref<128x128xf32, #tpu.memory_space<vmem_shared>>
      %dma_wait3A_59 = arith.constant 0 : i32
      %dma_wait3A_60 = tpu.memref_slice %arg7[%add3A_15, %dma_wait3A_59] : memref<10240x128xf32, #tpu.memory_space<vmem_shared>> -> memref<128x128xf32, #tpu.memory_space<vmem_shared>>
      tpu.wait_dma2 semaphore(%run_scoped3A : memref<!tpu.dma_semaphore, #tpu.memory_space<semaphore_mem>>) src(%arg8 : memref<128x128xf32, #tpu.memory_space<vmem>>) dst(%dma_wait3A_60 : memref<128x128xf32, #tpu.memory_space<vmem_shared>>)
      tpu.yield
    }) : () -> ()
    %mul3A_16 = arith.constant 640 : i32
    %mul3A_17 = arith.muli %arg1, %mul3A_16 : i32
    %add3A_18 = arith.constant 256 : i32
    %add3A_19 = arith.addi %mul3A_17, %add3A_18 : i32
    "tpu.region"() ({
      %run_scoped3A = tpu.sem_alloc : memref<!tpu.dma_semaphore, #tpu.memory_space<semaphore_mem>>
      %dma_start3A = arith.constant 0 : i32
      %dma_start3A_55 = tpu.memref_slice %arg7[%add3A_19, %dma_start3A] : memref<10240x128xf32, #tpu.memory_space<vmem_shared>> -> memref<128x128xf32, #tpu.memory_space<vmem_shared>>
      %dma_start3A_56 = arith.constant 0 : i32
      %dma_start3A_57 = tpu.memref_slice %arg7[%add3A_19, %dma_start3A_56] : memref<10240x128xf32, #tpu.memory_space<vmem_shared>> -> memref<128x128xf32, #tpu.memory_space<vmem_shared>>
      tpu.enqueue_dma source(%arg8 : memref<128x128xf32, #tpu.memory_space<vmem>>) target(%dma_start3A_57 : memref<128x128xf32, #tpu.memory_space<vmem_shared>>) target_semaphore(%run_scoped3A : memref<!tpu.dma_semaphore, #tpu.memory_space<semaphore_mem>>)
      %dma_wait3A = arith.constant 0 : i32
      %dma_wait3A_58 = tpu.memref_slice %arg7[%add3A_19, %dma_wait3A] : memref<10240x128xf32, #tpu.memory_space<vmem_shared>> -> memref<128x128xf32, #tpu.memory_space<vmem_shared>>
      %dma_wait3A_59 = arith.constant 0 : i32
      %dma_wait3A_60 = tpu.memref_slice %arg7[%add3A_19, %dma_wait3A_59] : memref<10240x128xf32, #tpu.memory_space<vmem_shared>> -> memref<128x128xf32, #tpu.memory_space<vmem_shared>>
      tpu.wait_dma2 semaphore(%run_scoped3A : memref<!tpu.dma_semaphore, #tpu.memory_space<semaphore_mem>>) src(%arg8 : memref<128x128xf32, #tpu.memory_space<vmem>>) dst(%dma_wait3A_60 : memref<128x128xf32, #tpu.memory_space<vmem_shared>>)
      tpu.yield
    }) : () -> ()
    %mul3A_20 = arith.constant 640 : i32
    %mul3A_21 = arith.muli %arg1, %mul3A_20 : i32
    %add3A_22 = arith.constant 384 : i32
    %add3A_23 = arith.addi %mul3A_21, %add3A_22 : i32
    "tpu.region"() ({
      %run_scoped3A = tpu.sem_alloc : memref<!tpu.dma_semaphore, #tpu.memory_space<semaphore_mem>>
      %dma_start3A = arith.constant 0 : i32
      %dma_start3A_55 = tpu.memref_slice %arg7[%add3A_23, %dma_start3A] : memref<10240x128xf32, #tpu.memory_space<vmem_shared>> -> memref<128x128xf32, #tpu.memory_space<vmem_shared>>
      %dma_start3A_56 = arith.constant 0 : i32
      %dma_start3A_57 = tpu.memref_slice %arg7[%add3A_23, %dma_start3A_56] : memref<10240x128xf32, #tpu.memory_space<vmem_shared>> -> memref<128x128xf32, #tpu.memory_space<vmem_shared>>
      tpu.enqueue_dma source(%arg8 : memref<128x128xf32, #tpu.memory_space<vmem>>) target(%dma_start3A_57 : memref<128x128xf32, #tpu.memory_space<vmem_shared>>) target_semaphore(%run_scoped3A : memref<!tpu.dma_semaphore, #tpu.memory_space<semaphore_mem>>)
      %dma_wait3A = arith.constant 0 : i32
      %dma_wait3A_58 = tpu.memref_slice %arg7[%add3A_23, %dma_wait3A] : memref<10240x128xf32, #tpu.memory_space<vmem_shared>> -> memref<128x128xf32, #tpu.memory_space<vmem_shared>>
      %dma_wait3A_59 = arith.constant 0 : i32
      %dma_wait3A_60 = tpu.memref_slice %arg7[%add3A_23, %dma_wait3A_59] : memref<10240x128xf32, #tpu.memory_space<vmem_shared>> -> memref<128x128xf32, #tpu.memory_space<vmem_shared>>
      tpu.wait_dma2 semaphore(%run_scoped3A : memref<!tpu.dma_semaphore, #tpu.memory_space<semaphore_mem>>) src(%arg8 : memref<128x128xf32, #tpu.memory_space<vmem>>) dst(%dma_wait3A_60 : memref<128x128xf32, #tpu.memory_space<vmem_shared>>)
      tpu.yield
    }) : () -> ()
    %mul3A_24 = arith.constant 640 : i32
    %mul3A_25 = arith.muli %arg1, %mul3A_24 : i32
    %add3A_26 = arith.constant 512 : i32
    %add3A_27 = arith.addi %mul3A_25, %add3A_26 : i32
    "tpu.region"() ({
      %run_scoped3A = tpu.sem_alloc : memref<!tpu.dma_semaphore, #tpu.memory_space<semaphore_mem>>
      %dma_start3A = arith.constant 0 : i32
      %dma_start3A_55 = tpu.memref_slice %arg7[%add3A_27, %dma_start3A] : memref<10240x128xf32, #tpu.memory_space<vmem_shared>> -> memref<128x128xf32, #tpu.memory_space<vmem_shared>>
      %dma_start3A_56 = arith.constant 0 : i32
      %dma_start3A_57 = tpu.memref_slice %arg7[%add3A_27, %dma_start3A_56] : memref<10240x128xf32, #tpu.memory_space<vmem_shared>> -> memref<128x128xf32, #tpu.memory_space<vmem_shared>>
      tpu.enqueue_dma source(%arg8 : memref<128x128xf32, #tpu.memory_space<vmem>>) target(%dma_start3A_57 : memref<128x128xf32, #tpu.memory_space<vmem_shared>>) target_semaphore(%run_scoped3A : memref<!tpu.dma_semaphore, #tpu.memory_space<semaphore_mem>>)
      %dma_wait3A = arith.constant 0 : i32
      %dma_wait3A_58 = tpu.memref_slice %arg7[%add3A_27, %dma_wait3A] : memref<10240x128xf32, #tpu.memory_space<vmem_shared>> -> memref<128x128xf32, #tpu.memory_space<vmem_shared>>
      %dma_wait3A_59 = arith.constant 0 : i32
      %dma_wait3A_60 = tpu.memref_slice %arg7[%add3A_27, %dma_wait3A_59] : memref<10240x128xf32, #tpu.memory_space<vmem_shared>> -> memref<128x128xf32, #tpu.memory_space<vmem_shared>>
      tpu.wait_dma2 semaphore(%run_scoped3A : memref<!tpu.dma_semaphore, #tpu.memory_space<semaphore_mem>>) src(%arg8 : memref<128x128xf32, #tpu.memory_space<vmem>>) dst(%dma_wait3A_60 : memref<128x128xf32, #tpu.memory_space<vmem_shared>>)
      tpu.yield
    }) : () -> ()
    %barrier3A = arith.constant 0 : index
    tpu.barrier barrier_id(%barrier3A)
    %scan3A_28 = arith.constant 0 : i32
    %scan3A_29 = arith.constant 0 : i32
    %scan3A_30 = arith.constant 125 : i32
    %scan3A_31 = arith.addi %scan3A_29, %scan3A_30 : i32
    %scan3A_32 = arith.constant 1 : i32
    scf.for %scan3A_55 = %scan3A_29 to %scan3A_31 step %scan3A_32  : i32 {
      %mul3A_56 = arith.constant 80 : i32
      %mul3A_57 = arith.muli %scan3A_55, %mul3A_56 : i32
      %add3A_58 = arith.addi %mul3A_2, %mul3A_57 : i32
      "tpu.region"() ({
        %run_scoped3A = tpu.sem_alloc : memref<!tpu.dma_semaphore, #tpu.memory_space<semaphore_mem>>
        %dma_start3A_69 = tpu.memref_slice %arg3[%add3A_58] : memref<320000xi32, #tpu.memory_space<hbm>> -> memref<80xi32, #tpu.memory_space<hbm>>
        %dma_start3A_70 = tpu.memref_slice %arg3[%add3A_58] : memref<320000xi32, #tpu.memory_space<hbm>> -> memref<80xi32, #tpu.memory_space<hbm>>
        tpu.enqueue_dma source(%dma_start3A_70 : memref<80xi32, #tpu.memory_space<hbm>>) target(%arg9 : memref<80xi32, #tpu.memory_space<vmem>>) target_semaphore(%run_scoped3A : memref<!tpu.dma_semaphore, #tpu.memory_space<semaphore_mem>>)
        %dma_wait3A_71 = tpu.memref_slice %arg3[%add3A_58] : memref<320000xi32, #tpu.memory_space<hbm>> -> memref<80xi32, #tpu.memory_space<hbm>>
        %dma_wait3A_72 = tpu.memref_slice %arg3[%add3A_58] : memref<320000xi32, #tpu.memory_space<hbm>> -> memref<80xi32, #tpu.memory_space<hbm>>
        tpu.wait_dma2 semaphore(%run_scoped3A : memref<!tpu.dma_semaphore, #tpu.memory_space<semaphore_mem>>) src(%dma_wait3A_72 : memref<80xi32, #tpu.memory_space<hbm>>) dst(%arg9 : memref<80xi32, #tpu.memory_space<vmem>>)
        tpu.yield
      }) : () -> ()
      "tpu.region"() ({
        %run_scoped3A = tpu.sem_alloc : memref<!tpu.dma_semaphore, #tpu.memory_space<semaphore_mem>>
        %dma_start3A_69 = tpu.memref_slice %arg4[%add3A_58] : memref<320000xi32, #tpu.memory_space<hbm>> -> memref<80xi32, #tpu.memory_space<hbm>>
        %dma_start3A_70 = tpu.memref_slice %arg4[%add3A_58] : memref<320000xi32, #tpu.memory_space<hbm>> -> memref<80xi32, #tpu.memory_space<hbm>>
        tpu.enqueue_dma source(%dma_start3A_70 : memref<80xi32, #tpu.memory_space<hbm>>) target(%arg10 : memref<80xi32, #tpu.memory_space<vmem>>) target_semaphore(%run_scoped3A : memref<!tpu.dma_semaphore, #tpu.memory_space<semaphore_mem>>)
        %dma_wait3A_71 = tpu.memref_slice %arg4[%add3A_58] : memref<320000xi32, #tpu.memory_space<hbm>> -> memref<80xi32, #tpu.memory_space<hbm>>
        %dma_wait3A_72 = tpu.memref_slice %arg4[%add3A_58] : memref<320000xi32, #tpu.memory_space<hbm>> -> memref<80xi32, #tpu.memory_space<hbm>>
        tpu.wait_dma2 semaphore(%run_scoped3A : memref<!tpu.dma_semaphore, #tpu.memory_space<semaphore_mem>>) src(%dma_wait3A_72 : memref<80xi32, #tpu.memory_space<hbm>>) dst(%arg10 : memref<80xi32, #tpu.memory_space<vmem>>)
        tpu.yield
      }) : () -> ()
      "tpu.region"() ({
        %run_scoped3A = tpu.sem_alloc : memref<!tpu.dma_semaphore, #tpu.memory_space<semaphore_mem>>
        %dma_start3A_69 = tpu.memref_slice %arg5[%add3A_58] : memref<320000xf32, #tpu.memory_space<hbm>> -> memref<80xf32, #tpu.memory_space<hbm>>
        %dma_start3A_70 = tpu.memref_slice %arg5[%add3A_58] : memref<320000xf32, #tpu.memory_space<hbm>> -> memref<80xf32, #tpu.memory_space<hbm>>
        tpu.enqueue_dma source(%dma_start3A_70 : memref<80xf32, #tpu.memory_space<hbm>>) target(%arg11 : memref<80xf32, #tpu.memory_space<vmem>>) target_semaphore(%run_scoped3A : memref<!tpu.dma_semaphore, #tpu.memory_space<semaphore_mem>>)
        %dma_wait3A_71 = tpu.memref_slice %arg5[%add3A_58] : memref<320000xf32, #tpu.memory_space<hbm>> -> memref<80xf32, #tpu.memory_space<hbm>>
        %dma_wait3A_72 = tpu.memref_slice %arg5[%add3A_58] : memref<320000xf32, #tpu.memory_space<hbm>> -> memref<80xf32, #tpu.memory_space<hbm>>
        tpu.wait_dma2 semaphore(%run_scoped3A : memref<!tpu.dma_semaphore, #tpu.memory_space<semaphore_mem>>) src(%dma_wait3A_72 : memref<80xf32, #tpu.memory_space<hbm>>) dst(%arg11 : memref<80xf32, #tpu.memory_space<vmem>>)
        tpu.yield
      }) : () -> ()
      %dma_start3A = arith.constant 0 : i32
      %dma_start3A_59 = arith.constant 0 : i32
      %dma_start3A_60 = tpu.memref_slice %arg2[%dma_start3A, %dma_start3A_59] : memref<10240x128xf32, #tpu.memory_space<hbm>> -> memref<10240x128xf32, #tpu.memory_space<hbm>>
      tpu.enqueue_indirect_dma source(%dma_start3A_60 : memref<10240x128xf32, #tpu.memory_space<hbm>>) target(%arg12 : memref<80x128xf32, #tpu.memory_space<vmem>>) offsets(%arg9 : memref<80xi32, #tpu.memory_space<vmem>>) semaphore(%arg13 : memref<!tpu.dma_semaphore, #tpu.memory_space<semaphore_mem>>)
      %dma_wait3A = arith.constant 0 : i32
      %dma_wait3A_61 = arith.constant 0 : i32
      %dma_wait3A_62 = tpu.memref_slice %arg2[%dma_wait3A, %dma_wait3A_61] : memref<10240x128xf32, #tpu.memory_space<hbm>> -> memref<10240x128xf32, #tpu.memory_space<hbm>>
      tpu.wait_indirect_dma semaphore(%arg13 : memref<!tpu.dma_semaphore, #tpu.memory_space<semaphore_mem>>) src(%dma_wait3A_62 : memref<10240x128xf32, #tpu.memory_space<hbm>>) dst(%arg12 : memref<80x128xf32, #tpu.memory_space<vmem>>)
      %scan3A_63 = arith.constant 0 : i32
      %scan3A_64 = arith.constant 0 : i32
      %scan3A_65 = arith.constant 80 : i32
      %scan3A_66 = arith.addi %scan3A_64, %scan3A_65 : i32
      %scan3A_67 = arith.constant 1 : i32
      scf.for %scan3A_69 = %scan3A_64 to %scan3A_66 step %scan3A_67  : i32 {
        %broadcast_in_dim3A = vector.broadcast %scan3A_69 : i32 to vector<16xi32>
        %gather3A = tpu.vector_load_idx %arg11[%broadcast_in_dim3A] : memref<80xf32, #tpu.memory_space<vmem>>[vector<16xi32>], vector<16xf32>,
        %get3A = arith.index_cast %scan3A_69 : i32 to index
        %get3A_70 = arith.constant 0 : index
        %get3A_71 = tpu.vector_load %arg12[%get3A, %get3A_70] {strides = array<i32>} : memref<80x128xf32, #tpu.memory_space<vmem>>, vector<16xf32>,
        %mul3A_72 = arith.mulf %get3A_71, %gather3A : vector<16xf32>
        %swap3A = arith.index_cast %scan3A_69 : i32 to index
        %swap3A_73 = arith.constant 0 : index
        %swap3A_74 = tpu.vector_load %arg12[%swap3A, %swap3A_73] {strides = array<i32>} : memref<80x128xf32, #tpu.memory_space<vmem>>, vector<16xf32>,
        tpu.vector_store %arg12[%swap3A, %swap3A_73], %mul3A_72 {strides = array<i32>} : memref<80x128xf32, #tpu.memory_space<vmem>>, vector<16xf32>,
        %get3A_75 = arith.index_cast %scan3A_69 : i32 to index
        %get3A_76 = arith.constant 16 : index
        %get3A_77 = tpu.vector_load %arg12[%get3A_75, %get3A_76] {strides = array<i32>} : memref<80x128xf32, #tpu.memory_space<vmem>>, vector<16xf32>,
        %mul3A_78 = arith.mulf %get3A_77, %gather3A : vector<16xf32>
        %swap3A_79 = arith.index_cast %scan3A_69 : i32 to index
        %swap3A_80 = arith.constant 16 : index
        %swap3A_81 = tpu.vector_load %arg12[%swap3A_79, %swap3A_80] {strides = array<i32>} : memref<80x128xf32, #tpu.memory_space<vmem>>, vector<16xf32>,
        tpu.vector_store %arg12[%swap3A_79, %swap3A_80], %mul3A_78 {strides = array<i32>} : memref<80x128xf32, #tpu.memory_space<vmem>>, vector<16xf32>,
        %get3A_82 = arith.index_cast %scan3A_69 : i32 to index
        %get3A_83 = arith.constant 32 : index
        %get3A_84 = tpu.vector_load %arg12[%get3A_82, %get3A_83] {strides = array<i32>} : memref<80x128xf32, #tpu.memory_space<vmem>>, vector<16xf32>,
        %mul3A_85 = arith.mulf %get3A_84, %gather3A : vector<16xf32>
        %swap3A_86 = arith.index_cast %scan3A_69 : i32 to index
        %swap3A_87 = arith.constant 32 : index
        %swap3A_88 = tpu.vector_load %arg12[%swap3A_86, %swap3A_87] {strides = array<i32>} : memref<80x128xf32, #tpu.memory_space<vmem>>, vector<16xf32>,
        tpu.vector_store %arg12[%swap3A_86, %swap3A_87], %mul3A_85 {strides = array<i32>} : memref<80x128xf32, #tpu.memory_space<vmem>>, vector<16xf32>,
        %get3A_89 = arith.index_cast %scan3A_69 : i32 to index
        %get3A_90 = arith.constant 48 : index
        %get3A_91 = tpu.vector_load %arg12[%get3A_89, %get3A_90] {strides = array<i32>} : memref<80x128xf32, #tpu.memory_space<vmem>>, vector<16xf32>,
        %mul3A_92 = arith.mulf %get3A_91, %gather3A : vector<16xf32>
        %swap3A_93 = arith.index_cast %scan3A_69 : i32 to index
        %swap3A_94 = arith.constant 48 : index
        %swap3A_95 = tpu.vector_load %arg12[%swap3A_93, %swap3A_94] {strides = array<i32>} : memref<80x128xf32, #tpu.memory_space<vmem>>, vector<16xf32>,
        tpu.vector_store %arg12[%swap3A_93, %swap3A_94], %mul3A_92 {strides = array<i32>} : memref<80x128xf32, #tpu.memory_space<vmem>>, vector<16xf32>,
        %get3A_96 = arith.index_cast %scan3A_69 : i32 to index
        %get3A_97 = arith.constant 64 : index
        %get3A_98 = tpu.vector_load %arg12[%get3A_96, %get3A_97] {strides = array<i32>} : memref<80x128xf32, #tpu.memory_space<vmem>>, vector<16xf32>,
        %mul3A_99 = arith.mulf %get3A_98, %gather3A : vector<16xf32>
        %swap3A_100 = arith.index_cast %scan3A_69 : i32 to index
        %swap3A_101 = arith.constant 64 : index
        %swap3A_102 = tpu.vector_load %arg12[%swap3A_100, %swap3A_101] {strides = array<i32>} : memref<80x128xf32, #tpu.memory_space<vmem>>, vector<16xf32>,
        tpu.vector_store %arg12[%swap3A_100, %swap3A_101], %mul3A_99 {strides = array<i32>} : memref<80x128xf32, #tpu.memory_space<vmem>>, vector<16xf32>,
        %get3A_103 = arith.index_cast %scan3A_69 : i32 to index
        %get3A_104 = arith.constant 80 : index
        %get3A_105 = tpu.vector_load %arg12[%get3A_103, %get3A_104] {strides = array<i32>} : memref<80x128xf32, #tpu.memory_space<vmem>>, vector<16xf32>,
        %mul3A_106 = arith.mulf %get3A_105, %gather3A : vector<16xf32>
        %swap3A_107 = arith.index_cast %scan3A_69 : i32 to index
        %swap3A_108 = arith.constant 80 : index
        %swap3A_109 = tpu.vector_load %arg12[%swap3A_107, %swap3A_108] {strides = array<i32>} : memref<80x128xf32, #tpu.memory_space<vmem>>, vector<16xf32>,
        tpu.vector_store %arg12[%swap3A_107, %swap3A_108], %mul3A_106 {strides = array<i32>} : memref<80x128xf32, #tpu.memory_space<vmem>>, vector<16xf32>,
        %get3A_110 = arith.index_cast %scan3A_69 : i32 to index
        %get3A_111 = arith.constant 96 : index
        %get3A_112 = tpu.vector_load %arg12[%get3A_110, %get3A_111] {strides = array<i32>} : memref<80x128xf32, #tpu.memory_space<vmem>>, vector<16xf32>,
        %mul3A_113 = arith.mulf %get3A_112, %gather3A : vector<16xf32>
        %swap3A_114 = arith.index_cast %scan3A_69 : i32 to index
        %swap3A_115 = arith.constant 96 : index
        %swap3A_116 = tpu.vector_load %arg12[%swap3A_114, %swap3A_115] {strides = array<i32>} : memref<80x128xf32, #tpu.memory_space<vmem>>, vector<16xf32>,
        tpu.vector_store %arg12[%swap3A_114, %swap3A_115], %mul3A_113 {strides = array<i32>} : memref<80x128xf32, #tpu.memory_space<vmem>>, vector<16xf32>,
        %get3A_117 = arith.index_cast %scan3A_69 : i32 to index
        %get3A_118 = arith.constant 112 : index
        %get3A_119 = tpu.vector_load %arg12[%get3A_117, %get3A_118] {strides = array<i32>} : memref<80x128xf32, #tpu.memory_space<vmem>>, vector<16xf32>,
        %mul3A_120 = arith.mulf %get3A_119, %gather3A : vector<16xf32>
        %swap3A_121 = arith.index_cast %scan3A_69 : i32 to index
        %swap3A_122 = arith.constant 112 : index
        %swap3A_123 = tpu.vector_load %arg12[%swap3A_121, %swap3A_122] {strides = array<i32>} : memref<80x128xf32, #tpu.memory_space<vmem>>, vector<16xf32>,
        tpu.vector_store %arg12[%swap3A_121, %swap3A_122], %mul3A_120 {strides = array<i32>} : memref<80x128xf32, #tpu.memory_space<vmem>>, vector<16xf32>,
      }
      %scan3A_68 = arith.constant 80 : i32
      "tpu.region"() ({
        %run_scoped3A = tpu.sem_alloc : memref<!tpu.dma_semaphore, #tpu.memory_space<semaphore_mem>>
        %dma_start3A_69 = arith.constant 0 : i32
        %dma_start3A_70 = arith.constant 0 : i32
        %dma_start3A_71 = tpu.memref_slice %arg7[%dma_start3A_69, %dma_start3A_70] : memref<10240x128xf32, #tpu.memory_space<vmem_shared>> -> memref<10240x128xf32, #tpu.memory_space<vmem_shared>>
        tpu.enqueue_indirect_dma source(%arg12 : memref<80x128xf32, #tpu.memory_space<vmem>>) target(%dma_start3A_71 : memref<10240x128xf32, #tpu.memory_space<vmem_shared>>) offsets(%arg10 : memref<80xi32, #tpu.memory_space<vmem>>) semaphore(%run_scoped3A : memref<!tpu.dma_semaphore, #tpu.memory_space<semaphore_mem>>) {add = true}
        %dma_wait3A_72 = arith.constant 0 : i32
        %dma_wait3A_73 = arith.constant 0 : i32
        %dma_wait3A_74 = tpu.memref_slice %arg7[%dma_wait3A_72, %dma_wait3A_73] : memref<10240x128xf32, #tpu.memory_space<vmem_shared>> -> memref<10240x128xf32, #tpu.memory_space<vmem_shared>>
        tpu.wait_indirect_dma semaphore(%run_scoped3A : memref<!tpu.dma_semaphore, #tpu.memory_space<semaphore_mem>>) src(%arg12 : memref<80x128xf32, #tpu.memory_space<vmem>>) dst(%dma_wait3A_74 : memref<10240x128xf32, #tpu.memory_space<vmem_shared>>)
        tpu.yield
      }) : () -> ()
    }
    %scan3A_33 = arith.constant 125 : i32
    %barrier3A_34 = arith.constant 0 : index
    tpu.barrier barrier_id(%barrier3A_34)
    %mul3A_35 = arith.constant 640 : i32
    %mul3A_36 = arith.muli %arg1, %mul3A_35 : i32
    %add3A_37 = arith.constant 0 : i32
    %add3A_38 = arith.addi %mul3A_36, %add3A_37 : i32
    "tpu.region"() ({
      %run_scoped3A = tpu.sem_alloc : memref<!tpu.dma_semaphore, #tpu.memory_space<semaphore_mem>>
      %dma_start3A = arith.constant 0 : i32
      %dma_start3A_55 = tpu.memref_slice %arg6[%arg0, %add3A_38, %dma_start3A] : memref<2x10240x128xf32, #tpu.memory_space<hbm>> -> memref<1x128x128xf32, #tpu.memory_space<hbm>>
      %dma_start3A_56 = tpu.memref_squeeze %dma_start3A_55 : memref<1x128x128xf32, #tpu.memory_space<hbm>> -> memref<128x128xf32, #tpu.memory_space<hbm>>
      %dma_start3A_57 = arith.constant 0 : i32
      %dma_start3A_58 = tpu.memref_slice %arg7[%add3A_38, %dma_start3A_57] : memref<10240x128xf32, #tpu.memory_space<vmem_shared>> -> memref<128x128xf32, #tpu.memory_space<vmem_shared>>
      tpu.enqueue_dma source(%dma_start3A_58 : memref<128x128xf32, #tpu.memory_space<vmem_shared>>) target(%dma_start3A_56 : memref<128x128xf32, #tpu.memory_space<hbm>>) target_semaphore(%run_scoped3A : memref<!tpu.dma_semaphore, #tpu.memory_space<semaphore_mem>>)
      %dma_wait3A = arith.constant 0 : i32
      %dma_wait3A_59 = tpu.memref_slice %arg6[%arg0, %add3A_38, %dma_wait3A] : memref<2x10240x128xf32, #tpu.memory_space<hbm>> -> memref<1x128x128xf32, #tpu.memory_space<hbm>>
      %dma_wait3A_60 = tpu.memref_squeeze %dma_wait3A_59 : memref<1x128x128xf32, #tpu.memory_space<hbm>> -> memref<128x128xf32, #tpu.memory_space<hbm>>
      %dma_wait3A_61 = arith.constant 0 : i32
      %dma_wait3A_62 = tpu.memref_slice %arg7[%add3A_38, %dma_wait3A_61] : memref<10240x128xf32, #tpu.memory_space<vmem_shared>> -> memref<128x128xf32, #tpu.memory_space<vmem_shared>>
      tpu.wait_dma2 semaphore(%run_scoped3A : memref<!tpu.dma_semaphore, #tpu.memory_space<semaphore_mem>>) src(%dma_wait3A_62 : memref<128x128xf32, #tpu.memory_space<vmem_shared>>) dst(%dma_wait3A_60 : memref<128x128xf32, #tpu.memory_space<hbm>>)
      tpu.yield
    }) : () -> ()
    %mul3A_39 = arith.constant 640 : i32
    %mul3A_40 = arith.muli %arg1, %mul3A_39 : i32
    %add3A_41 = arith.constant 128 : i32
    %add3A_42 = arith.addi %mul3A_40, %add3A_41 : i32
    "tpu.region"() ({
      %run_scoped3A = tpu.sem_alloc : memref<!tpu.dma_semaphore, #tpu.memory_space<semaphore_mem>>
      %dma_start3A = arith.constant 0 : i32
      %dma_start3A_55 = tpu.memref_slice %arg6[%arg0, %add3A_42, %dma_start3A] : memref<2x10240x128xf32, #tpu.memory_space<hbm>> -> memref<1x128x128xf32, #tpu.memory_space<hbm>>
      %dma_start3A_56 = tpu.memref_squeeze %dma_start3A_55 : memref<1x128x128xf32, #tpu.memory_space<hbm>> -> memref<128x128xf32, #tpu.memory_space<hbm>>
      %dma_start3A_57 = arith.constant 0 : i32
      %dma_start3A_58 = tpu.memref_slice %arg7[%add3A_42, %dma_start3A_57] : memref<10240x128xf32, #tpu.memory_space<vmem_shared>> -> memref<128x128xf32, #tpu.memory_space<vmem_shared>>
      tpu.enqueue_dma source(%dma_start3A_58 : memref<128x128xf32, #tpu.memory_space<vmem_shared>>) target(%dma_start3A_56 : memref<128x128xf32, #tpu.memory_space<hbm>>) target_semaphore(%run_scoped3A : memref<!tpu.dma_semaphore, #tpu.memory_space<semaphore_mem>>)
      %dma_wait3A = arith.constant 0 : i32
      %dma_wait3A_59 = tpu.memref_slice %arg6[%arg0, %add3A_42, %dma_wait3A] : memref<2x10240x128xf32, #tpu.memory_space<hbm>> -> memref<1x128x128xf32, #tpu.memory_space<hbm>>
      %dma_wait3A_60 = tpu.memref_squeeze %dma_wait3A_59 : memref<1x128x128xf32, #tpu.memory_space<hbm>> -> memref<128x128xf32, #tpu.memory_space<hbm>>
      %dma_wait3A_61 = arith.constant 0 : i32
      %dma_wait3A_62 = tpu.memref_slice %arg7[%add3A_42, %dma_wait3A_61] : memref<10240x128xf32, #tpu.memory_space<vmem_shared>> -> memref<128x128xf32, #tpu.memory_space<vmem_shared>>
      tpu.wait_dma2 semaphore(%run_scoped3A : memref<!tpu.dma_semaphore, #tpu.memory_space<semaphore_mem>>) src(%dma_wait3A_62 : memref<128x128xf32, #tpu.memory_space<vmem_shared>>) dst(%dma_wait3A_60 : memref<128x128xf32, #tpu.memory_space<hbm>>)
      tpu.yield
    }) : () -> ()
    %mul3A_43 = arith.constant 640 : i32
    %mul3A_44 = arith.muli %arg1, %mul3A_43 : i32
    %add3A_45 = arith.constant 256 : i32
    %add3A_46 = arith.addi %mul3A_44, %add3A_45 : i32
    "tpu.region"() ({
      %run_scoped3A = tpu.sem_alloc : memref<!tpu.dma_semaphore, #tpu.memory_space<semaphore_mem>>
      %dma_start3A = arith.constant 0 : i32
      %dma_start3A_55 = tpu.memref_slice %arg6[%arg0, %add3A_46, %dma_start3A] : memref<2x10240x128xf32, #tpu.memory_space<hbm>> -> memref<1x128x128xf32, #tpu.memory_space<hbm>>
      %dma_start3A_56 = tpu.memref_squeeze %dma_start3A_55 : memref<1x128x128xf32, #tpu.memory_space<hbm>> -> memref<128x128xf32, #tpu.memory_space<hbm>>
      %dma_start3A_57 = arith.constant 0 : i32
      %dma_start3A_58 = tpu.memref_slice %arg7[%add3A_46, %dma_start3A_57] : memref<10240x128xf32, #tpu.memory_space<vmem_shared>> -> memref<128x128xf32, #tpu.memory_space<vmem_shared>>
      tpu.enqueue_dma source(%dma_start3A_58 : memref<128x128xf32, #tpu.memory_space<vmem_shared>>) target(%dma_start3A_56 : memref<128x128xf32, #tpu.memory_space<hbm>>) target_semaphore(%run_scoped3A : memref<!tpu.dma_semaphore, #tpu.memory_space<semaphore_mem>>)
      %dma_wait3A = arith.constant 0 : i32
      %dma_wait3A_59 = tpu.memref_slice %arg6[%arg0, %add3A_46, %dma_wait3A] : memref<2x10240x128xf32, #tpu.memory_space<hbm>> -> memref<1x128x128xf32, #tpu.memory_space<hbm>>
      %dma_wait3A_60 = tpu.memref_squeeze %dma_wait3A_59 : memref<1x128x128xf32, #tpu.memory_space<hbm>> -> memref<128x128xf32, #tpu.memory_space<hbm>>
      %dma_wait3A_61 = arith.constant 0 : i32
      %dma_wait3A_62 = tpu.memref_slice %arg7[%add3A_46, %dma_wait3A_61] : memref<10240x128xf32, #tpu.memory_space<vmem_shared>> -> memref<128x128xf32, #tpu.memory_space<vmem_shared>>
      tpu.wait_dma2 semaphore(%run_scoped3A : memref<!tpu.dma_semaphore, #tpu.memory_space<semaphore_mem>>) src(%dma_wait3A_62 : memref<128x128xf32, #tpu.memory_space<vmem_shared>>) dst(%dma_wait3A_60 : memref<128x128xf32, #tpu.memory_space<hbm>>)
      tpu.yield
    }) : () -> ()
    %mul3A_47 = arith.constant 640 : i32
    %mul3A_48 = arith.muli %arg1, %mul3A_47 : i32
    %add3A_49 = arith.constant 384 : i32
    %add3A_50 = arith.addi %mul3A_48, %add3A_49 : i32
    "tpu.region"() ({
      %run_scoped3A = tpu.sem_alloc : memref<!tpu.dma_semaphore, #tpu.memory_space<semaphore_mem>>
      %dma_start3A = arith.constant 0 : i32
      %dma_start3A_55 = tpu.memref_slice %arg6[%arg0, %add3A_50, %dma_start3A] : memref<2x10240x128xf32, #tpu.memory_space<hbm>> -> memref<1x128x128xf32, #tpu.memory_space<hbm>>
      %dma_start3A_56 = tpu.memref_squeeze %dma_start3A_55 : memref<1x128x128xf32, #tpu.memory_space<hbm>> -> memref<128x128xf32, #tpu.memory_space<hbm>>
      %dma_start3A_57 = arith.constant 0 : i32
      %dma_start3A_58 = tpu.memref_slice %arg7[%add3A_50, %dma_start3A_57] : memref<10240x128xf32, #tpu.memory_space<vmem_shared>> -> memref<128x128xf32, #tpu.memory_space<vmem_shared>>
      tpu.enqueue_dma source(%dma_start3A_58 : memref<128x128xf32, #tpu.memory_space<vmem_shared>>) target(%dma_start3A_56 : memref<128x128xf32, #tpu.memory_space<hbm>>) target_semaphore(%run_scoped3A : memref<!tpu.dma_semaphore, #tpu.memory_space<semaphore_mem>>)
      %dma_wait3A = arith.constant 0 : i32
      %dma_wait3A_59 = tpu.memref_slice %arg6[%arg0, %add3A_50, %dma_wait3A] : memref<2x10240x128xf32, #tpu.memory_space<hbm>> -> memref<1x128x128xf32, #tpu.memory_space<hbm>>
      %dma_wait3A_60 = tpu.memref_squeeze %dma_wait3A_59 : memref<1x128x128xf32, #tpu.memory_space<hbm>> -> memref<128x128xf32, #tpu.memory_space<hbm>>
      %dma_wait3A_61 = arith.constant 0 : i32
      %dma_wait3A_62 = tpu.memref_slice %arg7[%add3A_50, %dma_wait3A_61] : memref<10240x128xf32, #tpu.memory_space<vmem_shared>> -> memref<128x128xf32, #tpu.memory_space<vmem_shared>>
      tpu.wait_dma2 semaphore(%run_scoped3A : memref<!tpu.dma_semaphore, #tpu.memory_space<semaphore_mem>>) src(%dma_wait3A_62 : memref<128x128xf32, #tpu.memory_space<vmem_shared>>) dst(%dma_wait3A_60 : memref<128x128xf32, #tpu.memory_space<hbm>>)
      tpu.yield
    }) : () -> ()
    %mul3A_51 = arith.constant 640 : i32
    %mul3A_52 = arith.muli %arg1, %mul3A_51 : i32
    %add3A_53 = arith.constant 512 : i32
    %add3A_54 = arith.addi %mul3A_52, %add3A_53 : i32
    "tpu.region"() ({
      %run_scoped3A = tpu.sem_alloc : memref<!tpu.dma_semaphore, #tpu.memory_space<semaphore_mem>>
      %dma_start3A = arith.constant 0 : i32
      %dma_start3A_55 = tpu.memref_slice %arg6[%arg0, %add3A_54, %dma_start3A] : memref<2x10240x128xf32, #tpu.memory_space<hbm>> -> memref<1x128x128xf32, #tpu.memory_space<hbm>>
      %dma_start3A_56 = tpu.memref_squeeze %dma_start3A_55 : memref<1x128x128xf32, #tpu.memory_space<hbm>> -> memref<128x128xf32, #tpu.memory_space<hbm>>
      %dma_start3A_57 = arith.constant 0 : i32
      %dma_start3A_58 = tpu.memref_slice %arg7[%add3A_54, %dma_start3A_57] : memref<10240x128xf32, #tpu.memory_space<vmem_shared>> -> memref<128x128xf32, #tpu.memory_space<vmem_shared>>
      tpu.enqueue_dma source(%dma_start3A_58 : memref<128x128xf32, #tpu.memory_space<vmem_shared>>) target(%dma_start3A_56 : memref<128x128xf32, #tpu.memory_space<hbm>>) target_semaphore(%run_scoped3A : memref<!tpu.dma_semaphore, #tpu.memory_space<semaphore_mem>>)
      %dma_wait3A = arith.constant 0 : i32
      %dma_wait3A_59 = tpu.memref_slice %arg6[%arg0, %add3A_54, %dma_wait3A] : memref<2x10240x128xf32, #tpu.memory_space<hbm>> -> memref<1x128x128xf32, #tpu.memory_space<hbm>>
      %dma_wait3A_60 = tpu.memref_squeeze %dma_wait3A_59 : memref<1x128x128xf32, #tpu.memory_space<hbm>> -> memref<128x128xf32, #tpu.memory_space<hbm>>
      %dma_wait3A_61 = arith.constant 0 : i32
      %dma_wait3A_62 = tpu.memref_slice %arg7[%add3A_54, %dma_wait3A_61] : memref<10240x128xf32, #tpu.memory_space<vmem_shared>> -> memref<128x128xf32, #tpu.memory_space<vmem_shared>>
      tpu.wait_dma2 semaphore(%run_scoped3A : memref<!tpu.dma_semaphore, #tpu.memory_space<semaphore_mem>>) src(%dma_wait3A_62 : memref<128x128xf32, #tpu.memory_space<vmem_shared>>) dst(%dma_wait3A_60 : memref<128x128xf32, #tpu.memory_space<hbm>>)
      tpu.yield
    }) : () -> ()
    return
  }
}

#map = affine_map<(d0, d1) -> (0, 0)>
#map1 = affine_map<(d0, d1) -> (0)>
#map2 = affine_map<(d0, d1) -> (0, 0, 0)>
module attributes {stable_mosaic.version = 14 : i64} {
  func.func @_sc2_body(%arg0: i32, %arg1: i32, %arg2: memref<10240x128xf32, #tpu.memory_space<hbm>>, %arg3: memref<10240x128xf32, #tpu.memory_space<hbm>>, %arg4: memref<10240x128xf32, #tpu.memory_space<hbm>>, %arg5: memref<320000xi32, #tpu.memory_space<hbm>>, %arg6: memref<320000xi32, #tpu.memory_space<hbm>>, %arg7: memref<320000xf32, #tpu.memory_space<hbm>>, %arg8: memref<128xf32, #tpu.memory_space<hbm>>, %arg9: memref<16xf32, #tpu.memory_space<hbm>>, %arg10: memref<2x10240x128xf32, #tpu.memory_space<hbm>>, %arg11: memref<512xf32, #tpu.memory_space<hbm>>, %arg12: memref<10240x128xf32, #tpu.memory_space<vmem_shared>>, %arg13: memref<128x128xf32, #tpu.memory_space<vmem>>, %arg14: memref<80xi32, #tpu.memory_space<vmem>>, %arg15: memref<80xi32, #tpu.memory_space<vmem>>, %arg16: memref<80xf32, #tpu.memory_space<vmem>>, %arg17: memref<80x128xf32, #tpu.memory_space<vmem>>, %arg18: memref<80x128xf32, #tpu.memory_space<vmem>>, %arg19: memref<80x128xf32, #tpu.memory_space<vmem>>, %arg20: memref<128xf32, #tpu.memory_space<vmem>>, %arg21: memref<16xf32, #tpu.memory_space<vmem>>, %arg22: memref<16xf32, #tpu.memory_space<vmem>>, %arg23: memref<!tpu.dma_semaphore, #tpu.memory_space<semaphore_mem>>) attributes {dimension_semantics = [#tpu.dimension_semantics<core_parallel>, #tpu.dimension_semantics<subcore_parallel>], iteration_bounds = array<i64: 2, 16>, scalar_prefetch = 0 : i64, scratch_operands = 12 : i64, tpu.core_type = #tpu.core_type<sc_vector_subcore>, window_params = [{transform_indices = #map}, {transform_indices = #map}, {transform_indices = #map}, {transform_indices = #map1}, {transform_indices = #map1}, {transform_indices = #map1}, {transform_indices = #map1}, {transform_indices = #map1}, {transform_indices = #map2}, {transform_indices = #map1}]} {
    %mul3A = arith.constant 16 : i32
    %mul3A_0 = arith.muli %arg0, %mul3A : i32
    %add3A = arith.addi %mul3A_0, %arg1 : i32
    %mul3A_1 = arith.constant 10000 : i32
    %mul3A_2 = arith.muli %add3A, %mul3A_1 : i32
    "tpu.region"() ({
      %run_scoped3A = tpu.sem_alloc : memref<!tpu.dma_semaphore, #tpu.memory_space<semaphore_mem>>
      tpu.enqueue_dma source(%arg8 : memref<128xf32, #tpu.memory_space<hbm>>) target(%arg20 : memref<128xf32, #tpu.memory_space<vmem>>) target_semaphore(%run_scoped3A : memref<!tpu.dma_semaphore, #tpu.memory_space<semaphore_mem>>)
      tpu.wait_dma2 semaphore(%run_scoped3A : memref<!tpu.dma_semaphore, #tpu.memory_space<semaphore_mem>>) src(%arg8 : memref<128xf32, #tpu.memory_space<hbm>>) dst(%arg20 : memref<128xf32, #tpu.memory_space<vmem>>)
      tpu.yield
    }) : () -> ()
    "tpu.region"() ({
      %run_scoped3A = tpu.sem_alloc : memref<!tpu.dma_semaphore, #tpu.memory_space<semaphore_mem>>
      tpu.enqueue_dma source(%arg9 : memref<16xf32, #tpu.memory_space<hbm>>) target(%arg21 : memref<16xf32, #tpu.memory_space<vmem>>) target_semaphore(%run_scoped3A : memref<!tpu.dma_semaphore, #tpu.memory_space<semaphore_mem>>)
      tpu.wait_dma2 semaphore(%run_scoped3A : memref<!tpu.dma_semaphore, #tpu.memory_space<semaphore_mem>>) src(%arg9 : memref<16xf32, #tpu.memory_space<hbm>>) dst(%arg21 : memref<16xf32, #tpu.memory_space<vmem>>)
      tpu.yield
    }) : () -> ()
    %scan3A = arith.constant 0 : i32
    %scan3A_3 = arith.constant 0 : i32
    %scan3A_4 = arith.constant 128 : i32
    %scan3A_5 = arith.addi %scan3A_3, %scan3A_4 : i32
    %scan3A_6 = arith.constant 1 : i32
    scf.for %scan3A_75 = %scan3A_3 to %scan3A_5 step %scan3A_6  : i32 {
      %broadcast_in_dim3A_76 = arith.constant 0.000000e+00 : f32
      %broadcast_in_dim3A_77 = vector.broadcast %broadcast_in_dim3A_76 : f32 to vector<16xf32>
      %swap3A_78 = arith.index_cast %scan3A_75 : i32 to index
      %swap3A_79 = arith.constant 0 : index
      %swap3A_80 = tpu.vector_load %arg13[%swap3A_78, %swap3A_79] {strides = array<i32>} : memref<128x128xf32, #tpu.memory_space<vmem>>, vector<16xf32>,
      tpu.vector_store %arg13[%swap3A_78, %swap3A_79], %broadcast_in_dim3A_77 {strides = array<i32>} : memref<128x128xf32, #tpu.memory_space<vmem>>, vector<16xf32>,
      %broadcast_in_dim3A_81 = arith.constant 0.000000e+00 : f32
      %broadcast_in_dim3A_82 = vector.broadcast %broadcast_in_dim3A_81 : f32 to vector<16xf32>
      %swap3A_83 = arith.index_cast %scan3A_75 : i32 to index
      %swap3A_84 = arith.constant 16 : index
      %swap3A_85 = tpu.vector_load %arg13[%swap3A_83, %swap3A_84] {strides = array<i32>} : memref<128x128xf32, #tpu.memory_space<vmem>>, vector<16xf32>,
      tpu.vector_store %arg13[%swap3A_83, %swap3A_84], %broadcast_in_dim3A_82 {strides = array<i32>} : memref<128x128xf32, #tpu.memory_space<vmem>>, vector<16xf32>,
      %broadcast_in_dim3A_86 = arith.constant 0.000000e+00 : f32
      %broadcast_in_dim3A_87 = vector.broadcast %broadcast_in_dim3A_86 : f32 to vector<16xf32>
      %swap3A_88 = arith.index_cast %scan3A_75 : i32 to index
      %swap3A_89 = arith.constant 32 : index
      %swap3A_90 = tpu.vector_load %arg13[%swap3A_88, %swap3A_89] {strides = array<i32>} : memref<128x128xf32, #tpu.memory_space<vmem>>, vector<16xf32>,
      tpu.vector_store %arg13[%swap3A_88, %swap3A_89], %broadcast_in_dim3A_87 {strides = array<i32>} : memref<128x128xf32, #tpu.memory_space<vmem>>, vector<16xf32>,
      %broadcast_in_dim3A_91 = arith.constant 0.000000e+00 : f32
      %broadcast_in_dim3A_92 = vector.broadcast %broadcast_in_dim3A_91 : f32 to vector<16xf32>
      %swap3A_93 = arith.index_cast %scan3A_75 : i32 to index
      %swap3A_94 = arith.constant 48 : index
      %swap3A_95 = tpu.vector_load %arg13[%swap3A_93, %swap3A_94] {strides = array<i32>} : memref<128x128xf32, #tpu.memory_space<vmem>>, vector<16xf32>,
      tpu.vector_store %arg13[%swap3A_93, %swap3A_94], %broadcast_in_dim3A_92 {strides = array<i32>} : memref<128x128xf32, #tpu.memory_space<vmem>>, vector<16xf32>,
      %broadcast_in_dim3A_96 = arith.constant 0.000000e+00 : f32
      %broadcast_in_dim3A_97 = vector.broadcast %broadcast_in_dim3A_96 : f32 to vector<16xf32>
      %swap3A_98 = arith.index_cast %scan3A_75 : i32 to index
      %swap3A_99 = arith.constant 64 : index
      %swap3A_100 = tpu.vector_load %arg13[%swap3A_98, %swap3A_99] {strides = array<i32>} : memref<128x128xf32, #tpu.memory_space<vmem>>, vector<16xf32>,
      tpu.vector_store %arg13[%swap3A_98, %swap3A_99], %broadcast_in_dim3A_97 {strides = array<i32>} : memref<128x128xf32, #tpu.memory_space<vmem>>, vector<16xf32>,
      %broadcast_in_dim3A_101 = arith.constant 0.000000e+00 : f32
      %broadcast_in_dim3A_102 = vector.broadcast %broadcast_in_dim3A_101 : f32 to vector<16xf32>
      %swap3A_103 = arith.index_cast %scan3A_75 : i32 to index
      %swap3A_104 = arith.constant 80 : index
      %swap3A_105 = tpu.vector_load %arg13[%swap3A_103, %swap3A_104] {strides = array<i32>} : memref<128x128xf32, #tpu.memory_space<vmem>>, vector<16xf32>,
      tpu.vector_store %arg13[%swap3A_103, %swap3A_104], %broadcast_in_dim3A_102 {strides = array<i32>} : memref<128x128xf32, #tpu.memory_space<vmem>>, vector<16xf32>,
      %broadcast_in_dim3A_106 = arith.constant 0.000000e+00 : f32
      %broadcast_in_dim3A_107 = vector.broadcast %broadcast_in_dim3A_106 : f32 to vector<16xf32>
      %swap3A_108 = arith.index_cast %scan3A_75 : i32 to index
      %swap3A_109 = arith.constant 96 : index
      %swap3A_110 = tpu.vector_load %arg13[%swap3A_108, %swap3A_109] {strides = array<i32>} : memref<128x128xf32, #tpu.memory_space<vmem>>, vector<16xf32>,
      tpu.vector_store %arg13[%swap3A_108, %swap3A_109], %broadcast_in_dim3A_107 {strides = array<i32>} : memref<128x128xf32, #tpu.memory_space<vmem>>, vector<16xf32>,
      %broadcast_in_dim3A_111 = arith.constant 0.000000e+00 : f32
      %broadcast_in_dim3A_112 = vector.broadcast %broadcast_in_dim3A_111 : f32 to vector<16xf32>
      %swap3A_113 = arith.index_cast %scan3A_75 : i32 to index
      %swap3A_114 = arith.constant 112 : index
      %swap3A_115 = tpu.vector_load %arg13[%swap3A_113, %swap3A_114] {strides = array<i32>} : memref<128x128xf32, #tpu.memory_space<vmem>>, vector<16xf32>,
      tpu.vector_store %arg13[%swap3A_113, %swap3A_114], %broadcast_in_dim3A_112 {strides = array<i32>} : memref<128x128xf32, #tpu.memory_space<vmem>>, vector<16xf32>,
    }
    %scan3A_7 = arith.constant 128 : i32
    %mul3A_8 = arith.constant 640 : i32
    %mul3A_9 = arith.muli %arg1, %mul3A_8 : i32
    %add3A_10 = arith.constant 0 : i32
    %add3A_11 = arith.addi %mul3A_9, %add3A_10 : i32
    "tpu.region"() ({
      %run_scoped3A = tpu.sem_alloc : memref<!tpu.dma_semaphore, #tpu.memory_space<semaphore_mem>>
      %dma_start3A = arith.constant 0 : i32
      %dma_start3A_75 = tpu.memref_slice %arg12[%add3A_11, %dma_start3A] : memref<10240x128xf32, #tpu.memory_space<vmem_shared>> -> memref<128x128xf32, #tpu.memory_space<vmem_shared>>
      %dma_start3A_76 = arith.constant 0 : i32
      %dma_start3A_77 = tpu.memref_slice %arg12[%add3A_11, %dma_start3A_76] : memref<10240x128xf32, #tpu.memory_space<vmem_shared>> -> memref<128x128xf32, #tpu.memory_space<vmem_shared>>
      tpu.enqueue_dma source(%arg13 : memref<128x128xf32, #tpu.memory_space<vmem>>) target(%dma_start3A_77 : memref<128x128xf32, #tpu.memory_space<vmem_shared>>) target_semaphore(%run_scoped3A : memref<!tpu.dma_semaphore, #tpu.memory_space<semaphore_mem>>)
      %dma_wait3A = arith.constant 0 : i32
      %dma_wait3A_78 = tpu.memref_slice %arg12[%add3A_11, %dma_wait3A] : memref<10240x128xf32, #tpu.memory_space<vmem_shared>> -> memref<128x128xf32, #tpu.memory_space<vmem_shared>>
      %dma_wait3A_79 = arith.constant 0 : i32
      %dma_wait3A_80 = tpu.memref_slice %arg12[%add3A_11, %dma_wait3A_79] : memref<10240x128xf32, #tpu.memory_space<vmem_shared>> -> memref<128x128xf32, #tpu.memory_space<vmem_shared>>
      tpu.wait_dma2 semaphore(%run_scoped3A : memref<!tpu.dma_semaphore, #tpu.memory_space<semaphore_mem>>) src(%arg13 : memref<128x128xf32, #tpu.memory_space<vmem>>) dst(%dma_wait3A_80 : memref<128x128xf32, #tpu.memory_space<vmem_shared>>)
      tpu.yield
    }) : () -> ()
    %mul3A_12 = arith.constant 640 : i32
    %mul3A_13 = arith.muli %arg1, %mul3A_12 : i32
    %add3A_14 = arith.constant 128 : i32
    %add3A_15 = arith.addi %mul3A_13, %add3A_14 : i32
    "tpu.region"() ({
      %run_scoped3A = tpu.sem_alloc : memref<!tpu.dma_semaphore, #tpu.memory_space<semaphore_mem>>
      %dma_start3A = arith.constant 0 : i32
      %dma_start3A_75 = tpu.memref_slice %arg12[%add3A_15, %dma_start3A] : memref<10240x128xf32, #tpu.memory_space<vmem_shared>> -> memref<128x128xf32, #tpu.memory_space<vmem_shared>>
      %dma_start3A_76 = arith.constant 0 : i32
      %dma_start3A_77 = tpu.memref_slice %arg12[%add3A_15, %dma_start3A_76] : memref<10240x128xf32, #tpu.memory_space<vmem_shared>> -> memref<128x128xf32, #tpu.memory_space<vmem_shared>>
      tpu.enqueue_dma source(%arg13 : memref<128x128xf32, #tpu.memory_space<vmem>>) target(%dma_start3A_77 : memref<128x128xf32, #tpu.memory_space<vmem_shared>>) target_semaphore(%run_scoped3A : memref<!tpu.dma_semaphore, #tpu.memory_space<semaphore_mem>>)
      %dma_wait3A = arith.constant 0 : i32
      %dma_wait3A_78 = tpu.memref_slice %arg12[%add3A_15, %dma_wait3A] : memref<10240x128xf32, #tpu.memory_space<vmem_shared>> -> memref<128x128xf32, #tpu.memory_space<vmem_shared>>
      %dma_wait3A_79 = arith.constant 0 : i32
      %dma_wait3A_80 = tpu.memref_slice %arg12[%add3A_15, %dma_wait3A_79] : memref<10240x128xf32, #tpu.memory_space<vmem_shared>> -> memref<128x128xf32, #tpu.memory_space<vmem_shared>>
      tpu.wait_dma2 semaphore(%run_scoped3A : memref<!tpu.dma_semaphore, #tpu.memory_space<semaphore_mem>>) src(%arg13 : memref<128x128xf32, #tpu.memory_space<vmem>>) dst(%dma_wait3A_80 : memref<128x128xf32, #tpu.memory_space<vmem_shared>>)
      tpu.yield
    }) : () -> ()
    %mul3A_16 = arith.constant 640 : i32
    %mul3A_17 = arith.muli %arg1, %mul3A_16 : i32
    %add3A_18 = arith.constant 256 : i32
    %add3A_19 = arith.addi %mul3A_17, %add3A_18 : i32
    "tpu.region"() ({
      %run_scoped3A = tpu.sem_alloc : memref<!tpu.dma_semaphore, #tpu.memory_space<semaphore_mem>>
      %dma_start3A = arith.constant 0 : i32
      %dma_start3A_75 = tpu.memref_slice %arg12[%add3A_19, %dma_start3A] : memref<10240x128xf32, #tpu.memory_space<vmem_shared>> -> memref<128x128xf32, #tpu.memory_space<vmem_shared>>
      %dma_start3A_76 = arith.constant 0 : i32
      %dma_start3A_77 = tpu.memref_slice %arg12[%add3A_19, %dma_start3A_76] : memref<10240x128xf32, #tpu.memory_space<vmem_shared>> -> memref<128x128xf32, #tpu.memory_space<vmem_shared>>
      tpu.enqueue_dma source(%arg13 : memref<128x128xf32, #tpu.memory_space<vmem>>) target(%dma_start3A_77 : memref<128x128xf32, #tpu.memory_space<vmem_shared>>) target_semaphore(%run_scoped3A : memref<!tpu.dma_semaphore, #tpu.memory_space<semaphore_mem>>)
      %dma_wait3A = arith.constant 0 : i32
      %dma_wait3A_78 = tpu.memref_slice %arg12[%add3A_19, %dma_wait3A] : memref<10240x128xf32, #tpu.memory_space<vmem_shared>> -> memref<128x128xf32, #tpu.memory_space<vmem_shared>>
      %dma_wait3A_79 = arith.constant 0 : i32
      %dma_wait3A_80 = tpu.memref_slice %arg12[%add3A_19, %dma_wait3A_79] : memref<10240x128xf32, #tpu.memory_space<vmem_shared>> -> memref<128x128xf32, #tpu.memory_space<vmem_shared>>
      tpu.wait_dma2 semaphore(%run_scoped3A : memref<!tpu.dma_semaphore, #tpu.memory_space<semaphore_mem>>) src(%arg13 : memref<128x128xf32, #tpu.memory_space<vmem>>) dst(%dma_wait3A_80 : memref<128x128xf32, #tpu.memory_space<vmem_shared>>)
      tpu.yield
    }) : () -> ()
    %mul3A_20 = arith.constant 640 : i32
    %mul3A_21 = arith.muli %arg1, %mul3A_20 : i32
    %add3A_22 = arith.constant 384 : i32
    %add3A_23 = arith.addi %mul3A_21, %add3A_22 : i32
    "tpu.region"() ({
      %run_scoped3A = tpu.sem_alloc : memref<!tpu.dma_semaphore, #tpu.memory_space<semaphore_mem>>
      %dma_start3A = arith.constant 0 : i32
      %dma_start3A_75 = tpu.memref_slice %arg12[%add3A_23, %dma_start3A] : memref<10240x128xf32, #tpu.memory_space<vmem_shared>> -> memref<128x128xf32, #tpu.memory_space<vmem_shared>>
      %dma_start3A_76 = arith.constant 0 : i32
      %dma_start3A_77 = tpu.memref_slice %arg12[%add3A_23, %dma_start3A_76] : memref<10240x128xf32, #tpu.memory_space<vmem_shared>> -> memref<128x128xf32, #tpu.memory_space<vmem_shared>>
      tpu.enqueue_dma source(%arg13 : memref<128x128xf32, #tpu.memory_space<vmem>>) target(%dma_start3A_77 : memref<128x128xf32, #tpu.memory_space<vmem_shared>>) target_semaphore(%run_scoped3A : memref<!tpu.dma_semaphore, #tpu.memory_space<semaphore_mem>>)
      %dma_wait3A = arith.constant 0 : i32
      %dma_wait3A_78 = tpu.memref_slice %arg12[%add3A_23, %dma_wait3A] : memref<10240x128xf32, #tpu.memory_space<vmem_shared>> -> memref<128x128xf32, #tpu.memory_space<vmem_shared>>
      %dma_wait3A_79 = arith.constant 0 : i32
      %dma_wait3A_80 = tpu.memref_slice %arg12[%add3A_23, %dma_wait3A_79] : memref<10240x128xf32, #tpu.memory_space<vmem_shared>> -> memref<128x128xf32, #tpu.memory_space<vmem_shared>>
      tpu.wait_dma2 semaphore(%run_scoped3A : memref<!tpu.dma_semaphore, #tpu.memory_space<semaphore_mem>>) src(%arg13 : memref<128x128xf32, #tpu.memory_space<vmem>>) dst(%dma_wait3A_80 : memref<128x128xf32, #tpu.memory_space<vmem_shared>>)
      tpu.yield
    }) : () -> ()
    %mul3A_24 = arith.constant 640 : i32
    %mul3A_25 = arith.muli %arg1, %mul3A_24 : i32
    %add3A_26 = arith.constant 512 : i32
    %add3A_27 = arith.addi %mul3A_25, %add3A_26 : i32
    "tpu.region"() ({
      %run_scoped3A = tpu.sem_alloc : memref<!tpu.dma_semaphore, #tpu.memory_space<semaphore_mem>>
      %dma_start3A = arith.constant 0 : i32
      %dma_start3A_75 = tpu.memref_slice %arg12[%add3A_27, %dma_start3A] : memref<10240x128xf32, #tpu.memory_space<vmem_shared>> -> memref<128x128xf32, #tpu.memory_space<vmem_shared>>
      %dma_start3A_76 = arith.constant 0 : i32
      %dma_start3A_77 = tpu.memref_slice %arg12[%add3A_27, %dma_start3A_76] : memref<10240x128xf32, #tpu.memory_space<vmem_shared>> -> memref<128x128xf32, #tpu.memory_space<vmem_shared>>
      tpu.enqueue_dma source(%arg13 : memref<128x128xf32, #tpu.memory_space<vmem>>) target(%dma_start3A_77 : memref<128x128xf32, #tpu.memory_space<vmem_shared>>) target_semaphore(%run_scoped3A : memref<!tpu.dma_semaphore, #tpu.memory_space<semaphore_mem>>)
      %dma_wait3A = arith.constant 0 : i32
      %dma_wait3A_78 = tpu.memref_slice %arg12[%add3A_27, %dma_wait3A] : memref<10240x128xf32, #tpu.memory_space<vmem_shared>> -> memref<128x128xf32, #tpu.memory_space<vmem_shared>>
      %dma_wait3A_79 = arith.constant 0 : i32
      %dma_wait3A_80 = tpu.memref_slice %arg12[%add3A_27, %dma_wait3A_79] : memref<10240x128xf32, #tpu.memory_space<vmem_shared>> -> memref<128x128xf32, #tpu.memory_space<vmem_shared>>
      tpu.wait_dma2 semaphore(%run_scoped3A : memref<!tpu.dma_semaphore, #tpu.memory_space<semaphore_mem>>) src(%arg13 : memref<128x128xf32, #tpu.memory_space<vmem>>) dst(%dma_wait3A_80 : memref<128x128xf32, #tpu.memory_space<vmem_shared>>)
      tpu.yield
    }) : () -> ()
    %barrier3A = arith.constant 0 : index
    tpu.barrier barrier_id(%barrier3A)
    %iota3A = tpu.iota {dimensions = array<i32: 0>} : vector<16xi32>
    %add3A_28 = arith.constant 0 : i32
    %add3A_29 = vector.broadcast %add3A_28 : i32 to vector<16xi32>
    %add3A_30 = arith.addi %iota3A, %add3A_29 : vector<16xi32>
    %add3A_31 = arith.constant 16 : i32
    %add3A_32 = vector.broadcast %add3A_31 : i32 to vector<16xi32>
    %add3A_33 = arith.addi %iota3A, %add3A_32 : vector<16xi32>
    %add3A_34 = arith.constant 32 : i32
    %add3A_35 = vector.broadcast %add3A_34 : i32 to vector<16xi32>
    %add3A_36 = arith.addi %iota3A, %add3A_35 : vector<16xi32>
    %add3A_37 = arith.constant 48 : i32
    %add3A_38 = vector.broadcast %add3A_37 : i32 to vector<16xi32>
    %add3A_39 = arith.addi %iota3A, %add3A_38 : vector<16xi32>
    %add3A_40 = arith.constant 64 : i32
    %add3A_41 = vector.broadcast %add3A_40 : i32 to vector<16xi32>
    %add3A_42 = arith.addi %iota3A, %add3A_41 : vector<16xi32>
    %get3A = arith.constant 0 : index
    %get3A_43 = tpu.vector_load %arg21[%get3A] {strides = array<i32>} : memref<16xf32, #tpu.memory_space<vmem>>, vector<16xf32>,
    %broadcast_in_dim3A = arith.constant 0.000000e+00 : f32
    %broadcast_in_dim3A_44 = vector.broadcast %broadcast_in_dim3A : f32 to vector<16xf32>
    %scan3A_45 = arith.constant 0 : i32
    %scan3A_46 = arith.constant 125 : i32
    %scan3A_47 = arith.addi %scan3A_45, %scan3A_46 : i32
    %scan3A_48 = arith.constant 1 : i32
    %scan3A_49 = scf.for %scan3A_75 = %scan3A_45 to %scan3A_47 step %scan3A_48 iter_args(%scan3A_76 = %broadcast_in_dim3A_44) -> (vector<16xf32>)  : i32 {
      %mul3A_77 = arith.constant 80 : i32
      %mul3A_78 = arith.muli %scan3A_75, %mul3A_77 : i32
      %add3A_79 = arith.addi %mul3A_2, %mul3A_78 : i32
      "tpu.region"() ({
        %run_scoped3A = tpu.sem_alloc : memref<!tpu.dma_semaphore, #tpu.memory_space<semaphore_mem>>
        %dma_start3A_223 = tpu.memref_slice %arg5[%add3A_79] : memref<320000xi32, #tpu.memory_space<hbm>> -> memref<80xi32, #tpu.memory_space<hbm>>
        %dma_start3A_224 = tpu.memref_slice %arg5[%add3A_79] : memref<320000xi32, #tpu.memory_space<hbm>> -> memref<80xi32, #tpu.memory_space<hbm>>
        tpu.enqueue_dma source(%dma_start3A_224 : memref<80xi32, #tpu.memory_space<hbm>>) target(%arg14 : memref<80xi32, #tpu.memory_space<vmem>>) target_semaphore(%run_scoped3A : memref<!tpu.dma_semaphore, #tpu.memory_space<semaphore_mem>>)
        %dma_wait3A_225 = tpu.memref_slice %arg5[%add3A_79] : memref<320000xi32, #tpu.memory_space<hbm>> -> memref<80xi32, #tpu.memory_space<hbm>>
        %dma_wait3A_226 = tpu.memref_slice %arg5[%add3A_79] : memref<320000xi32, #tpu.memory_space<hbm>> -> memref<80xi32, #tpu.memory_space<hbm>>
        tpu.wait_dma2 semaphore(%run_scoped3A : memref<!tpu.dma_semaphore, #tpu.memory_space<semaphore_mem>>) src(%dma_wait3A_226 : memref<80xi32, #tpu.memory_space<hbm>>) dst(%arg14 : memref<80xi32, #tpu.memory_space<vmem>>)
        tpu.yield
      }) : () -> ()
      "tpu.region"() ({
        %run_scoped3A = tpu.sem_alloc : memref<!tpu.dma_semaphore, #tpu.memory_space<semaphore_mem>>
        %dma_start3A_223 = tpu.memref_slice %arg6[%add3A_79] : memref<320000xi32, #tpu.memory_space<hbm>> -> memref<80xi32, #tpu.memory_space<hbm>>
        %dma_start3A_224 = tpu.memref_slice %arg6[%add3A_79] : memref<320000xi32, #tpu.memory_space<hbm>> -> memref<80xi32, #tpu.memory_space<hbm>>
        tpu.enqueue_dma source(%dma_start3A_224 : memref<80xi32, #tpu.memory_space<hbm>>) target(%arg15 : memref<80xi32, #tpu.memory_space<vmem>>) target_semaphore(%run_scoped3A : memref<!tpu.dma_semaphore, #tpu.memory_space<semaphore_mem>>)
        %dma_wait3A_225 = tpu.memref_slice %arg6[%add3A_79] : memref<320000xi32, #tpu.memory_space<hbm>> -> memref<80xi32, #tpu.memory_space<hbm>>
        %dma_wait3A_226 = tpu.memref_slice %arg6[%add3A_79] : memref<320000xi32, #tpu.memory_space<hbm>> -> memref<80xi32, #tpu.memory_space<hbm>>
        tpu.wait_dma2 semaphore(%run_scoped3A : memref<!tpu.dma_semaphore, #tpu.memory_space<semaphore_mem>>) src(%dma_wait3A_226 : memref<80xi32, #tpu.memory_space<hbm>>) dst(%arg15 : memref<80xi32, #tpu.memory_space<vmem>>)
        tpu.yield
      }) : () -> ()
      "tpu.region"() ({
        %run_scoped3A = tpu.sem_alloc : memref<!tpu.dma_semaphore, #tpu.memory_space<semaphore_mem>>
        %dma_start3A_223 = tpu.memref_slice %arg7[%add3A_79] : memref<320000xf32, #tpu.memory_space<hbm>> -> memref<80xf32, #tpu.memory_space<hbm>>
        %dma_start3A_224 = tpu.memref_slice %arg7[%add3A_79] : memref<320000xf32, #tpu.memory_space<hbm>> -> memref<80xf32, #tpu.memory_space<hbm>>
        tpu.enqueue_dma source(%dma_start3A_224 : memref<80xf32, #tpu.memory_space<hbm>>) target(%arg16 : memref<80xf32, #tpu.memory_space<vmem>>) target_semaphore(%run_scoped3A : memref<!tpu.dma_semaphore, #tpu.memory_space<semaphore_mem>>)
        %dma_wait3A_225 = tpu.memref_slice %arg7[%add3A_79] : memref<320000xf32, #tpu.memory_space<hbm>> -> memref<80xf32, #tpu.memory_space<hbm>>
        %dma_wait3A_226 = tpu.memref_slice %arg7[%add3A_79] : memref<320000xf32, #tpu.memory_space<hbm>> -> memref<80xf32, #tpu.memory_space<hbm>>
        tpu.wait_dma2 semaphore(%run_scoped3A : memref<!tpu.dma_semaphore, #tpu.memory_space<semaphore_mem>>) src(%dma_wait3A_226 : memref<80xf32, #tpu.memory_space<hbm>>) dst(%arg16 : memref<80xf32, #tpu.memory_space<vmem>>)
        tpu.yield
      }) : () -> ()
      %dma_start3A = arith.constant 0 : i32
      %dma_start3A_80 = arith.constant 0 : i32
      %dma_start3A_81 = tpu.memref_slice %arg2[%dma_start3A, %dma_start3A_80] : memref<10240x128xf32, #tpu.memory_space<hbm>> -> memref<10240x128xf32, #tpu.memory_space<hbm>>
      tpu.enqueue_indirect_dma source(%dma_start3A_81 : memref<10240x128xf32, #tpu.memory_space<hbm>>) target(%arg17 : memref<80x128xf32, #tpu.memory_space<vmem>>) offsets(%arg14 : memref<80xi32, #tpu.memory_space<vmem>>) semaphore(%arg23 : memref<!tpu.dma_semaphore, #tpu.memory_space<semaphore_mem>>)
      %dma_wait3A = arith.constant 0 : i32
      %dma_wait3A_82 = arith.constant 0 : i32
      %dma_wait3A_83 = tpu.memref_slice %arg2[%dma_wait3A, %dma_wait3A_82] : memref<10240x128xf32, #tpu.memory_space<hbm>> -> memref<10240x128xf32, #tpu.memory_space<hbm>>
      tpu.wait_indirect_dma semaphore(%arg23 : memref<!tpu.dma_semaphore, #tpu.memory_space<semaphore_mem>>) src(%dma_wait3A_83 : memref<10240x128xf32, #tpu.memory_space<hbm>>) dst(%arg17 : memref<80x128xf32, #tpu.memory_space<vmem>>)
      %dma_start3A_84 = arith.constant 0 : i32
      %dma_start3A_85 = arith.constant 0 : i32
      %dma_start3A_86 = tpu.memref_slice %arg3[%dma_start3A_84, %dma_start3A_85] : memref<10240x128xf32, #tpu.memory_space<hbm>> -> memref<10240x128xf32, #tpu.memory_space<hbm>>
      tpu.enqueue_indirect_dma source(%dma_start3A_86 : memref<10240x128xf32, #tpu.memory_space<hbm>>) target(%arg18 : memref<80x128xf32, #tpu.memory_space<vmem>>) offsets(%arg15 : memref<80xi32, #tpu.memory_space<vmem>>) semaphore(%arg23 : memref<!tpu.dma_semaphore, #tpu.memory_space<semaphore_mem>>)
      %dma_wait3A_87 = arith.constant 0 : i32
      %dma_wait3A_88 = arith.constant 0 : i32
      %dma_wait3A_89 = tpu.memref_slice %arg3[%dma_wait3A_87, %dma_wait3A_88] : memref<10240x128xf32, #tpu.memory_space<hbm>> -> memref<10240x128xf32, #tpu.memory_space<hbm>>
      tpu.wait_indirect_dma semaphore(%arg23 : memref<!tpu.dma_semaphore, #tpu.memory_space<semaphore_mem>>) src(%dma_wait3A_89 : memref<10240x128xf32, #tpu.memory_space<hbm>>) dst(%arg18 : memref<80x128xf32, #tpu.memory_space<vmem>>)
      %dma_start3A_90 = arith.constant 0 : i32
      %dma_start3A_91 = arith.constant 0 : i32
      %dma_start3A_92 = tpu.memref_slice %arg4[%dma_start3A_90, %dma_start3A_91] : memref<10240x128xf32, #tpu.memory_space<hbm>> -> memref<10240x128xf32, #tpu.memory_space<hbm>>
      tpu.enqueue_indirect_dma source(%dma_start3A_92 : memref<10240x128xf32, #tpu.memory_space<hbm>>) target(%arg19 : memref<80x128xf32, #tpu.memory_space<vmem>>) offsets(%arg14 : memref<80xi32, #tpu.memory_space<vmem>>) semaphore(%arg23 : memref<!tpu.dma_semaphore, #tpu.memory_space<semaphore_mem>>)
      %dma_wait3A_93 = arith.constant 0 : i32
      %dma_wait3A_94 = arith.constant 0 : i32
      %dma_wait3A_95 = tpu.memref_slice %arg4[%dma_wait3A_93, %dma_wait3A_94] : memref<10240x128xf32, #tpu.memory_space<hbm>> -> memref<10240x128xf32, #tpu.memory_space<hbm>>
      tpu.wait_indirect_dma semaphore(%arg23 : memref<!tpu.dma_semaphore, #tpu.memory_space<semaphore_mem>>) src(%dma_wait3A_95 : memref<10240x128xf32, #tpu.memory_space<hbm>>) dst(%arg19 : memref<80x128xf32, #tpu.memory_space<vmem>>)
      %broadcast_in_dim3A_96 = arith.constant 0.000000e+00 : f32
      %broadcast_in_dim3A_97 = vector.broadcast %broadcast_in_dim3A_96 : f32 to vector<16xf32>
      %scan3A_98 = arith.constant 0 : i32
      %scan3A_99 = arith.constant 128 : i32
      %scan3A_100 = arith.addi %scan3A_98, %scan3A_99 : i32
      %scan3A_101 = arith.constant 1 : i32
      %scan3A_102:5 = scf.for %scan3A_223 = %scan3A_98 to %scan3A_100 step %scan3A_101 iter_args(%scan3A_224 = %broadcast_in_dim3A_97, %scan3A_225 = %broadcast_in_dim3A_97, %scan3A_226 = %broadcast_in_dim3A_97, %scan3A_227 = %broadcast_in_dim3A_97, %scan3A_228 = %broadcast_in_dim3A_97) -> (vector<16xf32>, vector<16xf32>, vector<16xf32>, vector<16xf32>, vector<16xf32>)  : i32 {
        %broadcast_in_dim3A_229 = vector.broadcast %scan3A_223 : i32 to vector<16xi32>
        %gather3A = tpu.vector_load_idx %arg20[%broadcast_in_dim3A_229] : memref<128xf32, #tpu.memory_space<vmem>>[vector<16xi32>], vector<16xf32>,
        %gather3A_230 = tpu.vector_load_idx %arg17[%add3A_30, %broadcast_in_dim3A_229] : memref<80x128xf32, #tpu.memory_space<vmem>>[vector<16xi32>, vector<16xi32>], vector<16xf32>,
        %gather3A_231 = tpu.vector_load_idx %arg18[%add3A_30, %broadcast_in_dim3A_229] : memref<80x128xf32, #tpu.memory_space<vmem>>[vector<16xi32>, vector<16xi32>], vector<16xf32>,
        %add3A_232 = arith.addf %gather3A_230, %gather3A_231 : vector<16xf32>
        %max3A = arith.constant 0.000000e+00 : f32
        %max3A_233 = vector.broadcast %max3A : f32 to vector<16xf32>
        %max3A_234 = arith.maximumf %add3A_232, %max3A_233 : vector<16xf32>
        %mul3A_235 = arith.mulf %max3A_234, %gather3A : vector<16xf32>
        %add3A_236 = arith.addf %scan3A_224, %mul3A_235 : vector<16xf32>
        %gather3A_237 = tpu.vector_load_idx %arg17[%add3A_33, %broadcast_in_dim3A_229] : memref<80x128xf32, #tpu.memory_space<vmem>>[vector<16xi32>, vector<16xi32>], vector<16xf32>,
        %gather3A_238 = tpu.vector_load_idx %arg18[%add3A_33, %broadcast_in_dim3A_229] : memref<80x128xf32, #tpu.memory_space<vmem>>[vector<16xi32>, vector<16xi32>], vector<16xf32>,
        %add3A_239 = arith.addf %gather3A_237, %gather3A_238 : vector<16xf32>
        %max3A_240 = arith.constant 0.000000e+00 : f32
        %max3A_241 = vector.broadcast %max3A_240 : f32 to vector<16xf32>
        %max3A_242 = arith.maximumf %add3A_239, %max3A_241 : vector<16xf32>
        %mul3A_243 = arith.mulf %max3A_242, %gather3A : vector<16xf32>
        %add3A_244 = arith.addf %scan3A_225, %mul3A_243 : vector<16xf32>
        %gather3A_245 = tpu.vector_load_idx %arg17[%add3A_36, %broadcast_in_dim3A_229] : memref<80x128xf32, #tpu.memory_space<vmem>>[vector<16xi32>, vector<16xi32>], vector<16xf32>,
        %gather3A_246 = tpu.vector_load_idx %arg18[%add3A_36, %broadcast_in_dim3A_229] : memref<80x128xf32, #tpu.memory_space<vmem>>[vector<16xi32>, vector<16xi32>], vector<16xf32>,
        %add3A_247 = arith.addf %gather3A_245, %gather3A_246 : vector<16xf32>
        %max3A_248 = arith.constant 0.000000e+00 : f32
        %max3A_249 = vector.broadcast %max3A_248 : f32 to vector<16xf32>
        %max3A_250 = arith.maximumf %add3A_247, %max3A_249 : vector<16xf32>
        %mul3A_251 = arith.mulf %max3A_250, %gather3A : vector<16xf32>
        %add3A_252 = arith.addf %scan3A_226, %mul3A_251 : vector<16xf32>
        %gather3A_253 = tpu.vector_load_idx %arg17[%add3A_39, %broadcast_in_dim3A_229] : memref<80x128xf32, #tpu.memory_space<vmem>>[vector<16xi32>, vector<16xi32>], vector<16xf32>,
        %gather3A_254 = tpu.vector_load_idx %arg18[%add3A_39, %broadcast_in_dim3A_229] : memref<80x128xf32, #tpu.memory_space<vmem>>[vector<16xi32>, vector<16xi32>], vector<16xf32>,
        %add3A_255 = arith.addf %gather3A_253, %gather3A_254 : vector<16xf32>
        %max3A_256 = arith.constant 0.000000e+00 : f32
        %max3A_257 = vector.broadcast %max3A_256 : f32 to vector<16xf32>
        %max3A_258 = arith.maximumf %add3A_255, %max3A_257 : vector<16xf32>
        %mul3A_259 = arith.mulf %max3A_258, %gather3A : vector<16xf32>
        %add3A_260 = arith.addf %scan3A_227, %mul3A_259 : vector<16xf32>
        %gather3A_261 = tpu.vector_load_idx %arg17[%add3A_42, %broadcast_in_dim3A_229] : memref<80x128xf32, #tpu.memory_space<vmem>>[vector<16xi32>, vector<16xi32>], vector<16xf32>,
        %gather3A_262 = tpu.vector_load_idx %arg18[%add3A_42, %broadcast_in_dim3A_229] : memref<80x128xf32, #tpu.memory_space<vmem>>[vector<16xi32>, vector<16xi32>], vector<16xf32>,
        %add3A_263 = arith.addf %gather3A_261, %gather3A_262 : vector<16xf32>
        %max3A_264 = arith.constant 0.000000e+00 : f32
        %max3A_265 = vector.broadcast %max3A_264 : f32 to vector<16xf32>
        %max3A_266 = arith.maximumf %add3A_263, %max3A_265 : vector<16xf32>
        %mul3A_267 = arith.mulf %max3A_266, %gather3A : vector<16xf32>
        %add3A_268 = arith.addf %scan3A_228, %mul3A_267 : vector<16xf32>
        scf.yield %add3A_236, %add3A_244, %add3A_252, %add3A_260, %add3A_268 : vector<16xf32>, vector<16xf32>, vector<16xf32>, vector<16xf32>, vector<16xf32>
      }
      %scan3A_103 = arith.constant 128 : i32
      %add3A_104 = arith.addf %scan3A_102#0, %get3A_43 : vector<16xf32>
      %neg3A = arith.constant 0.000000e+00 : f32
      %neg3A_105 = vector.broadcast %neg3A : f32 to vector<16xf32>
      %neg3A_106 = arith.subf %neg3A_105, %add3A_104 : vector<16xf32>
      %exp3A = math.exp %neg3A_106 : vector<16xf32>
      %add3A_107 = arith.constant 1.000000e+00 : f32
      %add3A_108 = vector.broadcast %add3A_107 : f32 to vector<16xf32>
      %add3A_109 = arith.addf %add3A_108, %exp3A : vector<16xf32>
      %div3A = arith.constant 1.000000e+00 : f32
      %div3A_110 = vector.broadcast %div3A : f32 to vector<16xf32>
      %div3A_111 = arith.divf %div3A_110, %add3A_109 : vector<16xf32>
      %add3A_112 = arith.addf %scan3A_76, %div3A_111 : vector<16xf32>
      %get3A_113 = arith.constant 0 : index
      %get3A_114 = tpu.vector_load %arg16[%get3A_113] {strides = array<i32>} : memref<80xf32, #tpu.memory_space<vmem>>, vector<16xf32>,
      %mul3A_115 = arith.mulf %get3A_114, %div3A_111 : vector<16xf32>
      %abs3A = math.absf %mul3A_115 : vector<16xf32>
      %gt3A = arith.constant 1.000000e-03 : f32
      %gt3A_116 = vector.broadcast %gt3A : f32 to vector<16xf32>
      %gt3A_117 = arith.cmpf ogt, %abs3A, %gt3A_116 : vector<16xf32>
      %jit3A = arith.constant 0.000000e+00 : f32
      %broadcast_in_dim3A_118 = vector.broadcast %jit3A : f32 to vector<16xf32>
      %select_n3A = arith.select %gt3A_117, %mul3A_115, %broadcast_in_dim3A_118 : vector<16xi1>, vector<16xf32>
      %swap3A_119 = arith.constant 0 : index
      %swap3A_120 = tpu.vector_load %arg16[%swap3A_119] {strides = array<i32>} : memref<80xf32, #tpu.memory_space<vmem>>, vector<16xf32>,
      tpu.vector_store %arg16[%swap3A_119], %select_n3A {strides = array<i32>} : memref<80xf32, #tpu.memory_space<vmem>>, vector<16xf32>,
      %add3A_121 = arith.addf %scan3A_102#1, %get3A_43 : vector<16xf32>
      %neg3A_122 = arith.constant 0.000000e+00 : f32
      %neg3A_123 = vector.broadcast %neg3A_122 : f32 to vector<16xf32>
      %neg3A_124 = arith.subf %neg3A_123, %add3A_121 : vector<16xf32>
      %exp3A_125 = math.exp %neg3A_124 : vector<16xf32>
      %add3A_126 = arith.constant 1.000000e+00 : f32
      %add3A_127 = vector.broadcast %add3A_126 : f32 to vector<16xf32>
      %add3A_128 = arith.addf %add3A_127, %exp3A_125 : vector<16xf32>
      %div3A_129 = arith.constant 1.000000e+00 : f32
      %div3A_130 = vector.broadcast %div3A_129 : f32 to vector<16xf32>
      %div3A_131 = arith.divf %div3A_130, %add3A_128 : vector<16xf32>
      %add3A_132 = arith.addf %add3A_112, %div3A_131 : vector<16xf32>
      %get3A_133 = arith.constant 16 : index
      %get3A_134 = tpu.vector_load %arg16[%get3A_133] {strides = array<i32>} : memref<80xf32, #tpu.memory_space<vmem>>, vector<16xf32>,
      %mul3A_135 = arith.mulf %get3A_134, %div3A_131 : vector<16xf32>
      %abs3A_136 = math.absf %mul3A_135 : vector<16xf32>
      %gt3A_137 = arith.constant 1.000000e-03 : f32
      %gt3A_138 = vector.broadcast %gt3A_137 : f32 to vector<16xf32>
      %gt3A_139 = arith.cmpf ogt, %abs3A_136, %gt3A_138 : vector<16xf32>
      %jit3A_140 = arith.constant 0.000000e+00 : f32
      %broadcast_in_dim3A_141 = vector.broadcast %jit3A_140 : f32 to vector<16xf32>
      %select_n3A_142 = arith.select %gt3A_139, %mul3A_135, %broadcast_in_dim3A_141 : vector<16xi1>, vector<16xf32>
      %swap3A_143 = arith.constant 16 : index
      %swap3A_144 = tpu.vector_load %arg16[%swap3A_143] {strides = array<i32>} : memref<80xf32, #tpu.memory_space<vmem>>, vector<16xf32>,
      tpu.vector_store %arg16[%swap3A_143], %select_n3A_142 {strides = array<i32>} : memref<80xf32, #tpu.memory_space<vmem>>, vector<16xf32>,
      %add3A_145 = arith.addf %scan3A_102#2, %get3A_43 : vector<16xf32>
      %neg3A_146 = arith.constant 0.000000e+00 : f32
      %neg3A_147 = vector.broadcast %neg3A_146 : f32 to vector<16xf32>
      %neg3A_148 = arith.subf %neg3A_147, %add3A_145 : vector<16xf32>
      %exp3A_149 = math.exp %neg3A_148 : vector<16xf32>
      %add3A_150 = arith.constant 1.000000e+00 : f32
      %add3A_151 = vector.broadcast %add3A_150 : f32 to vector<16xf32>
      %add3A_152 = arith.addf %add3A_151, %exp3A_149 : vector<16xf32>
      %div3A_153 = arith.constant 1.000000e+00 : f32
      %div3A_154 = vector.broadcast %div3A_153 : f32 to vector<16xf32>
      %div3A_155 = arith.divf %div3A_154, %add3A_152 : vector<16xf32>
      %add3A_156 = arith.addf %add3A_132, %div3A_155 : vector<16xf32>
      %get3A_157 = arith.constant 32 : index
      %get3A_158 = tpu.vector_load %arg16[%get3A_157] {strides = array<i32>} : memref<80xf32, #tpu.memory_space<vmem>>, vector<16xf32>,
      %mul3A_159 = arith.mulf %get3A_158, %div3A_155 : vector<16xf32>
      %abs3A_160 = math.absf %mul3A_159 : vector<16xf32>
      %gt3A_161 = arith.constant 1.000000e-03 : f32
      %gt3A_162 = vector.broadcast %gt3A_161 : f32 to vector<16xf32>
      %gt3A_163 = arith.cmpf ogt, %abs3A_160, %gt3A_162 : vector<16xf32>
      %jit3A_164 = arith.constant 0.000000e+00 : f32
      %broadcast_in_dim3A_165 = vector.broadcast %jit3A_164 : f32 to vector<16xf32>
      %select_n3A_166 = arith.select %gt3A_163, %mul3A_159, %broadcast_in_dim3A_165 : vector<16xi1>, vector<16xf32>
      %swap3A_167 = arith.constant 32 : index
      %swap3A_168 = tpu.vector_load %arg16[%swap3A_167] {strides = array<i32>} : memref<80xf32, #tpu.memory_space<vmem>>, vector<16xf32>,
      tpu.vector_store %arg16[%swap3A_167], %select_n3A_166 {strides = array<i32>} : memref<80xf32, #tpu.memory_space<vmem>>, vector<16xf32>,
      %add3A_169 = arith.addf %scan3A_102#3, %get3A_43 : vector<16xf32>
      %neg3A_170 = arith.constant 0.000000e+00 : f32
      %neg3A_171 = vector.broadcast %neg3A_170 : f32 to vector<16xf32>
      %neg3A_172 = arith.subf %neg3A_171, %add3A_169 : vector<16xf32>
      %exp3A_173 = math.exp %neg3A_172 : vector<16xf32>
      %add3A_174 = arith.constant 1.000000e+00 : f32
      %add3A_175 = vector.broadcast %add3A_174 : f32 to vector<16xf32>
      %add3A_176 = arith.addf %add3A_175, %exp3A_173 : vector<16xf32>
      %div3A_177 = arith.constant 1.000000e+00 : f32
      %div3A_178 = vector.broadcast %div3A_177 : f32 to vector<16xf32>
      %div3A_179 = arith.divf %div3A_178, %add3A_176 : vector<16xf32>
      %add3A_180 = arith.addf %add3A_156, %div3A_179 : vector<16xf32>
      %get3A_181 = arith.constant 48 : index
      %get3A_182 = tpu.vector_load %arg16[%get3A_181] {strides = array<i32>} : memref<80xf32, #tpu.memory_space<vmem>>, vector<16xf32>,
      %mul3A_183 = arith.mulf %get3A_182, %div3A_179 : vector<16xf32>
      %abs3A_184 = math.absf %mul3A_183 : vector<16xf32>
      %gt3A_185 = arith.constant 1.000000e-03 : f32
      %gt3A_186 = vector.broadcast %gt3A_185 : f32 to vector<16xf32>
      %gt3A_187 = arith.cmpf ogt, %abs3A_184, %gt3A_186 : vector<16xf32>
      %jit3A_188 = arith.constant 0.000000e+00 : f32
      %broadcast_in_dim3A_189 = vector.broadcast %jit3A_188 : f32 to vector<16xf32>
      %select_n3A_190 = arith.select %gt3A_187, %mul3A_183, %broadcast_in_dim3A_189 : vector<16xi1>, vector<16xf32>
      %swap3A_191 = arith.constant 48 : index
      %swap3A_192 = tpu.vector_load %arg16[%swap3A_191] {strides = array<i32>} : memref<80xf32, #tpu.memory_space<vmem>>, vector<16xf32>,
      tpu.vector_store %arg16[%swap3A_191], %select_n3A_190 {strides = array<i32>} : memref<80xf32, #tpu.memory_space<vmem>>, vector<16xf32>,
      %add3A_193 = arith.addf %scan3A_102#4, %get3A_43 : vector<16xf32>
      %neg3A_194 = arith.constant 0.000000e+00 : f32
      %neg3A_195 = vector.broadcast %neg3A_194 : f32 to vector<16xf32>
      %neg3A_196 = arith.subf %neg3A_195, %add3A_193 : vector<16xf32>
      %exp3A_197 = math.exp %neg3A_196 : vector<16xf32>
      %add3A_198 = arith.constant 1.000000e+00 : f32
      %add3A_199 = vector.broadcast %add3A_198 : f32 to vector<16xf32>
      %add3A_200 = arith.addf %add3A_199, %exp3A_197 : vector<16xf32>
      %div3A_201 = arith.constant 1.000000e+00 : f32
      %div3A_202 = vector.broadcast %div3A_201 : f32 to vector<16xf32>
      %div3A_203 = arith.divf %div3A_202, %add3A_200 : vector<16xf32>
      %add3A_204 = arith.addf %add3A_180, %div3A_203 : vector<16xf32>
      %get3A_205 = arith.constant 64 : index
      %get3A_206 = tpu.vector_load %arg16[%get3A_205] {strides = array<i32>} : memref<80xf32, #tpu.memory_space<vmem>>, vector<16xf32>,
      %mul3A_207 = arith.mulf %get3A_206, %div3A_203 : vector<16xf32>
      %abs3A_208 = math.absf %mul3A_207 : vector<16xf32>
      %gt3A_209 = arith.constant 1.000000e-03 : f32
      %gt3A_210 = vector.broadcast %gt3A_209 : f32 to vector<16xf32>
      %gt3A_211 = arith.cmpf ogt, %abs3A_208, %gt3A_210 : vector<16xf32>
      %jit3A_212 = arith.constant 0.000000e+00 : f32
      %broadcast_in_dim3A_213 = vector.broadcast %jit3A_212 : f32 to vector<16xf32>
      %select_n3A_214 = arith.select %gt3A_211, %mul3A_207, %broadcast_in_dim3A_213 : vector<16xi1>, vector<16xf32>
      %swap3A_215 = arith.constant 64 : index
      %swap3A_216 = tpu.vector_load %arg16[%swap3A_215] {strides = array<i32>} : memref<80xf32, #tpu.memory_space<vmem>>, vector<16xf32>,
      tpu.vector_store %arg16[%swap3A_215], %select_n3A_214 {strides = array<i32>} : memref<80xf32, #tpu.memory_space<vmem>>, vector<16xf32>,
      %scan3A_217 = arith.constant 0 : i32
      %scan3A_218 = arith.constant 0 : i32
      %scan3A_219 = arith.constant 80 : i32
      %scan3A_220 = arith.addi %scan3A_218, %scan3A_219 : i32
      %scan3A_221 = arith.constant 1 : i32
      scf.for %scan3A_223 = %scan3A_218 to %scan3A_220 step %scan3A_221  : i32 {
        %broadcast_in_dim3A_224 = vector.broadcast %scan3A_223 : i32 to vector<16xi32>
        %gather3A = tpu.vector_load_idx %arg16[%broadcast_in_dim3A_224] : memref<80xf32, #tpu.memory_space<vmem>>[vector<16xi32>], vector<16xf32>,
        %get3A_225 = arith.index_cast %scan3A_223 : i32 to index
        %get3A_226 = arith.constant 0 : index
        %get3A_227 = tpu.vector_load %arg19[%get3A_225, %get3A_226] {strides = array<i32>} : memref<80x128xf32, #tpu.memory_space<vmem>>, vector<16xf32>,
        %mul3A_228 = arith.mulf %get3A_227, %gather3A : vector<16xf32>
        %swap3A_229 = arith.index_cast %scan3A_223 : i32 to index
        %swap3A_230 = arith.constant 0 : index
        %swap3A_231 = tpu.vector_load %arg19[%swap3A_229, %swap3A_230] {strides = array<i32>} : memref<80x128xf32, #tpu.memory_space<vmem>>, vector<16xf32>,
        tpu.vector_store %arg19[%swap3A_229, %swap3A_230], %mul3A_228 {strides = array<i32>} : memref<80x128xf32, #tpu.memory_space<vmem>>, vector<16xf32>,
        %get3A_232 = arith.index_cast %scan3A_223 : i32 to index
        %get3A_233 = arith.constant 16 : index
        %get3A_234 = tpu.vector_load %arg19[%get3A_232, %get3A_233] {strides = array<i32>} : memref<80x128xf32, #tpu.memory_space<vmem>>, vector<16xf32>,
        %mul3A_235 = arith.mulf %get3A_234, %gather3A : vector<16xf32>
        %swap3A_236 = arith.index_cast %scan3A_223 : i32 to index
        %swap3A_237 = arith.constant 16 : index
        %swap3A_238 = tpu.vector_load %arg19[%swap3A_236, %swap3A_237] {strides = array<i32>} : memref<80x128xf32, #tpu.memory_space<vmem>>, vector<16xf32>,
        tpu.vector_store %arg19[%swap3A_236, %swap3A_237], %mul3A_235 {strides = array<i32>} : memref<80x128xf32, #tpu.memory_space<vmem>>, vector<16xf32>,
        %get3A_239 = arith.index_cast %scan3A_223 : i32 to index
        %get3A_240 = arith.constant 32 : index
        %get3A_241 = tpu.vector_load %arg19[%get3A_239, %get3A_240] {strides = array<i32>} : memref<80x128xf32, #tpu.memory_space<vmem>>, vector<16xf32>,
        %mul3A_242 = arith.mulf %get3A_241, %gather3A : vector<16xf32>
        %swap3A_243 = arith.index_cast %scan3A_223 : i32 to index
        %swap3A_244 = arith.constant 32 : index
        %swap3A_245 = tpu.vector_load %arg19[%swap3A_243, %swap3A_244] {strides = array<i32>} : memref<80x128xf32, #tpu.memory_space<vmem>>, vector<16xf32>,
        tpu.vector_store %arg19[%swap3A_243, %swap3A_244], %mul3A_242 {strides = array<i32>} : memref<80x128xf32, #tpu.memory_space<vmem>>, vector<16xf32>,
        %get3A_246 = arith.index_cast %scan3A_223 : i32 to index
        %get3A_247 = arith.constant 48 : index
        %get3A_248 = tpu.vector_load %arg19[%get3A_246, %get3A_247] {strides = array<i32>} : memref<80x128xf32, #tpu.memory_space<vmem>>, vector<16xf32>,
        %mul3A_249 = arith.mulf %get3A_248, %gather3A : vector<16xf32>
        %swap3A_250 = arith.index_cast %scan3A_223 : i32 to index
        %swap3A_251 = arith.constant 48 : index
        %swap3A_252 = tpu.vector_load %arg19[%swap3A_250, %swap3A_251] {strides = array<i32>} : memref<80x128xf32, #tpu.memory_space<vmem>>, vector<16xf32>,
        tpu.vector_store %arg19[%swap3A_250, %swap3A_251], %mul3A_249 {strides = array<i32>} : memref<80x128xf32, #tpu.memory_space<vmem>>, vector<16xf32>,
        %get3A_253 = arith.index_cast %scan3A_223 : i32 to index
        %get3A_254 = arith.constant 64 : index
        %get3A_255 = tpu.vector_load %arg19[%get3A_253, %get3A_254] {strides = array<i32>} : memref<80x128xf32, #tpu.memory_space<vmem>>, vector<16xf32>,
        %mul3A_256 = arith.mulf %get3A_255, %gather3A : vector<16xf32>
        %swap3A_257 = arith.index_cast %scan3A_223 : i32 to index
        %swap3A_258 = arith.constant 64 : index
        %swap3A_259 = tpu.vector_load %arg19[%swap3A_257, %swap3A_258] {strides = array<i32>} : memref<80x128xf32, #tpu.memory_space<vmem>>, vector<16xf32>,
        tpu.vector_store %arg19[%swap3A_257, %swap3A_258], %mul3A_256 {strides = array<i32>} : memref<80x128xf32, #tpu.memory_space<vmem>>, vector<16xf32>,
        %get3A_260 = arith.index_cast %scan3A_223 : i32 to index
        %get3A_261 = arith.constant 80 : index
        %get3A_262 = tpu.vector_load %arg19[%get3A_260, %get3A_261] {strides = array<i32>} : memref<80x128xf32, #tpu.memory_space<vmem>>, vector<16xf32>,
        %mul3A_263 = arith.mulf %get3A_262, %gather3A : vector<16xf32>
        %swap3A_264 = arith.index_cast %scan3A_223 : i32 to index
        %swap3A_265 = arith.constant 80 : index
        %swap3A_266 = tpu.vector_load %arg19[%swap3A_264, %swap3A_265] {strides = array<i32>} : memref<80x128xf32, #tpu.memory_space<vmem>>, vector<16xf32>,
        tpu.vector_store %arg19[%swap3A_264, %swap3A_265], %mul3A_263 {strides = array<i32>} : memref<80x128xf32, #tpu.memory_space<vmem>>, vector<16xf32>,
        %get3A_267 = arith.index_cast %scan3A_223 : i32 to index
        %get3A_268 = arith.constant 96 : index
        %get3A_269 = tpu.vector_load %arg19[%get3A_267, %get3A_268] {strides = array<i32>} : memref<80x128xf32, #tpu.memory_space<vmem>>, vector<16xf32>,
        %mul3A_270 = arith.mulf %get3A_269, %gather3A : vector<16xf32>
        %swap3A_271 = arith.index_cast %scan3A_223 : i32 to index
        %swap3A_272 = arith.constant 96 : index
        %swap3A_273 = tpu.vector_load %arg19[%swap3A_271, %swap3A_272] {strides = array<i32>} : memref<80x128xf32, #tpu.memory_space<vmem>>, vector<16xf32>,
        tpu.vector_store %arg19[%swap3A_271, %swap3A_272], %mul3A_270 {strides = array<i32>} : memref<80x128xf32, #tpu.memory_space<vmem>>, vector<16xf32>,
        %get3A_274 = arith.index_cast %scan3A_223 : i32 to index
        %get3A_275 = arith.constant 112 : index
        %get3A_276 = tpu.vector_load %arg19[%get3A_274, %get3A_275] {strides = array<i32>} : memref<80x128xf32, #tpu.memory_space<vmem>>, vector<16xf32>,
        %mul3A_277 = arith.mulf %get3A_276, %gather3A : vector<16xf32>
        %swap3A_278 = arith.index_cast %scan3A_223 : i32 to index
        %swap3A_279 = arith.constant 112 : index
        %swap3A_280 = tpu.vector_load %arg19[%swap3A_278, %swap3A_279] {strides = array<i32>} : memref<80x128xf32, #tpu.memory_space<vmem>>, vector<16xf32>,
        tpu.vector_store %arg19[%swap3A_278, %swap3A_279], %mul3A_277 {strides = array<i32>} : memref<80x128xf32, #tpu.memory_space<vmem>>, vector<16xf32>,
      }
      %scan3A_222 = arith.constant 80 : i32
      "tpu.region"() ({
        %run_scoped3A = tpu.sem_alloc : memref<!tpu.dma_semaphore, #tpu.memory_space<semaphore_mem>>
        %dma_start3A_223 = arith.constant 0 : i32
        %dma_start3A_224 = arith.constant 0 : i32
        %dma_start3A_225 = tpu.memref_slice %arg12[%dma_start3A_223, %dma_start3A_224] : memref<10240x128xf32, #tpu.memory_space<vmem_shared>> -> memref<10240x128xf32, #tpu.memory_space<vmem_shared>>
        tpu.enqueue_indirect_dma source(%arg19 : memref<80x128xf32, #tpu.memory_space<vmem>>) target(%dma_start3A_225 : memref<10240x128xf32, #tpu.memory_space<vmem_shared>>) offsets(%arg15 : memref<80xi32, #tpu.memory_space<vmem>>) semaphore(%run_scoped3A : memref<!tpu.dma_semaphore, #tpu.memory_space<semaphore_mem>>) {add = true}
        %dma_wait3A_226 = arith.constant 0 : i32
        %dma_wait3A_227 = arith.constant 0 : i32
        %dma_wait3A_228 = tpu.memref_slice %arg12[%dma_wait3A_226, %dma_wait3A_227] : memref<10240x128xf32, #tpu.memory_space<vmem_shared>> -> memref<10240x128xf32, #tpu.memory_space<vmem_shared>>
        tpu.wait_indirect_dma semaphore(%run_scoped3A : memref<!tpu.dma_semaphore, #tpu.memory_space<semaphore_mem>>) src(%arg19 : memref<80x128xf32, #tpu.memory_space<vmem>>) dst(%dma_wait3A_228 : memref<10240x128xf32, #tpu.memory_space<vmem_shared>>)
        tpu.yield
      }) : () -> ()
      scf.yield %add3A_204 : vector<16xf32>
    }
    %scan3A_50 = arith.constant 125 : i32
    %swap3A = arith.constant 0 : index
    %swap3A_51 = tpu.vector_load %arg22[%swap3A] {strides = array<i32>} : memref<16xf32, #tpu.memory_space<vmem>>, vector<16xf32>,
    tpu.vector_store %arg22[%swap3A], %scan3A_49 {strides = array<i32>} : memref<16xf32, #tpu.memory_space<vmem>>, vector<16xf32>,
    %mul3A_52 = arith.constant 16 : i32
    %mul3A_53 = arith.muli %add3A, %mul3A_52 : i32
    "tpu.region"() ({
      %run_scoped3A = tpu.sem_alloc : memref<!tpu.dma_semaphore, #tpu.memory_space<semaphore_mem>>
      %dma_start3A = tpu.memref_slice %arg11[%mul3A_53] : memref<512xf32, #tpu.memory_space<hbm>> -> memref<16xf32, #tpu.memory_space<hbm>>
      %dma_start3A_75 = tpu.memref_slice %arg11[%mul3A_53] : memref<512xf32, #tpu.memory_space<hbm>> -> memref<16xf32, #tpu.memory_space<hbm>>
      tpu.enqueue_dma source(%arg22 : memref<16xf32, #tpu.memory_space<vmem>>) target(%dma_start3A_75 : memref<16xf32, #tpu.memory_space<hbm>>) target_semaphore(%run_scoped3A : memref<!tpu.dma_semaphore, #tpu.memory_space<semaphore_mem>>)
      %dma_wait3A = tpu.memref_slice %arg11[%mul3A_53] : memref<512xf32, #tpu.memory_space<hbm>> -> memref<16xf32, #tpu.memory_space<hbm>>
      %dma_wait3A_76 = tpu.memref_slice %arg11[%mul3A_53] : memref<512xf32, #tpu.memory_space<hbm>> -> memref<16xf32, #tpu.memory_space<hbm>>
      tpu.wait_dma2 semaphore(%run_scoped3A : memref<!tpu.dma_semaphore, #tpu.memory_space<semaphore_mem>>) src(%arg22 : memref<16xf32, #tpu.memory_space<vmem>>) dst(%dma_wait3A_76 : memref<16xf32, #tpu.memory_space<hbm>>)
      tpu.yield
    }) : () -> ()
    %barrier3A_54 = arith.constant 0 : index
    tpu.barrier barrier_id(%barrier3A_54)
    %mul3A_55 = arith.constant 640 : i32
    %mul3A_56 = arith.muli %arg1, %mul3A_55 : i32
    %add3A_57 = arith.constant 0 : i32
    %add3A_58 = arith.addi %mul3A_56, %add3A_57 : i32
    "tpu.region"() ({
      %run_scoped3A = tpu.sem_alloc : memref<!tpu.dma_semaphore, #tpu.memory_space<semaphore_mem>>
      %dma_start3A = arith.constant 0 : i32
      %dma_start3A_75 = tpu.memref_slice %arg10[%arg0, %add3A_58, %dma_start3A] : memref<2x10240x128xf32, #tpu.memory_space<hbm>> -> memref<1x128x128xf32, #tpu.memory_space<hbm>>
      %dma_start3A_76 = tpu.memref_squeeze %dma_start3A_75 : memref<1x128x128xf32, #tpu.memory_space<hbm>> -> memref<128x128xf32, #tpu.memory_space<hbm>>
      %dma_start3A_77 = arith.constant 0 : i32
      %dma_start3A_78 = tpu.memref_slice %arg12[%add3A_58, %dma_start3A_77] : memref<10240x128xf32, #tpu.memory_space<vmem_shared>> -> memref<128x128xf32, #tpu.memory_space<vmem_shared>>
      tpu.enqueue_dma source(%dma_start3A_78 : memref<128x128xf32, #tpu.memory_space<vmem_shared>>) target(%dma_start3A_76 : memref<128x128xf32, #tpu.memory_space<hbm>>) target_semaphore(%run_scoped3A : memref<!tpu.dma_semaphore, #tpu.memory_space<semaphore_mem>>)
      %dma_wait3A = arith.constant 0 : i32
      %dma_wait3A_79 = tpu.memref_slice %arg10[%arg0, %add3A_58, %dma_wait3A] : memref<2x10240x128xf32, #tpu.memory_space<hbm>> -> memref<1x128x128xf32, #tpu.memory_space<hbm>>
      %dma_wait3A_80 = tpu.memref_squeeze %dma_wait3A_79 : memref<1x128x128xf32, #tpu.memory_space<hbm>> -> memref<128x128xf32, #tpu.memory_space<hbm>>
      %dma_wait3A_81 = arith.constant 0 : i32
      %dma_wait3A_82 = tpu.memref_slice %arg12[%add3A_58, %dma_wait3A_81] : memref<10240x128xf32, #tpu.memory_space<vmem_shared>> -> memref<128x128xf32, #tpu.memory_space<vmem_shared>>
      tpu.wait_dma2 semaphore(%run_scoped3A : memref<!tpu.dma_semaphore, #tpu.memory_space<semaphore_mem>>) src(%dma_wait3A_82 : memref<128x128xf32, #tpu.memory_space<vmem_shared>>) dst(%dma_wait3A_80 : memref<128x128xf32, #tpu.memory_space<hbm>>)
      tpu.yield
    }) : () -> ()
    %mul3A_59 = arith.constant 640 : i32
    %mul3A_60 = arith.muli %arg1, %mul3A_59 : i32
    %add3A_61 = arith.constant 128 : i32
    %add3A_62 = arith.addi %mul3A_60, %add3A_61 : i32
    "tpu.region"() ({
      %run_scoped3A = tpu.sem_alloc : memref<!tpu.dma_semaphore, #tpu.memory_space<semaphore_mem>>
      %dma_start3A = arith.constant 0 : i32
      %dma_start3A_75 = tpu.memref_slice %arg10[%arg0, %add3A_62, %dma_start3A] : memref<2x10240x128xf32, #tpu.memory_space<hbm>> -> memref<1x128x128xf32, #tpu.memory_space<hbm>>
      %dma_start3A_76 = tpu.memref_squeeze %dma_start3A_75 : memref<1x128x128xf32, #tpu.memory_space<hbm>> -> memref<128x128xf32, #tpu.memory_space<hbm>>
      %dma_start3A_77 = arith.constant 0 : i32
      %dma_start3A_78 = tpu.memref_slice %arg12[%add3A_62, %dma_start3A_77] : memref<10240x128xf32, #tpu.memory_space<vmem_shared>> -> memref<128x128xf32, #tpu.memory_space<vmem_shared>>
      tpu.enqueue_dma source(%dma_start3A_78 : memref<128x128xf32, #tpu.memory_space<vmem_shared>>) target(%dma_start3A_76 : memref<128x128xf32, #tpu.memory_space<hbm>>) target_semaphore(%run_scoped3A : memref<!tpu.dma_semaphore, #tpu.memory_space<semaphore_mem>>)
      %dma_wait3A = arith.constant 0 : i32
      %dma_wait3A_79 = tpu.memref_slice %arg10[%arg0, %add3A_62, %dma_wait3A] : memref<2x10240x128xf32, #tpu.memory_space<hbm>> -> memref<1x128x128xf32, #tpu.memory_space<hbm>>
      %dma_wait3A_80 = tpu.memref_squeeze %dma_wait3A_79 : memref<1x128x128xf32, #tpu.memory_space<hbm>> -> memref<128x128xf32, #tpu.memory_space<hbm>>
      %dma_wait3A_81 = arith.constant 0 : i32
      %dma_wait3A_82 = tpu.memref_slice %arg12[%add3A_62, %dma_wait3A_81] : memref<10240x128xf32, #tpu.memory_space<vmem_shared>> -> memref<128x128xf32, #tpu.memory_space<vmem_shared>>
      tpu.wait_dma2 semaphore(%run_scoped3A : memref<!tpu.dma_semaphore, #tpu.memory_space<semaphore_mem>>) src(%dma_wait3A_82 : memref<128x128xf32, #tpu.memory_space<vmem_shared>>) dst(%dma_wait3A_80 : memref<128x128xf32, #tpu.memory_space<hbm>>)
      tpu.yield
    }) : () -> ()
    %mul3A_63 = arith.constant 640 : i32
    %mul3A_64 = arith.muli %arg1, %mul3A_63 : i32
    %add3A_65 = arith.constant 256 : i32
    %add3A_66 = arith.addi %mul3A_64, %add3A_65 : i32
    "tpu.region"() ({
      %run_scoped3A = tpu.sem_alloc : memref<!tpu.dma_semaphore, #tpu.memory_space<semaphore_mem>>
      %dma_start3A = arith.constant 0 : i32
      %dma_start3A_75 = tpu.memref_slice %arg10[%arg0, %add3A_66, %dma_start3A] : memref<2x10240x128xf32, #tpu.memory_space<hbm>> -> memref<1x128x128xf32, #tpu.memory_space<hbm>>
      %dma_start3A_76 = tpu.memref_squeeze %dma_start3A_75 : memref<1x128x128xf32, #tpu.memory_space<hbm>> -> memref<128x128xf32, #tpu.memory_space<hbm>>
      %dma_start3A_77 = arith.constant 0 : i32
      %dma_start3A_78 = tpu.memref_slice %arg12[%add3A_66, %dma_start3A_77] : memref<10240x128xf32, #tpu.memory_space<vmem_shared>> -> memref<128x128xf32, #tpu.memory_space<vmem_shared>>
      tpu.enqueue_dma source(%dma_start3A_78 : memref<128x128xf32, #tpu.memory_space<vmem_shared>>) target(%dma_start3A_76 : memref<128x128xf32, #tpu.memory_space<hbm>>) target_semaphore(%run_scoped3A : memref<!tpu.dma_semaphore, #tpu.memory_space<semaphore_mem>>)
      %dma_wait3A = arith.constant 0 : i32
      %dma_wait3A_79 = tpu.memref_slice %arg10[%arg0, %add3A_66, %dma_wait3A] : memref<2x10240x128xf32, #tpu.memory_space<hbm>> -> memref<1x128x128xf32, #tpu.memory_space<hbm>>
      %dma_wait3A_80 = tpu.memref_squeeze %dma_wait3A_79 : memref<1x128x128xf32, #tpu.memory_space<hbm>> -> memref<128x128xf32, #tpu.memory_space<hbm>>
      %dma_wait3A_81 = arith.constant 0 : i32
      %dma_wait3A_82 = tpu.memref_slice %arg12[%add3A_66, %dma_wait3A_81] : memref<10240x128xf32, #tpu.memory_space<vmem_shared>> -> memref<128x128xf32, #tpu.memory_space<vmem_shared>>
      tpu.wait_dma2 semaphore(%run_scoped3A : memref<!tpu.dma_semaphore, #tpu.memory_space<semaphore_mem>>) src(%dma_wait3A_82 : memref<128x128xf32, #tpu.memory_space<vmem_shared>>) dst(%dma_wait3A_80 : memref<128x128xf32, #tpu.memory_space<hbm>>)
      tpu.yield
    }) : () -> ()
    %mul3A_67 = arith.constant 640 : i32
    %mul3A_68 = arith.muli %arg1, %mul3A_67 : i32
    %add3A_69 = arith.constant 384 : i32
    %add3A_70 = arith.addi %mul3A_68, %add3A_69 : i32
    "tpu.region"() ({
      %run_scoped3A = tpu.sem_alloc : memref<!tpu.dma_semaphore, #tpu.memory_space<semaphore_mem>>
      %dma_start3A = arith.constant 0 : i32
      %dma_start3A_75 = tpu.memref_slice %arg10[%arg0, %add3A_70, %dma_start3A] : memref<2x10240x128xf32, #tpu.memory_space<hbm>> -> memref<1x128x128xf32, #tpu.memory_space<hbm>>
      %dma_start3A_76 = tpu.memref_squeeze %dma_start3A_75 : memref<1x128x128xf32, #tpu.memory_space<hbm>> -> memref<128x128xf32, #tpu.memory_space<hbm>>
      %dma_start3A_77 = arith.constant 0 : i32
      %dma_start3A_78 = tpu.memref_slice %arg12[%add3A_70, %dma_start3A_77] : memref<10240x128xf32, #tpu.memory_space<vmem_shared>> -> memref<128x128xf32, #tpu.memory_space<vmem_shared>>
      tpu.enqueue_dma source(%dma_start3A_78 : memref<128x128xf32, #tpu.memory_space<vmem_shared>>) target(%dma_start3A_76 : memref<128x128xf32, #tpu.memory_space<hbm>>) target_semaphore(%run_scoped3A : memref<!tpu.dma_semaphore, #tpu.memory_space<semaphore_mem>>)
      %dma_wait3A = arith.constant 0 : i32
      %dma_wait3A_79 = tpu.memref_slice %arg10[%arg0, %add3A_70, %dma_wait3A] : memref<2x10240x128xf32, #tpu.memory_space<hbm>> -> memref<1x128x128xf32, #tpu.memory_space<hbm>>
      %dma_wait3A_80 = tpu.memref_squeeze %dma_wait3A_79 : memref<1x128x128xf32, #tpu.memory_space<hbm>> -> memref<128x128xf32, #tpu.memory_space<hbm>>
      %dma_wait3A_81 = arith.constant 0 : i32
      %dma_wait3A_82 = tpu.memref_slice %arg12[%add3A_70, %dma_wait3A_81] : memref<10240x128xf32, #tpu.memory_space<vmem_shared>> -> memref<128x128xf32, #tpu.memory_space<vmem_shared>>
      tpu.wait_dma2 semaphore(%run_scoped3A : memref<!tpu.dma_semaphore, #tpu.memory_space<semaphore_mem>>) src(%dma_wait3A_82 : memref<128x128xf32, #tpu.memory_space<vmem_shared>>) dst(%dma_wait3A_80 : memref<128x128xf32, #tpu.memory_space<hbm>>)
      tpu.yield
    }) : () -> ()
    %mul3A_71 = arith.constant 640 : i32
    %mul3A_72 = arith.muli %arg1, %mul3A_71 : i32
    %add3A_73 = arith.constant 512 : i32
    %add3A_74 = arith.addi %mul3A_72, %add3A_73 : i32
    "tpu.region"() ({
      %run_scoped3A = tpu.sem_alloc : memref<!tpu.dma_semaphore, #tpu.memory_space<semaphore_mem>>
      %dma_start3A = arith.constant 0 : i32
      %dma_start3A_75 = tpu.memref_slice %arg10[%arg0, %add3A_74, %dma_start3A] : memref<2x10240x128xf32, #tpu.memory_space<hbm>> -> memref<1x128x128xf32, #tpu.memory_space<hbm>>
      %dma_start3A_76 = tpu.memref_squeeze %dma_start3A_75 : memref<1x128x128xf32, #tpu.memory_space<hbm>> -> memref<128x128xf32, #tpu.memory_space<hbm>>
      %dma_start3A_77 = arith.constant 0 : i32
      %dma_start3A_78 = tpu.memref_slice %arg12[%add3A_74, %dma_start3A_77] : memref<10240x128xf32, #tpu.memory_space<vmem_shared>> -> memref<128x128xf32, #tpu.memory_space<vmem_shared>>
      tpu.enqueue_dma source(%dma_start3A_78 : memref<128x128xf32, #tpu.memory_space<vmem_shared>>) target(%dma_start3A_76 : memref<128x128xf32, #tpu.memory_space<hbm>>) target_semaphore(%run_scoped3A : memref<!tpu.dma_semaphore, #tpu.memory_space<semaphore_mem>>)
      %dma_wait3A = arith.constant 0 : i32
      %dma_wait3A_79 = tpu.memref_slice %arg10[%arg0, %add3A_74, %dma_wait3A] : memref<2x10240x128xf32, #tpu.memory_space<hbm>> -> memref<1x128x128xf32, #tpu.memory_space<hbm>>
      %dma_wait3A_80 = tpu.memref_squeeze %dma_wait3A_79 : memref<1x128x128xf32, #tpu.memory_space<hbm>> -> memref<128x128xf32, #tpu.memory_space<hbm>>
      %dma_wait3A_81 = arith.constant 0 : i32
      %dma_wait3A_82 = tpu.memref_slice %arg12[%add3A_74, %dma_wait3A_81] : memref<10240x128xf32, #tpu.memory_space<vmem_shared>> -> memref<128x128xf32, #tpu.memory_space<vmem_shared>>
      tpu.wait_dma2 semaphore(%run_scoped3A : memref<!tpu.dma_semaphore, #tpu.memory_space<semaphore_mem>>) src(%dma_wait3A_82 : memref<128x128xf32, #tpu.memory_space<vmem_shared>>) dst(%dma_wait3A_80 : memref<128x128xf32, #tpu.memory_space<hbm>>)
      tpu.yield
    }) : () -> ()
    return
  }
}

#map = affine_map<(d0, d1) -> (0)>
module attributes {stable_mosaic.version = 14 : i64} {
  func.func @_sc3_body(%arg0: i32, %arg1: i32, %arg2: memref<40960xf32, #tpu.memory_space<hbm>>, %arg3: memref<102400xi32, #tpu.memory_space<hbm>>, %arg4: memref<102400xi32, #tpu.memory_space<hbm>>, %arg5: memref<102400xf32, #tpu.memory_space<hbm>>, %arg6: memref<102400xf32, #tpu.memory_space<hbm>>, %arg7: memref<40960xf32, #tpu.memory_space<vmem>>, %arg8: memref<80xi32, #tpu.memory_space<vmem>>, %arg9: memref<80xi32, #tpu.memory_space<vmem>>, %arg10: memref<80xf32, #tpu.memory_space<vmem>>, %arg11: memref<80xf32, #tpu.memory_space<vmem>>, %arg12: memref<!tpu.dma_semaphore, #tpu.memory_space<semaphore_mem>>) attributes {dimension_semantics = [#tpu.dimension_semantics<core_parallel>, #tpu.dimension_semantics<subcore_parallel>], iteration_bounds = array<i64: 2, 16>, scalar_prefetch = 0 : i64, scratch_operands = 6 : i64, tpu.core_type = #tpu.core_type<sc_vector_subcore>, window_params = [{transform_indices = #map}, {transform_indices = #map}, {transform_indices = #map}, {transform_indices = #map}, {transform_indices = #map}]} {
    %mul3A = arith.constant 16 : i32
    %mul3A_0 = arith.muli %arg0, %mul3A : i32
    %add3A = arith.addi %mul3A_0, %arg1 : i32
    %mul3A_1 = arith.constant 3200 : i32
    %mul3A_2 = arith.muli %add3A, %mul3A_1 : i32
    "tpu.region"() ({
      %run_scoped3A = tpu.sem_alloc : memref<!tpu.dma_semaphore, #tpu.memory_space<semaphore_mem>>
      tpu.enqueue_dma source(%arg2 : memref<40960xf32, #tpu.memory_space<hbm>>) target(%arg7 : memref<40960xf32, #tpu.memory_space<vmem>>) target_semaphore(%run_scoped3A : memref<!tpu.dma_semaphore, #tpu.memory_space<semaphore_mem>>)
      tpu.wait_dma2 semaphore(%run_scoped3A : memref<!tpu.dma_semaphore, #tpu.memory_space<semaphore_mem>>) src(%arg2 : memref<40960xf32, #tpu.memory_space<hbm>>) dst(%arg7 : memref<40960xf32, #tpu.memory_space<vmem>>)
      tpu.yield
    }) : () -> ()
    %scan3A = arith.constant 0 : i32
    %scan3A_3 = arith.constant 0 : i32
    %scan3A_4 = arith.constant 40 : i32
    %scan3A_5 = arith.addi %scan3A_3, %scan3A_4 : i32
    %scan3A_6 = arith.constant 1 : i32
    scf.for %scan3A_8 = %scan3A_3 to %scan3A_5 step %scan3A_6  : i32 {
      %mul3A_9 = arith.constant 80 : i32
      %mul3A_10 = arith.muli %scan3A_8, %mul3A_9 : i32
      %add3A_11 = arith.addi %mul3A_2, %mul3A_10 : i32
      "tpu.region"() ({
        %run_scoped3A = tpu.sem_alloc : memref<!tpu.dma_semaphore, #tpu.memory_space<semaphore_mem>>
        %dma_start3A = tpu.memref_slice %arg3[%add3A_11] : memref<102400xi32, #tpu.memory_space<hbm>> -> memref<80xi32, #tpu.memory_space<hbm>>
        %dma_start3A_154 = tpu.memref_slice %arg3[%add3A_11] : memref<102400xi32, #tpu.memory_space<hbm>> -> memref<80xi32, #tpu.memory_space<hbm>>
        tpu.enqueue_dma source(%dma_start3A_154 : memref<80xi32, #tpu.memory_space<hbm>>) target(%arg8 : memref<80xi32, #tpu.memory_space<vmem>>) target_semaphore(%run_scoped3A : memref<!tpu.dma_semaphore, #tpu.memory_space<semaphore_mem>>)
        %dma_wait3A = tpu.memref_slice %arg3[%add3A_11] : memref<102400xi32, #tpu.memory_space<hbm>> -> memref<80xi32, #tpu.memory_space<hbm>>
        %dma_wait3A_155 = tpu.memref_slice %arg3[%add3A_11] : memref<102400xi32, #tpu.memory_space<hbm>> -> memref<80xi32, #tpu.memory_space<hbm>>
        tpu.wait_dma2 semaphore(%run_scoped3A : memref<!tpu.dma_semaphore, #tpu.memory_space<semaphore_mem>>) src(%dma_wait3A_155 : memref<80xi32, #tpu.memory_space<hbm>>) dst(%arg8 : memref<80xi32, #tpu.memory_space<vmem>>)
        tpu.yield
      }) : () -> ()
      "tpu.region"() ({
        %run_scoped3A = tpu.sem_alloc : memref<!tpu.dma_semaphore, #tpu.memory_space<semaphore_mem>>
        %dma_start3A = tpu.memref_slice %arg4[%add3A_11] : memref<102400xi32, #tpu.memory_space<hbm>> -> memref<80xi32, #tpu.memory_space<hbm>>
        %dma_start3A_154 = tpu.memref_slice %arg4[%add3A_11] : memref<102400xi32, #tpu.memory_space<hbm>> -> memref<80xi32, #tpu.memory_space<hbm>>
        tpu.enqueue_dma source(%dma_start3A_154 : memref<80xi32, #tpu.memory_space<hbm>>) target(%arg9 : memref<80xi32, #tpu.memory_space<vmem>>) target_semaphore(%run_scoped3A : memref<!tpu.dma_semaphore, #tpu.memory_space<semaphore_mem>>)
        %dma_wait3A = tpu.memref_slice %arg4[%add3A_11] : memref<102400xi32, #tpu.memory_space<hbm>> -> memref<80xi32, #tpu.memory_space<hbm>>
        %dma_wait3A_155 = tpu.memref_slice %arg4[%add3A_11] : memref<102400xi32, #tpu.memory_space<hbm>> -> memref<80xi32, #tpu.memory_space<hbm>>
        tpu.wait_dma2 semaphore(%run_scoped3A : memref<!tpu.dma_semaphore, #tpu.memory_space<semaphore_mem>>) src(%dma_wait3A_155 : memref<80xi32, #tpu.memory_space<hbm>>) dst(%arg9 : memref<80xi32, #tpu.memory_space<vmem>>)
        tpu.yield
      }) : () -> ()
      %get3A = arith.constant 0 : index
      %get3A_12 = tpu.vector_load %arg8[%get3A] {strides = array<i32>} : memref<80xi32, #tpu.memory_space<vmem>>, vector<16xi32>,
      %mul3A_13 = arith.constant 4 : i32
      %mul3A_14 = vector.broadcast %mul3A_13 : i32 to vector<16xi32>
      %mul3A_15 = arith.muli %get3A_12, %mul3A_14 : vector<16xi32>
      %get3A_16 = arith.constant 0 : index
      %get3A_17 = tpu.vector_load %arg9[%get3A_16] {strides = array<i32>} : memref<80xi32, #tpu.memory_space<vmem>>, vector<16xi32>,
      %mul3A_18 = arith.constant 4 : i32
      %mul3A_19 = vector.broadcast %mul3A_18 : i32 to vector<16xi32>
      %mul3A_20 = arith.muli %get3A_17, %mul3A_19 : vector<16xi32>
      %gather3A = tpu.vector_load_idx %arg7[%mul3A_15] : memref<40960xf32, #tpu.memory_space<vmem>>[vector<16xi32>], vector<16xf32>,
      %add3A_21 = arith.constant 2 : i32
      %add3A_22 = vector.broadcast %add3A_21 : i32 to vector<16xi32>
      %add3A_23 = arith.addi %mul3A_20, %add3A_22 : vector<16xi32>
      %gather3A_24 = tpu.vector_load_idx %arg7[%add3A_23] : memref<40960xf32, #tpu.memory_space<vmem>>[vector<16xi32>], vector<16xf32>,
      %add3A_25 = arith.addf %gather3A, %gather3A_24 : vector<16xf32>
      %swap3A = arith.constant 0 : index
      %swap3A_26 = tpu.vector_load %arg10[%swap3A] {strides = array<i32>} : memref<80xf32, #tpu.memory_space<vmem>>, vector<16xf32>,
      tpu.vector_store %arg10[%swap3A], %add3A_25 {strides = array<i32>} : memref<80xf32, #tpu.memory_space<vmem>>, vector<16xf32>,
      %add3A_27 = arith.constant 1 : i32
      %add3A_28 = vector.broadcast %add3A_27 : i32 to vector<16xi32>
      %add3A_29 = arith.addi %mul3A_15, %add3A_28 : vector<16xi32>
      %gather3A_30 = tpu.vector_load_idx %arg7[%add3A_29] : memref<40960xf32, #tpu.memory_space<vmem>>[vector<16xi32>], vector<16xf32>,
      %add3A_31 = arith.constant 3 : i32
      %add3A_32 = vector.broadcast %add3A_31 : i32 to vector<16xi32>
      %add3A_33 = arith.addi %mul3A_20, %add3A_32 : vector<16xi32>
      %gather3A_34 = tpu.vector_load_idx %arg7[%add3A_33] : memref<40960xf32, #tpu.memory_space<vmem>>[vector<16xi32>], vector<16xf32>,
      %add3A_35 = arith.addf %gather3A_30, %gather3A_34 : vector<16xf32>
      %swap3A_36 = arith.constant 0 : index
      %swap3A_37 = tpu.vector_load %arg11[%swap3A_36] {strides = array<i32>} : memref<80xf32, #tpu.memory_space<vmem>>, vector<16xf32>,
      tpu.vector_store %arg11[%swap3A_36], %add3A_35 {strides = array<i32>} : memref<80xf32, #tpu.memory_space<vmem>>, vector<16xf32>,
      %get3A_38 = arith.constant 16 : index
      %get3A_39 = tpu.vector_load %arg8[%get3A_38] {strides = array<i32>} : memref<80xi32, #tpu.memory_space<vmem>>, vector<16xi32>,
      %mul3A_40 = arith.constant 4 : i32
      %mul3A_41 = vector.broadcast %mul3A_40 : i32 to vector<16xi32>
      %mul3A_42 = arith.muli %get3A_39, %mul3A_41 : vector<16xi32>
      %get3A_43 = arith.constant 16 : index
      %get3A_44 = tpu.vector_load %arg9[%get3A_43] {strides = array<i32>} : memref<80xi32, #tpu.memory_space<vmem>>, vector<16xi32>,
      %mul3A_45 = arith.constant 4 : i32
      %mul3A_46 = vector.broadcast %mul3A_45 : i32 to vector<16xi32>
      %mul3A_47 = arith.muli %get3A_44, %mul3A_46 : vector<16xi32>
      %gather3A_48 = tpu.vector_load_idx %arg7[%mul3A_42] : memref<40960xf32, #tpu.memory_space<vmem>>[vector<16xi32>], vector<16xf32>,
      %add3A_49 = arith.constant 2 : i32
      %add3A_50 = vector.broadcast %add3A_49 : i32 to vector<16xi32>
      %add3A_51 = arith.addi %mul3A_47, %add3A_50 : vector<16xi32>
      %gather3A_52 = tpu.vector_load_idx %arg7[%add3A_51] : memref<40960xf32, #tpu.memory_space<vmem>>[vector<16xi32>], vector<16xf32>,
      %add3A_53 = arith.addf %gather3A_48, %gather3A_52 : vector<16xf32>
      %swap3A_54 = arith.constant 16 : index
      %swap3A_55 = tpu.vector_load %arg10[%swap3A_54] {strides = array<i32>} : memref<80xf32, #tpu.memory_space<vmem>>, vector<16xf32>,
      tpu.vector_store %arg10[%swap3A_54], %add3A_53 {strides = array<i32>} : memref<80xf32, #tpu.memory_space<vmem>>, vector<16xf32>,
      %add3A_56 = arith.constant 1 : i32
      %add3A_57 = vector.broadcast %add3A_56 : i32 to vector<16xi32>
      %add3A_58 = arith.addi %mul3A_42, %add3A_57 : vector<16xi32>
      %gather3A_59 = tpu.vector_load_idx %arg7[%add3A_58] : memref<40960xf32, #tpu.memory_space<vmem>>[vector<16xi32>], vector<16xf32>,
      %add3A_60 = arith.constant 3 : i32
      %add3A_61 = vector.broadcast %add3A_60 : i32 to vector<16xi32>
      %add3A_62 = arith.addi %mul3A_47, %add3A_61 : vector<16xi32>
      %gather3A_63 = tpu.vector_load_idx %arg7[%add3A_62] : memref<40960xf32, #tpu.memory_space<vmem>>[vector<16xi32>], vector<16xf32>,
      %add3A_64 = arith.addf %gather3A_59, %gather3A_63 : vector<16xf32>
      %swap3A_65 = arith.constant 16 : index
      %swap3A_66 = tpu.vector_load %arg11[%swap3A_65] {strides = array<i32>} : memref<80xf32, #tpu.memory_space<vmem>>, vector<16xf32>,
      tpu.vector_store %arg11[%swap3A_65], %add3A_64 {strides = array<i32>} : memref<80xf32, #tpu.memory_space<vmem>>, vector<16xf32>,
      %get3A_67 = arith.constant 32 : index
      %get3A_68 = tpu.vector_load %arg8[%get3A_67] {strides = array<i32>} : memref<80xi32, #tpu.memory_space<vmem>>, vector<16xi32>,
      %mul3A_69 = arith.constant 4 : i32
      %mul3A_70 = vector.broadcast %mul3A_69 : i32 to vector<16xi32>
      %mul3A_71 = arith.muli %get3A_68, %mul3A_70 : vector<16xi32>
      %get3A_72 = arith.constant 32 : index
      %get3A_73 = tpu.vector_load %arg9[%get3A_72] {strides = array<i32>} : memref<80xi32, #tpu.memory_space<vmem>>, vector<16xi32>,
      %mul3A_74 = arith.constant 4 : i32
      %mul3A_75 = vector.broadcast %mul3A_74 : i32 to vector<16xi32>
      %mul3A_76 = arith.muli %get3A_73, %mul3A_75 : vector<16xi32>
      %gather3A_77 = tpu.vector_load_idx %arg7[%mul3A_71] : memref<40960xf32, #tpu.memory_space<vmem>>[vector<16xi32>], vector<16xf32>,
      %add3A_78 = arith.constant 2 : i32
      %add3A_79 = vector.broadcast %add3A_78 : i32 to vector<16xi32>
      %add3A_80 = arith.addi %mul3A_76, %add3A_79 : vector<16xi32>
      %gather3A_81 = tpu.vector_load_idx %arg7[%add3A_80] : memref<40960xf32, #tpu.memory_space<vmem>>[vector<16xi32>], vector<16xf32>,
      %add3A_82 = arith.addf %gather3A_77, %gather3A_81 : vector<16xf32>
      %swap3A_83 = arith.constant 32 : index
      %swap3A_84 = tpu.vector_load %arg10[%swap3A_83] {strides = array<i32>} : memref<80xf32, #tpu.memory_space<vmem>>, vector<16xf32>,
      tpu.vector_store %arg10[%swap3A_83], %add3A_82 {strides = array<i32>} : memref<80xf32, #tpu.memory_space<vmem>>, vector<16xf32>,
      %add3A_85 = arith.constant 1 : i32
      %add3A_86 = vector.broadcast %add3A_85 : i32 to vector<16xi32>
      %add3A_87 = arith.addi %mul3A_71, %add3A_86 : vector<16xi32>
      %gather3A_88 = tpu.vector_load_idx %arg7[%add3A_87] : memref<40960xf32, #tpu.memory_space<vmem>>[vector<16xi32>], vector<16xf32>,
      %add3A_89 = arith.constant 3 : i32
      %add3A_90 = vector.broadcast %add3A_89 : i32 to vector<16xi32>
      %add3A_91 = arith.addi %mul3A_76, %add3A_90 : vector<16xi32>
      %gather3A_92 = tpu.vector_load_idx %arg7[%add3A_91] : memref<40960xf32, #tpu.memory_space<vmem>>[vector<16xi32>], vector<16xf32>,
      %add3A_93 = arith.addf %gather3A_88, %gather3A_92 : vector<16xf32>
      %swap3A_94 = arith.constant 32 : index
      %swap3A_95 = tpu.vector_load %arg11[%swap3A_94] {strides = array<i32>} : memref<80xf32, #tpu.memory_space<vmem>>, vector<16xf32>,
      tpu.vector_store %arg11[%swap3A_94], %add3A_93 {strides = array<i32>} : memref<80xf32, #tpu.memory_space<vmem>>, vector<16xf32>,
      %get3A_96 = arith.constant 48 : index
      %get3A_97 = tpu.vector_load %arg8[%get3A_96] {strides = array<i32>} : memref<80xi32, #tpu.memory_space<vmem>>, vector<16xi32>,
      %mul3A_98 = arith.constant 4 : i32
      %mul3A_99 = vector.broadcast %mul3A_98 : i32 to vector<16xi32>
      %mul3A_100 = arith.muli %get3A_97, %mul3A_99 : vector<16xi32>
      %get3A_101 = arith.constant 48 : index
      %get3A_102 = tpu.vector_load %arg9[%get3A_101] {strides = array<i32>} : memref<80xi32, #tpu.memory_space<vmem>>, vector<16xi32>,
      %mul3A_103 = arith.constant 4 : i32
      %mul3A_104 = vector.broadcast %mul3A_103 : i32 to vector<16xi32>
      %mul3A_105 = arith.muli %get3A_102, %mul3A_104 : vector<16xi32>
      %gather3A_106 = tpu.vector_load_idx %arg7[%mul3A_100] : memref<40960xf32, #tpu.memory_space<vmem>>[vector<16xi32>], vector<16xf32>,
      %add3A_107 = arith.constant 2 : i32
      %add3A_108 = vector.broadcast %add3A_107 : i32 to vector<16xi32>
      %add3A_109 = arith.addi %mul3A_105, %add3A_108 : vector<16xi32>
      %gather3A_110 = tpu.vector_load_idx %arg7[%add3A_109] : memref<40960xf32, #tpu.memory_space<vmem>>[vector<16xi32>], vector<16xf32>,
      %add3A_111 = arith.addf %gather3A_106, %gather3A_110 : vector<16xf32>
      %swap3A_112 = arith.constant 48 : index
      %swap3A_113 = tpu.vector_load %arg10[%swap3A_112] {strides = array<i32>} : memref<80xf32, #tpu.memory_space<vmem>>, vector<16xf32>,
      tpu.vector_store %arg10[%swap3A_112], %add3A_111 {strides = array<i32>} : memref<80xf32, #tpu.memory_space<vmem>>, vector<16xf32>,
      %add3A_114 = arith.constant 1 : i32
      %add3A_115 = vector.broadcast %add3A_114 : i32 to vector<16xi32>
      %add3A_116 = arith.addi %mul3A_100, %add3A_115 : vector<16xi32>
      %gather3A_117 = tpu.vector_load_idx %arg7[%add3A_116] : memref<40960xf32, #tpu.memory_space<vmem>>[vector<16xi32>], vector<16xf32>,
      %add3A_118 = arith.constant 3 : i32
      %add3A_119 = vector.broadcast %add3A_118 : i32 to vector<16xi32>
      %add3A_120 = arith.addi %mul3A_105, %add3A_119 : vector<16xi32>
      %gather3A_121 = tpu.vector_load_idx %arg7[%add3A_120] : memref<40960xf32, #tpu.memory_space<vmem>>[vector<16xi32>], vector<16xf32>,
      %add3A_122 = arith.addf %gather3A_117, %gather3A_121 : vector<16xf32>
      %swap3A_123 = arith.constant 48 : index
      %swap3A_124 = tpu.vector_load %arg11[%swap3A_123] {strides = array<i32>} : memref<80xf32, #tpu.memory_space<vmem>>, vector<16xf32>,
      tpu.vector_store %arg11[%swap3A_123], %add3A_122 {strides = array<i32>} : memref<80xf32, #tpu.memory_space<vmem>>, vector<16xf32>,
      %get3A_125 = arith.constant 64 : index
      %get3A_126 = tpu.vector_load %arg8[%get3A_125] {strides = array<i32>} : memref<80xi32, #tpu.memory_space<vmem>>, vector<16xi32>,
      %mul3A_127 = arith.constant 4 : i32
      %mul3A_128 = vector.broadcast %mul3A_127 : i32 to vector<16xi32>
      %mul3A_129 = arith.muli %get3A_126, %mul3A_128 : vector<16xi32>
      %get3A_130 = arith.constant 64 : index
      %get3A_131 = tpu.vector_load %arg9[%get3A_130] {strides = array<i32>} : memref<80xi32, #tpu.memory_space<vmem>>, vector<16xi32>,
      %mul3A_132 = arith.constant 4 : i32
      %mul3A_133 = vector.broadcast %mul3A_132 : i32 to vector<16xi32>
      %mul3A_134 = arith.muli %get3A_131, %mul3A_133 : vector<16xi32>
      %gather3A_135 = tpu.vector_load_idx %arg7[%mul3A_129] : memref<40960xf32, #tpu.memory_space<vmem>>[vector<16xi32>], vector<16xf32>,
      %add3A_136 = arith.constant 2 : i32
      %add3A_137 = vector.broadcast %add3A_136 : i32 to vector<16xi32>
      %add3A_138 = arith.addi %mul3A_134, %add3A_137 : vector<16xi32>
      %gather3A_139 = tpu.vector_load_idx %arg7[%add3A_138] : memref<40960xf32, #tpu.memory_space<vmem>>[vector<16xi32>], vector<16xf32>,
      %add3A_140 = arith.addf %gather3A_135, %gather3A_139 : vector<16xf32>
      %swap3A_141 = arith.constant 64 : index
      %swap3A_142 = tpu.vector_load %arg10[%swap3A_141] {strides = array<i32>} : memref<80xf32, #tpu.memory_space<vmem>>, vector<16xf32>,
      tpu.vector_store %arg10[%swap3A_141], %add3A_140 {strides = array<i32>} : memref<80xf32, #tpu.memory_space<vmem>>, vector<16xf32>,
      %add3A_143 = arith.constant 1 : i32
      %add3A_144 = vector.broadcast %add3A_143 : i32 to vector<16xi32>
      %add3A_145 = arith.addi %mul3A_129, %add3A_144 : vector<16xi32>
      %gather3A_146 = tpu.vector_load_idx %arg7[%add3A_145] : memref<40960xf32, #tpu.memory_space<vmem>>[vector<16xi32>], vector<16xf32>,
      %add3A_147 = arith.constant 3 : i32
      %add3A_148 = vector.broadcast %add3A_147 : i32 to vector<16xi32>
      %add3A_149 = arith.addi %mul3A_134, %add3A_148 : vector<16xi32>
      %gather3A_150 = tpu.vector_load_idx %arg7[%add3A_149] : memref<40960xf32, #tpu.memory_space<vmem>>[vector<16xi32>], vector<16xf32>,
      %add3A_151 = arith.addf %gather3A_146, %gather3A_150 : vector<16xf32>
      %swap3A_152 = arith.constant 64 : index
      %swap3A_153 = tpu.vector_load %arg11[%swap3A_152] {strides = array<i32>} : memref<80xf32, #tpu.memory_space<vmem>>, vector<16xf32>,
      tpu.vector_store %arg11[%swap3A_152], %add3A_151 {strides = array<i32>} : memref<80xf32, #tpu.memory_space<vmem>>, vector<16xf32>,
      "tpu.region"() ({
        %run_scoped3A = tpu.sem_alloc : memref<!tpu.dma_semaphore, #tpu.memory_space<semaphore_mem>>
        %dma_start3A = tpu.memref_slice %arg5[%add3A_11] : memref<102400xf32, #tpu.memory_space<hbm>> -> memref<80xf32, #tpu.memory_space<hbm>>
        %dma_start3A_154 = tpu.memref_slice %arg5[%add3A_11] : memref<102400xf32, #tpu.memory_space<hbm>> -> memref<80xf32, #tpu.memory_space<hbm>>
        tpu.enqueue_dma source(%arg10 : memref<80xf32, #tpu.memory_space<vmem>>) target(%dma_start3A_154 : memref<80xf32, #tpu.memory_space<hbm>>) target_semaphore(%run_scoped3A : memref<!tpu.dma_semaphore, #tpu.memory_space<semaphore_mem>>)
        %dma_wait3A = tpu.memref_slice %arg5[%add3A_11] : memref<102400xf32, #tpu.memory_space<hbm>> -> memref<80xf32, #tpu.memory_space<hbm>>
        %dma_wait3A_155 = tpu.memref_slice %arg5[%add3A_11] : memref<102400xf32, #tpu.memory_space<hbm>> -> memref<80xf32, #tpu.memory_space<hbm>>
        tpu.wait_dma2 semaphore(%run_scoped3A : memref<!tpu.dma_semaphore, #tpu.memory_space<semaphore_mem>>) src(%arg10 : memref<80xf32, #tpu.memory_space<vmem>>) dst(%dma_wait3A_155 : memref<80xf32, #tpu.memory_space<hbm>>)
        tpu.yield
      }) : () -> ()
      "tpu.region"() ({
        %run_scoped3A = tpu.sem_alloc : memref<!tpu.dma_semaphore, #tpu.memory_space<semaphore_mem>>
        %dma_start3A = tpu.memref_slice %arg6[%add3A_11] : memref<102400xf32, #tpu.memory_space<hbm>> -> memref<80xf32, #tpu.memory_space<hbm>>
        %dma_start3A_154 = tpu.memref_slice %arg6[%add3A_11] : memref<102400xf32, #tpu.memory_space<hbm>> -> memref<80xf32, #tpu.memory_space<hbm>>
        tpu.enqueue_dma source(%arg11 : memref<80xf32, #tpu.memory_space<vmem>>) target(%dma_start3A_154 : memref<80xf32, #tpu.memory_space<hbm>>) target_semaphore(%run_scoped3A : memref<!tpu.dma_semaphore, #tpu.memory_space<semaphore_mem>>)
        %dma_wait3A = tpu.memref_slice %arg6[%add3A_11] : memref<102400xf32, #tpu.memory_space<hbm>> -> memref<80xf32, #tpu.memory_space<hbm>>
        %dma_wait3A_155 = tpu.memref_slice %arg6[%add3A_11] : memref<102400xf32, #tpu.memory_space<hbm>> -> memref<80xf32, #tpu.memory_space<hbm>>
        tpu.wait_dma2 semaphore(%run_scoped3A : memref<!tpu.dma_semaphore, #tpu.memory_space<semaphore_mem>>) src(%arg11 : memref<80xf32, #tpu.memory_space<vmem>>) dst(%dma_wait3A_155 : memref<80xf32, #tpu.memory_space<hbm>>)
        tpu.yield
      }) : () -> ()
    }
    %scan3A_7 = arith.constant 40 : i32
    return
  }
}

module attributes {stable_mosaic.version = 14 : i64} {
  func.func @_tc1_body(%arg0: i32, %arg1: memref<2048x128xf32, #tpu.memory_space<vmem>>, %arg2: memref<2048x128xf32, #tpu.memory_space<vmem>>, %arg3: memref<2048x128xf32, #tpu.memory_space<vmem>>, %arg4: memref<128x128xf32, #tpu.memory_space<vmem>>, %arg5: memref<1x128xf32, #tpu.memory_space<vmem>>, %arg6: memref<128x128xf32, #tpu.memory_space<vmem>>, %arg7: memref<128x128xf32, #tpu.memory_space<vmem>>, %arg8: memref<1x128xf32, #tpu.memory_space<vmem>>, %arg9: memref<2048x128xf32, #tpu.memory_space<vmem>>, %arg10: memref<2048x128xf32, #tpu.memory_space<vmem>>, %arg11: memref<2048x128xf32, #tpu.memory_space<vmem>>) attributes {dimension_semantics = [#tpu.dimension_semantics<arbitrary>], iteration_bounds = array<i64: 5>, scalar_prefetch = 0 : i64, scratch_operands = 0 : i64, tpu.core_type = #tpu.core_type<tc>, window_params = [{transform_indices = @transform_0, window_bounds = array<i64: 2048, 128>}, {transform_indices = @transform_1, window_bounds = array<i64: 2048, 128>}, {transform_indices = @transform_2, window_bounds = array<i64: 2048, 128>}, {pipeline_mode = #tpu.pipeline_mode<synchronous>, transform_indices = @transform_3, window_bounds = array<i64: 128, 128>}, {pipeline_mode = #tpu.pipeline_mode<synchronous>, transform_indices = @transform_4, window_bounds = array<i64: 1, 128>}, {pipeline_mode = #tpu.pipeline_mode<synchronous>, transform_indices = @transform_5, window_bounds = array<i64: 128, 128>}, {pipeline_mode = #tpu.pipeline_mode<synchronous>, transform_indices = @transform_6, window_bounds = array<i64: 128, 128>}, {pipeline_mode = #tpu.pipeline_mode<synchronous>, transform_indices = @transform_7, window_bounds = array<i64: 1, 128>}, {transform_indices = @transform_8, window_bounds = array<i64: 2048, 128>}, {transform_indices = @transform_9, window_bounds = array<i64: 2048, 128>}, {transform_indices = @transform_10, window_bounds = array<i64: 2048, 128>}]} {
    %get3A = arith.constant 0 : index
    %get3A_0 = arith.constant 0 : index
    %get3A_1 = vector.load %arg1[%get3A, %get3A_0] : memref<2048x128xf32, #tpu.memory_space<vmem>>, vector<2048x128xf32>
    %get3A_2 = arith.constant 0 : index
    %get3A_3 = arith.constant 0 : index
    %get3A_4 = vector.load %arg2[%get3A_2, %get3A_3] : memref<2048x128xf32, #tpu.memory_space<vmem>>, vector<2048x128xf32>
    %add3A = arith.addf %get3A_1, %get3A_4 : vector<2048x128xf32>
    %get3A_5 = arith.constant 0 : index
    %get3A_6 = arith.constant 0 : index
    %get3A_7 = vector.load %arg3[%get3A_5, %get3A_6] : memref<2048x128xf32, #tpu.memory_space<vmem>>, vector<2048x128xf32>
    %add3A_8 = arith.addf %add3A, %get3A_7 : vector<2048x128xf32>
    %get3A_9 = arith.constant 0 : index
    %get3A_10 = arith.constant 0 : index
    %get3A_11 = vector.load %arg4[%get3A_9, %get3A_10] : memref<128x128xf32, #tpu.memory_space<vmem>>, vector<128x128xf32>
    %dot_general3A = arith.constant dense<0.000000e+00> : vector<2048x128xf32>
    %dot_general3A_12 = tpu.matmul %add3A_8, %get3A_11, %dot_general3A {dimension_numbers = #tpu.dot_dimension_numbers<[1], [0], [0], [1], [0, 0, 1, 1], [], []>, transpose_lhs_hint = false} : vector<2048x128xf32>, vector<128x128xf32>, vector<2048x128xf32> -> vector<2048x128xf32>
    %get3A_13 = arith.constant 0 : index
    %get3A_14 = arith.constant 0 : index
    %get3A_15 = vector.load %arg5[%get3A_13, %get3A_14] : memref<1x128xf32, #tpu.memory_space<vmem>>, vector<1x128xf32>
    %add3A_16 = vector.broadcast %get3A_15 : vector<1x128xf32> to vector<2048x128xf32>
    %add3A_17 = arith.addf %dot_general3A_12, %add3A_16 : vector<2048x128xf32>
    %max3A = arith.constant 0.000000e+00 : f32
    %max3A_18 = vector.broadcast %max3A : f32 to vector<2048x128xf32>
    %max3A_19 = arith.maximumf %add3A_17, %max3A_18 : vector<2048x128xf32>
    %swap3A = arith.constant 0 : index
    %swap3A_20 = arith.constant 0 : index
    %swap3A_21 = vector.load %arg9[%swap3A, %swap3A_20] : memref<2048x128xf32, #tpu.memory_space<vmem>>, vector<2048x128xf32>
    tpu.vector_store %arg9[%swap3A, %swap3A_20], %max3A_19 {strides = array<i32>} : memref<2048x128xf32, #tpu.memory_space<vmem>>, vector<2048x128xf32>,
    %get3A_22 = arith.constant 0 : index
    %get3A_23 = arith.constant 0 : index
    %get3A_24 = vector.load %arg6[%get3A_22, %get3A_23] : memref<128x128xf32, #tpu.memory_space<vmem>>, vector<128x128xf32>
    %dot_general3A_25 = arith.constant dense<0.000000e+00> : vector<2048x128xf32>
    %dot_general3A_26 = tpu.matmul %max3A_19, %get3A_24, %dot_general3A_25 {dimension_numbers = #tpu.dot_dimension_numbers<[1], [0], [0], [1], [0, 0, 1, 1], [], []>, transpose_lhs_hint = false} : vector<2048x128xf32>, vector<128x128xf32>, vector<2048x128xf32> -> vector<2048x128xf32>
    %get3A_27 = arith.constant 0 : index
    %get3A_28 = arith.constant 0 : index
    %get3A_29 = vector.load %arg8[%get3A_27, %get3A_28] : memref<1x128xf32, #tpu.memory_space<vmem>>, vector<1x128xf32>
    %add3A_30 = vector.broadcast %get3A_29 : vector<1x128xf32> to vector<2048x128xf32>
    %add3A_31 = arith.addf %dot_general3A_26, %add3A_30 : vector<2048x128xf32>
    %swap3A_32 = arith.constant 0 : index
    %swap3A_33 = arith.constant 0 : index
    %swap3A_34 = vector.load %arg10[%swap3A_32, %swap3A_33] : memref<2048x128xf32, #tpu.memory_space<vmem>>, vector<2048x128xf32>
    tpu.vector_store %arg10[%swap3A_32, %swap3A_33], %add3A_31 {strides = array<i32>} : memref<2048x128xf32, #tpu.memory_space<vmem>>, vector<2048x128xf32>,
    %get3A_35 = arith.constant 0 : index
    %get3A_36 = arith.constant 0 : index
    %get3A_37 = vector.load %arg7[%get3A_35, %get3A_36] : memref<128x128xf32, #tpu.memory_space<vmem>>, vector<128x128xf32>
    %dot_general3A_38 = arith.constant dense<0.000000e+00> : vector<2048x128xf32>
    %dot_general3A_39 = tpu.matmul %max3A_19, %get3A_37, %dot_general3A_38 {dimension_numbers = #tpu.dot_dimension_numbers<[1], [0], [0], [1], [0, 0, 1, 1], [], []>, transpose_lhs_hint = false} : vector<2048x128xf32>, vector<128x128xf32>, vector<2048x128xf32> -> vector<2048x128xf32>
    %swap3A_40 = arith.constant 0 : index
    %swap3A_41 = arith.constant 0 : index
    %swap3A_42 = vector.load %arg11[%swap3A_40, %swap3A_41] : memref<2048x128xf32, #tpu.memory_space<vmem>>, vector<2048x128xf32>
    tpu.vector_store %arg11[%swap3A_40, %swap3A_41], %dot_general3A_39 {strides = array<i32>} : memref<2048x128xf32, #tpu.memory_space<vmem>>, vector<2048x128xf32>,
    return
  }
  func.func @transform_0(%arg0: i32) -> (i32, i32) {
    %c0_i32 = arith.constant 0 : i32
    %c0_i32_0 = arith.constant 0 : i32
    return %arg0, %c0_i32 : i32, i32
  }
  func.func @transform_1(%arg0: i32) -> (i32, i32) {
    %c0_i32 = arith.constant 0 : i32
    %c0_i32_0 = arith.constant 0 : i32
    return %arg0, %c0_i32 : i32, i32
  }
  func.func @transform_2(%arg0: i32) -> (i32, i32) {
    %c0_i32 = arith.constant 0 : i32
    %c0_i32_0 = arith.constant 0 : i32
    return %arg0, %c0_i32 : i32, i32
  }
  func.func @transform_3(%arg0: i32) -> (i32, i32) {
    %c0_i32 = arith.constant 0 : i32
    %c0_i32_0 = arith.constant 0 : i32
    %c0_i32_1 = arith.constant 0 : i32
    return %c0_i32, %c0_i32_0 : i32, i32
  }
  func.func @transform_4(%arg0: i32) -> (i32, i32) {
    %c0_i32 = arith.constant 0 : i32
    %c0_i32_0 = arith.constant 0 : i32
    %c0_i32_1 = arith.constant 0 : i32
    return %c0_i32, %c0_i32_0 : i32, i32
  }
  func.func @transform_5(%arg0: i32) -> (i32, i32) {
    %c0_i32 = arith.constant 0 : i32
    %c0_i32_0 = arith.constant 0 : i32
    %c0_i32_1 = arith.constant 0 : i32
    return %c0_i32, %c0_i32_0 : i32, i32
  }
  func.func @transform_6(%arg0: i32) -> (i32, i32) {
    %c0_i32 = arith.constant 0 : i32
    %c0_i32_0 = arith.constant 0 : i32
    %c0_i32_1 = arith.constant 0 : i32
    return %c0_i32, %c0_i32_0 : i32, i32
  }
  func.func @transform_7(%arg0: i32) -> (i32, i32) {
    %c0_i32 = arith.constant 0 : i32
    %c0_i32_0 = arith.constant 0 : i32
    %c0_i32_1 = arith.constant 0 : i32
    return %c0_i32, %c0_i32_0 : i32, i32
  }
  func.func @transform_8(%arg0: i32) -> (i32, i32) {
    %c0_i32 = arith.constant 0 : i32
    %c0_i32_0 = arith.constant 0 : i32
    return %arg0, %c0_i32 : i32, i32
  }
  func.func @transform_9(%arg0: i32) -> (i32, i32) {
    %c0_i32 = arith.constant 0 : i32
    %c0_i32_0 = arith.constant 0 : i32
    return %arg0, %c0_i32 : i32, i32
  }
  func.func @transform_10(%arg0: i32) -> (i32, i32) {
    %c0_i32 = arith.constant 0 : i32
    %c0_i32_0 = arith.constant 0 : i32
    return %arg0, %c0_i32 : i32, i32
  }
}

module attributes {stable_mosaic.version = 14 : i64} {
  func.func @_tc2_body(%arg0: i32, %arg1: memref<2048x128xf32, #tpu.memory_space<vmem>>, %arg2: memref<2048x128xf32, #tpu.memory_space<vmem>>, %arg3: memref<2048x128xf32, #tpu.memory_space<vmem>>, %arg4: memref<128x128xf32, #tpu.memory_space<vmem>>, %arg5: memref<1x128xf32, #tpu.memory_space<vmem>>, %arg6: memref<128x4xf32, #tpu.memory_space<vmem>>, %arg7: memref<128x4xf32, #tpu.memory_space<vmem>>, %arg8: memref<1x4xf32, #tpu.memory_space<vmem>>, %arg9: memref<1x512xf32, #tpu.memory_space<vmem>>, %arg10: memref<2048x4xf32, #tpu.memory_space<vmem>>, %arg11: memref<1x1xf32, #tpu.memory_space<vmem>>) attributes {dimension_semantics = [#tpu.dimension_semantics<arbitrary>], iteration_bounds = array<i64: 5>, scalar_prefetch = 0 : i64, scratch_operands = 0 : i64, tpu.core_type = #tpu.core_type<tc>, window_params = [{transform_indices = @transform_0, window_bounds = array<i64: 2048, 128>}, {transform_indices = @transform_1, window_bounds = array<i64: 2048, 128>}, {transform_indices = @transform_2, window_bounds = array<i64: 2048, 128>}, {pipeline_mode = #tpu.pipeline_mode<synchronous>, transform_indices = @transform_3, window_bounds = array<i64: 128, 128>}, {pipeline_mode = #tpu.pipeline_mode<synchronous>, transform_indices = @transform_4, window_bounds = array<i64: 1, 128>}, {pipeline_mode = #tpu.pipeline_mode<synchronous>, transform_indices = @transform_5, window_bounds = array<i64: 128, 4>}, {pipeline_mode = #tpu.pipeline_mode<synchronous>, transform_indices = @transform_6, window_bounds = array<i64: 128, 4>}, {pipeline_mode = #tpu.pipeline_mode<synchronous>, transform_indices = @transform_7, window_bounds = array<i64: 1, 4>}, {pipeline_mode = #tpu.pipeline_mode<synchronous>, transform_indices = @transform_8, window_bounds = array<i64: 1, 512>}, {transform_indices = @transform_9, window_bounds = array<i64: 2048, 4>}, {pipeline_mode = #tpu.pipeline_mode<synchronous>, transform_indices = @transform_10, window_bounds = array<i64: 1, 1>}]} {
    %get3A = arith.constant 0 : index
    %get3A_0 = arith.constant 0 : index
    %get3A_1 = vector.load %arg1[%get3A, %get3A_0] : memref<2048x128xf32, #tpu.memory_space<vmem>>, vector<2048x128xf32>
    %get3A_2 = arith.constant 0 : index
    %get3A_3 = arith.constant 0 : index
    %get3A_4 = vector.load %arg2[%get3A_2, %get3A_3] : memref<2048x128xf32, #tpu.memory_space<vmem>>, vector<2048x128xf32>
    %add3A = arith.addf %get3A_1, %get3A_4 : vector<2048x128xf32>
    %get3A_5 = arith.constant 0 : index
    %get3A_6 = arith.constant 0 : index
    %get3A_7 = vector.load %arg3[%get3A_5, %get3A_6] : memref<2048x128xf32, #tpu.memory_space<vmem>>, vector<2048x128xf32>
    %add3A_8 = arith.addf %add3A, %get3A_7 : vector<2048x128xf32>
    %get3A_9 = arith.constant 0 : index
    %get3A_10 = arith.constant 0 : index
    %get3A_11 = vector.load %arg4[%get3A_9, %get3A_10] : memref<128x128xf32, #tpu.memory_space<vmem>>, vector<128x128xf32>
    %dot_general3A = arith.constant dense<0.000000e+00> : vector<2048x128xf32>
    %dot_general3A_12 = tpu.matmul %add3A_8, %get3A_11, %dot_general3A {dimension_numbers = #tpu.dot_dimension_numbers<[1], [0], [0], [1], [0, 0, 1, 1], [], []>, transpose_lhs_hint = false} : vector<2048x128xf32>, vector<128x128xf32>, vector<2048x128xf32> -> vector<2048x128xf32>
    %get3A_13 = arith.constant 0 : index
    %get3A_14 = arith.constant 0 : index
    %get3A_15 = vector.load %arg5[%get3A_13, %get3A_14] : memref<1x128xf32, #tpu.memory_space<vmem>>, vector<1x128xf32>
    %add3A_16 = vector.broadcast %get3A_15 : vector<1x128xf32> to vector<2048x128xf32>
    %add3A_17 = arith.addf %dot_general3A_12, %add3A_16 : vector<2048x128xf32>
    %max3A = arith.constant 0.000000e+00 : f32
    %max3A_18 = vector.broadcast %max3A : f32 to vector<2048x128xf32>
    %max3A_19 = arith.maximumf %add3A_17, %max3A_18 : vector<2048x128xf32>
    %get3A_20 = arith.constant 0 : index
    %get3A_21 = arith.constant 0 : index
    %get3A_22 = vector.load %arg6[%get3A_20, %get3A_21] : memref<128x4xf32, #tpu.memory_space<vmem>>, vector<128x4xf32>
    %dot_general3A_23 = arith.constant dense<0.000000e+00> : vector<2048x4xf32>
    %dot_general3A_24 = tpu.matmul %get3A_1, %get3A_22, %dot_general3A_23 {dimension_numbers = #tpu.dot_dimension_numbers<[1], [0], [0], [1], [0, 0, 1, 1], [], []>, transpose_lhs_hint = false} : vector<2048x128xf32>, vector<128x4xf32>, vector<2048x4xf32> -> vector<2048x4xf32>
    %get3A_25 = arith.constant 0 : index
    %get3A_26 = arith.constant 0 : index
    %get3A_27 = vector.load %arg7[%get3A_25, %get3A_26] : memref<128x4xf32, #tpu.memory_space<vmem>>, vector<128x4xf32>
    %dot_general3A_28 = arith.constant dense<0.000000e+00> : vector<2048x4xf32>
    %dot_general3A_29 = tpu.matmul %max3A_19, %get3A_27, %dot_general3A_28 {dimension_numbers = #tpu.dot_dimension_numbers<[1], [0], [0], [1], [0, 0, 1, 1], [], []>, transpose_lhs_hint = false} : vector<2048x128xf32>, vector<128x4xf32>, vector<2048x4xf32> -> vector<2048x4xf32>
    %add3A_30 = arith.addf %dot_general3A_24, %dot_general3A_29 : vector<2048x4xf32>
    %get3A_31 = arith.constant 0 : index
    %get3A_32 = arith.constant 0 : index
    %get3A_33 = vector.load %arg8[%get3A_31, %get3A_32] : memref<1x4xf32, #tpu.memory_space<vmem>>, vector<1x4xf32>
    %add3A_34 = vector.broadcast %get3A_33 : vector<1x4xf32> to vector<2048x4xf32>
    %add3A_35 = arith.addf %add3A_30, %add3A_34 : vector<2048x4xf32>
    %swap3A = arith.constant 0 : index
    %swap3A_36 = arith.constant 0 : index
    %swap3A_37 = vector.load %arg10[%swap3A, %swap3A_36] : memref<2048x4xf32, #tpu.memory_space<vmem>>, vector<2048x4xf32>
    tpu.vector_store %arg10[%swap3A, %swap3A_36], %add3A_35 {strides = array<i32>} : memref<2048x4xf32, #tpu.memory_space<vmem>>, vector<2048x4xf32>,
    %eq3A = arith.constant 0 : i32
    %eq3A_38 = arith.cmpi eq, %arg0, %eq3A : i32
    %convert_element_type3A = arith.extui %eq3A_38 : i1 to i32
    %cond3A = arith.constant 0 : i32
    %cond3A_39 = arith.cmpi ne, %convert_element_type3A, %cond3A : i32
    scf.if %cond3A_39 {
      %get3A_40 = arith.constant 0 : index
      %get3A_41 = arith.constant 0 : index
      %get3A_42 = vector.load %arg9[%get3A_40, %get3A_41] : memref<1x512xf32, #tpu.memory_space<vmem>>, vector<1x512xf32>
      %reduce_sum3A = vector.shape_cast %get3A_42 : vector<1x512xf32> to vector<1x1x512xf32>
      %reduce_sum3A_43 = arith.constant dense<0.000000e+00> : vector<1xf32>
      %reduce_sum3A_44 = vector.multi_reduction <add>, %reduce_sum3A, %reduce_sum3A_43 [1, 2] : vector<1x1x512xf32> to vector<1xf32>
      %reduce_sum3A_45 = vector.shape_cast %reduce_sum3A_44 : vector<1xf32> to vector<1x1x1xf32>
      %reduce_sum3A_46 = vector.extract %reduce_sum3A_45[0, 0, 0] : f32 from vector<1x1x1xf32>
      %div3A = arith.constant 3.200000e+05 : f32
      %div3A_47 = arith.divf %reduce_sum3A_46, %div3A : f32
      %reshape3A = vector.broadcast %div3A_47 : f32 to vector<1x1xf32>
      %swap3A_48 = arith.constant 0 : index
      %swap3A_49 = arith.constant 0 : index
      %swap3A_50 = vector.load %arg11[%swap3A_48, %swap3A_49] : memref<1x1xf32, #tpu.memory_space<vmem>>, vector<1x1xf32>
      tpu.vector_store %arg11[%swap3A_48, %swap3A_49], %reshape3A {strides = array<i32>} : memref<1x1xf32, #tpu.memory_space<vmem>>, vector<1x1xf32>,
    } else {
    }
    return
  }
  func.func @transform_0(%arg0: i32) -> (i32, i32) {
    %c0_i32 = arith.constant 0 : i32
    %c0_i32_0 = arith.constant 0 : i32
    return %arg0, %c0_i32 : i32, i32
  }
  func.func @transform_1(%arg0: i32) -> (i32, i32) {
    %c0_i32 = arith.constant 0 : i32
    %c0_i32_0 = arith.constant 0 : i32
    return %arg0, %c0_i32 : i32, i32
  }
  func.func @transform_2(%arg0: i32) -> (i32, i32) {
    %c0_i32 = arith.constant 0 : i32
    %c0_i32_0 = arith.constant 0 : i32
    return %arg0, %c0_i32 : i32, i32
  }
  func.func @transform_3(%arg0: i32) -> (i32, i32) {
    %c0_i32 = arith.constant 0 : i32
    %c0_i32_0 = arith.constant 0 : i32
    %c0_i32_1 = arith.constant 0 : i32
    return %c0_i32, %c0_i32_0 : i32, i32
  }
  func.func @transform_4(%arg0: i32) -> (i32, i32) {
    %c0_i32 = arith.constant 0 : i32
    %c0_i32_0 = arith.constant 0 : i32
    %c0_i32_1 = arith.constant 0 : i32
    return %c0_i32, %c0_i32_0 : i32, i32
  }
  func.func @transform_5(%arg0: i32) -> (i32, i32) {
    %c0_i32 = arith.constant 0 : i32
    %c0_i32_0 = arith.constant 0 : i32
    %c0_i32_1 = arith.constant 0 : i32
    return %c0_i32, %c0_i32_0 : i32, i32
  }
  func.func @transform_6(%arg0: i32) -> (i32, i32) {
    %c0_i32 = arith.constant 0 : i32
    %c0_i32_0 = arith.constant 0 : i32
    %c0_i32_1 = arith.constant 0 : i32
    return %c0_i32, %c0_i32_0 : i32, i32
  }
  func.func @transform_7(%arg0: i32) -> (i32, i32) {
    %c0_i32 = arith.constant 0 : i32
    %c0_i32_0 = arith.constant 0 : i32
    %c0_i32_1 = arith.constant 0 : i32
    return %c0_i32, %c0_i32_0 : i32, i32
  }
  func.func @transform_8(%arg0: i32) -> (i32, i32) {
    %c0_i32 = arith.constant 0 : i32
    %c0_i32_0 = arith.constant 0 : i32
    %c0_i32_1 = arith.constant 0 : i32
    return %c0_i32, %c0_i32_0 : i32, i32
  }
  func.func @transform_9(%arg0: i32) -> (i32, i32) {
    %c0_i32 = arith.constant 0 : i32
    %c0_i32_0 = arith.constant 0 : i32
    return %arg0, %c0_i32 : i32, i32
  }
  func.func @transform_10(%arg0: i32) -> (i32, i32) {
    %c0_i32 = arith.constant 0 : i32
    %c0_i32_0 = arith.constant 0 : i32
    %c0_i32_1 = arith.constant 0 : i32
    return %c0_i32, %c0_i32_0 : i32, i32
  }
}

</mosaic_0001>

<sc_bundles>
// kernel: kernel.10.cloned.1.call-start
scs
__scs_entry_jumppad:
0x0: {  	(pc) =	sbr.rel $0x88, $3  }
0x1: {  	(tag) =	ssettag $0x0;
	lr =	simm.s32 $0x1  }
0x2: {  	[smem:$0x3F93] =	sst lr;
	_ =	strace $0xD0000000  }
0x3: {  	_ = 	snop  }
0x4: {  	_ = 	snop  }
0x5: {  	_ = 	snop  }
0x6: {  	_ = 	snop  }
0x7: {  	_ = 	snop  }
__scs_overlays_trampoline_lowered:
0x8: {  	[smem:$0x3FA2] =	sst s0  }
0x9: {  	[smem:$0x3FA3] =	sst s1  }
0xa: {  	[smem:$0x3FA4] =	sst s2  }
0xb: {  	[smem:$0x3FA5] =	sst s3  }
0xc: {  	[smem:$0x3FA6] =	sst s4  }
0xd: {  	[smem:$0x3FA7] =	sst s5  }
0xe: {  	[smem:$0x3FA8] =	sst s6  }
0xf: {  	[smem:$0x3FA9] =	sst s7  }
0x10: {  	[smem:$0x3FAA] =	sst s8  }
0x11: {  	[smem:$0x3FAB] =	sst s9;
	s0 =	simm.s32 @!p0 $0x0  }
0x12: {  	s1 =	sld [smem:$0x3F91];
	s0 =	simm.s32 @p0 $0x1  }
0x13: {  	[smem:$0x3FAC] =	sst s0;
	s0 =	simm.s32 @!p1 $0x0  }
0x14: {  	s2 =	sld [smem:$0x3F90];
	s0 =	simm.s32 @p1 $0x1  }
0x15: {  	[smem:$0x3FAD] =	sst s0;
	s0 =	simm.s32 @!p2 $0x0  }
0x16: {  	s3 =	sld [smem:$0x3FDB];
	s0 =	simm.s32 @p2 $0x1  }
0x17: {  	s4 =	simm.s32 $0x1BF5;
	[smem:$0x3FAF] =	sst s0  }
0x18: {  	s0 =	sld [smem:$0x3F92];
	_ =	swait.ge [sflag:s4], $0x0  }
0x19: {  	s7 =	sld [smem:$0x3F93]  }
0x1a: {  	s8 =	sadd.s32 $0xFFFFE003, lr  }
0x1b: {  	s9 =	sadd.s32 $0xFFFFFEF7, lr;
	s5 =	simm.s32 $0xFFFFFFFF;
	p2 =	slt.u32 s8, $0xFFFFF086  }
0x1c: {  	p1 =	slt.u32 s9, $0xF7A;
	s5 =	simm.s32 @!p2 $0x0  }
0x1d: {  	s5 =	simm.s32 @p1 $0x1;
	p0 =	seq.s32 s7, s2  }
0x1e: {  	s7 =	smul.u32 @!p0 $0xF7A, s2;
	p2 =	seq.s32 @!p0 s5, $0x0  }
0x1f: {  	s9 =	smul.u32 $0xF7A, s1;
	s8 =	simm.s32 @!p0 $0x1BF5;
	p2 =	por !p2, p0  }
0x20: {  	[sflag:s8] =	ssyncset.s32 @!p0 $0xFFFFF086;
	s6 =	sadd.s32 @!p0 s3, s7;
	s7 =	simm.s32 @!p0 $0x108  }
0x21: {  	s3 =	sadd.s32 s3, s9;
	s6 =	sadd.s32 @!p0 $0x88, s6;
	s7 =	simm.s32 @p2 $0x1082  }
0x22: {  	[simem:s7], [sflag:s8] =	dma.local @!p0 [hbm:s6], $0xF7A  }
0x23: {  	s9 =	sor.u32 $0xD0000000, s2;
	s6 =	simm.s32 $0x108;
	_ =	swait.ge @!p0 [sflag:s8], $0x0  }
0x24: {  	s3 =	sadd.s32 $0x88, s3;
	s6 =	simm.s32 @!p1 $0x1082;
	[sflag:s4] =	ssyncset.s32 $0xFFFFF086  }
0x25: {  	[simem:s6], [sflag:s4] =	dma.local [hbm:s3], $0xF7A  }
0x26: {  	[smem:$0x3F93] =	sst s1;
	(tag) =	ssettag s2;
	_ =	strace s9  }
0x27: {  	s1 =	sld [smem:$0x3FA3]  }
0x28: {  	s2 =	sld [smem:$0x3FA4]  }
0x29: {  	s4 =	sld [smem:$0x3FA6]  }
0x2a: {  	p0 =	seq.s32 s5, $0x0;
	s5 =	sld [smem:$0x3FA7]  }
0x2b: {  	s6 =	sld [smem:$0x3FA8]  }
0x2c: {  	s7 =	sld [smem:$0x3FA9]  }
0x2d: {  	s3 =	simm.s32 $0x108;
	s8 =	sld [smem:$0x3FAA]  }
0x2e: {  	s3 =	simm.s32 @!p0 $0x1082;
	s9 =	sld [smem:$0x3FAB]  }
0x2f: {  	lr =	sadd.s32 s0, s3;
	s0 =	sld [smem:$0x3FA2]  }
0x30: {  	s3 =	sld [smem:$0x3FA5]  }
0x31: {  	[smem:$0x3FAE] =	sst s10  }
0x32: {  	s10 =	sld [smem:$0x3FAC];
	_ =	sdelay $0x3  }
0x33: {  	p0 =	seq.s32 s10, $0x1;
	s10 =	sld [smem:$0x3FAE];
	_ =	sdelay $0x3  }
0x34: {  	[smem:$0x3FAE] =	sst s10  }
0x35: {  	s10 =	sld [smem:$0x3FAD];
	_ =	sdelay $0x3  }
0x36: {  	p1 =	seq.s32 s10, $0x1;
	s10 =	sld [smem:$0x3FAE];
	_ =	sdelay $0x3  }
0x37: {  	[smem:$0x3FAE] =	sst s10  }
0x38: {  	s10 =	sld [smem:$0x3FAF]  }
0x39: {  	_ = 	snop;
	(pc) =	sbr.ind lr, $3  }
0x3a: {  	_ = 	snop  }
0x3b: {  	_ = 	snop  }
0x3c: {  	p2 =	seq.s32 s10, $0x1;
	s10 =	sld [smem:$0x3FAE]  }
0x3d: {  	_ =	shalt  }
0x3e: {  	_ =	shalt  }
0x3f: {  	_ =	shalt  }
0x40: {  	_ =	shalt  }
0x41: {  	_ =	shalt  }
0x42: {  	_ =	shalt  }
0x43: {  	_ =	shalt  }
0x44: {  	_ =	shalt  }
0x45: {  	_ =	shalt  }
0x46: {  	_ =	shalt  }
0x47: {  	_ =	shalt  }
0x48: {  	_ =	shalt  }
0x49: {  	_ =	shalt  }
0x4a: {  	_ =	shalt  }
0x4b: {  	_ =	shalt  }
0x4c: {  	_ =	shalt  }
0x4d: {  	_ =	shalt  }
0x4e: {  	_ =	shalt  }
0x4f: {  	_ =	shalt  }
0x50: {  	_ =	shalt  }
0x51: {  	_ =	shalt  }
0x52: {  	_ =	shalt  }
0x53: {  	_ =	shalt  }
0x54: {  	_ =	shalt  }
0x55: {  	_ =	shalt  }
0x56: {  	_ =	shalt  }
0x57: {  	_ =	shalt  }
0x58: {  	_ =	shalt  }
0x59: {  	_ =	shalt  }
0x5a: {  	_ =	shalt  }
0x5b: {  	_ =	shalt  }
0x5c: {  	_ =	shalt  }
0x5d: {  	_ =	shalt  }
0x5e: {  	_ =	shalt  }
0x5f: {  	_ =	shalt  }
0x60: {  	_ =	shalt  }
0x61: {  	_ =	shalt  }
0x62: {  	_ =	shalt  }
0x63: {  	_ =	shalt  }
0x64: {  	_ =	shalt  }
0x65: {  	_ =	shalt  }
0x66: {  	_ =	shalt  }
0x67: {  	_ =	shalt  }
0x68: {  	_ =	shalt  }
0x69: {  	_ =	shalt  }
0x6a: {  	_ =	shalt  }
0x6b: {  	_ =	shalt  }
0x6c: {  	_ =	shalt  }
0x6d: {  	_ =	shalt  }
0x6e: {  	_ =	shalt  }
0x6f: {  	_ =	shalt  }
0x70: {  	_ =	shalt  }
0x71: {  	_ =	shalt  }
0x72: {  	_ =	shalt  }
0x73: {  	_ =	shalt  }
0x74: {  	_ =	shalt  }
0x75: {  	_ =	shalt  }
0x76: {  	_ =	shalt  }
0x77: {  	_ =	shalt  }
0x78: {  	_ =	shalt  }
0x79: {  	_ =	shalt  }
0x7a: {  	_ =	shalt  }
0x7b: {  	_ =	shalt  }
0x7c: {  	_ =	shalt  }
0x7d: {  	_ =	shalt  }
0x7e: {  	_ =	shalt  }
0x7f: {  	_ =	shalt  }
0x80: {  	_ =	shalt  }
0x81: {  	_ =	shalt  }
0x82: {  	_ =	shalt  }
0x83: {  	_ =	shalt  }
0x84: {  	_ =	shalt  }
0x85: {  	_ =	shalt  }
0x86: {  	_ =	shalt  }
0x87: {  	_ =	shalt  }
.Lfunc_end0:
.L_simem_size_0:
called_computation.1_lowered:
.L_overlay_start_0:
0x88: {  	s2 =	sld [smem:$0x3FD9]  }
0x89: {  	s3 =	sld [smem:$0x3FFE];
	_ =	sdelay $0x1  }
0x8a: {  	s1 =	srdreg.scid  }
0x8b: {  	s0 =	sand.u32 $0x1, s1  }
0x8c: {  	s17 =	sshll.u32 s0, $0xA;
	s2 =	sadd.s32 s3, s2  }
0x8d: {  	s2 =	sadd.s32 s2, s17  }
0x8e: {  	[smem:$0x3FBA] =	sst s2  }
0x8f: {  	_ = 	snop  }
0x90: {  	s2 =	sld [smem:$0x3FC7]  }
0x91: {  	s18 =	sld [smem:$0x3FC1];
	(tm) =	ssettm $0x1  }
0x92: {  	s4 =	sld [smem:$0x3FFB];
	_ =	sdelay $0x3  }
0x93: {  	_ =	strace s4  }
0x94: {  	s4 =	sld [smem:$0x3FFC];
	_ =	sdelay $0x3  }
0x95: {  	_ =	strace s4  }
0x96: {  	s4 =	sld [smem:$0x3FFD];
	_ =	sdelay $0x3  }
0x97: {  	_ =	strace s4  }
0x98: {  	_ =	strace $0x8FFFFFFF  }
0x99: {  	s19 =	sld [smem:$0x3FDB];
	_ =	sdelay $0x1  }
0x9a: {  	s5 =	simm.s32 $_scs_section_size  }
0x9b: {  	s6 =	simm.s32 $_size__tile_overlayer_lowered;
	s7 =	simm.s32 $_tile_overlayer_lowered  }
0x9c: {  	s22 =	simm.s32 $0x1BFF;
	s21 =	sshll.u32 s7, $0x1;
	s4 =	sadd.s32 s5, s19  }
0x9d: {  	s8 =	simm.s32 $0x0;
	s20 =	sshll.u32 s6, $0x1;
	s6 =	sadd.s32 s21, s4  }
0x9e: {  	[timem:s8], [sflag:s22] =	dma.local [hbm:s6], s20  }
0x9f: {  	_ =	swait.ge [sflag:s22], s20  }
0xa0: {  	s5 =	ssub.s32 $0x0, s20;
	[sflag:s22] =	ssyncset.done $0x0  }
0xa1: {  	[sflag:s22] =	ssyncadd.s32 s5;
	_ =	sdelay $0x1  }
0xa2: {  	s23 =	simm.s32 $0x1B8B  }
0xa3: {  	_ =	swait.ge [sflag:s23], $0x1  }
0xa4: {  	[sflag:s23] =	ssyncset.done $0x0  }
0xa5: {  	s25 =	simm.s32 $0x1B8E;
	s24 =	sld [smem:$0x3FFE];
	[sflag:s23] =	ssyncadd.s32 $0xFFFFFFFF  }
0xa6: {  	s26 =	simm.s32 $execute0_lowered;
	[smem:$0x3FD2] =	sst s25  }
0xa7: {  	s6 =	sshll.u32 s26, $0x1;
	_ =	strace $0x80000049;
	[dreg:$0x1] =	wrdreg $0xFFFFFFFF  }
0xa8: {  	s28 =	simm.s32 $_size_execute0_lowered;
	s4 =	sadd.s32 s4, s6;
	[dreg:$0x0] =	wrdreg $0x0  }
0xa9: {  	s6 =	sshll.u32 s28, $0x1;
	[dreg:$0x2] =	wrdreg s4  }
0xaa: {  	[dreg:$0x3] =	wrdreg s6  }
0xab: {  	[dreg:$0x4] =	wrdreg $0xC0  }
0xac: {  	_ =	task [dreg:s8], $0x5FFFF  }
0xad: {  	[dreg:$0x1] =	wrdreg $0xFFFFFFFF  }
0xae: {  	[dreg:$0x0] =	wrdreg $0x60  }
0xaf: {  	[dreg:$0x2] =	wrdreg s24  }
0xb0: {  	[dreg:$0x3] =	wrdreg s2  }
0xb1: {  	[dreg:$0x4] =	wrdreg s18  }
0xb2: {  	[dreg:$0x5] =	wrdreg $0x0  }
0xb3: {  	[dreg:$0x6] =	wrdreg $0x9  }
0xb4: {  	_ =	task.clear_ibuf [dreg:s8], $0x7FFFF;
	_ =	strace $0x90000049  }
0xb5: {  	s29 =	simm.s32 $0x9;
	_ =	strace $0x8000004B  }
0xb6: {  	_ =	swait.ge [sflag:s29], $0x1  }
0xb7: {  	[sflag:s29] =	ssyncadd.s32 $0xFFFFFFFF  }
0xb8: {  	_ =	strace $0x9000004B  }
0xb9: {  	_ =	sfence  }
0xba: {  	s30 =	sld [smem:$0x0];
	_ =	sdelay $0x2  }
0xbb: {  	s31 =	sshll.u32 s1, $0xD;
	s1 =	sshrl.u32 s1, $0x2  }
0xbc: {  	s3 =	sand.u32 $0x4000, s31;
	s1 =	sadd.s32 s1, s30  }
0xbd: {  	s0 =	sor.u32 s3, s0;
	s1 =	sshll.u32 s1, $0x11  }
0xbe: {  	s0 =	sor.u32 s1, s0  }
0xbf: {  	s0 =	sadd.s32 $0x8F2B, s0  }
0xc0: {  	[sflag:s0] =	ssyncadd.remote.s32 $0x1  }
0xc1: {  	_ =	sfence.sel $0xFFFF  }
0xc2: {  	[dreg:$0x0] =	wrdreg $0xFFFFFFFF;
	(pc) =	sbr.abs _section_cstart, $3  }
0xc3: {  	[dreg:$0x1] =	wrdreg $0xFFFFFFFF  }
0xc4: {  	_ =	task.clear_ibuf [dreg:s8], $0x2FFFF;
	_ =	strace $0x9FFFFFFF  }
0xc5: {  	(tm) =	ssettm $0x7FFFFFFF  }
tec
execute0_lowered:
.L_overlay_start_1:
0x0: {  	(tag) =	ssettag $0x1  }
0x1: {  	s0 =	rddreg [dreg:$0x0]  }
0x2: {  	s1 =	rddreg [dreg:$0x1]  }
0x3: {  	s3 =	rddreg [dreg:$0x3];
	s23 =	simm.s32 $0x0;
	s2 =	srdreg.scid  }
0x4: {  	s24 =	stileid.u32;
	s29 =	simm.s32 $0x14000;
	s30 =	simm.s32 $0x18000  }
0x5: {  	s31 =	simm.s32 $0x18080;
	s28 =	simm.s32 $0x18180;
	[smem:$0x7FF] =	sst s23  }
0x6: {  	s5 =	sadd.s32 $0x3F800, s0;
	s6 =	sadd.s32 $0x67800, s0;
	s7 =	sadd.s32 $0x17800, s0  }
0x7: {  	s8 =	sadd.s32 $0xDA00, s0;
	s10 =	sadd.s32 $0x3C00, s0;
	s4 =	sadd.s32 $0x8F800, s0  }
0x8: {  	s2 =	sand.u32 $0x1, s2;
	s9 =	sadd.s32 $0x8FA00, s0;
	s13 =	smul.u32 $0x50000, s24  }
0x9: {  	s17 =	smul.u32 $0x14000, s24;
	_ =	strace $0x8000004A;
	[dreg:$0x5] =	wrdreg s4  }
0xa: {  	s11 =	sshll.u32 s2, $0x4;
	s12 =	ssub.s32 $0x2, s2;
	s2 =	smul.u32 $0x140000, s2  }
0xb: {  	s11 =	sor.u32 s24, s11;
	s15 =	sshrl.u32 s12, $0x1;
	s13 =	sshrl.u32 s13, $0x2  }
0xc: {  	s25 =	sadd.s32 $0x4000, s17;
	s19 =	sadd.s32 $0x8000, s17;
	s20 =	sadd.s32 $0xC000, s17  }
0xd: {  	s21 =	sadd.s32 $0x10000, s17;
	s14 =	sshll.u32 s11, $0x1;
	s18 =	ssub.s32 s12, s15  }
0xe: {  	s12 =	smul.u32 $0x2710, s11;
	s13 =	sadd.s32 s13, s3;
	s15 =	sadd.s32 s19, s3  }
0xf: {  	s16 =	sadd.s32 s20, s3;
	s22 =	sadd.s32 s17, s2;
	s11 =	sadd.s32 s2, s25  }
0x10: {  	s19 =	sadd.s32 s2, s19;
	s20 =	sadd.s32 s2, s20;
	s2 =	sadd.s32 s2, s21  }
0x11: {  	s17 =	sadd.s32 s21, s3;
	s0 =	sadd.s32 s14, s0;
	s14 =	sadd.s32 s25, s3  }
0x12: {  	s26 =	sshrl.u32 s22, $0x3;
	s11 =	sshrl.u32 s11, $0x3;
	s0 =	sadd.s32 $0xDFA00, s0  }
0x13: {  	s21 =	sshrl.u32 s19, $0x3;
	s4 =	sadd.s32 s9, s26;
	[dreg:$0x6] =	wrdreg s0  }
0x14: {  	s22 =	sshrl.u32 s20, $0x3;
	s11 =	sadd.s32 s9, s11;
	[dreg:$0x7] =	wrdreg s4  }
0x15: {  	s2 =	sshrl.u32 s2, $0x3;
	s24 =	sadd.s32 s9, s22;
	[dreg:$0x8] =	wrdreg s11  }
0x16: {  	v0 =	vlaneseq.u32;
	s19 =	simm.s32 $0x0;
	s25 =	sadd.s32 s9, s2;
	[dreg:$0xa] =	wrdreg s24  }
0x17: {  	v0 =	vmul.u32 $0x80, v0;
	s26 =	smax.u32 s18, $0x1;
	s2 =	simm.s32 $0x50;
	[dreg:$0xb] =	wrdreg s25  }
0x18: {  	s18 =	simm.s32 $0x1D180;
	s0 =	sadd.s32 s9, s21;
	[dreg:$0xc] =	wrdreg s26  }
0x19: {  	v1 =	vimm.f32 $0.0e+00;
	v2 =	vor.u32 $0x800, v0;
	s25 =	simm.s32 $0x1F980;
	s26 =	simm.s32 $0x2;
	s9 =	simm.s32 $0x1  }
0x1a: {  	v3 =	vor.u32 $0x1000, v0;
	v4 =	vor.u32 $0x1800, v0;
	v5 =	vor.u32 $0x2000, v0;
	s11 =	simm.s32 $0x1A980;
	[dreg:$0x9] =	wrdreg s0;
	s0 =	simm.s32 $0x18100  }
.LBB2_1:
0x1b: {  	s4 =	rddreg [dreg:$0x2]  }
0x1c: {  	[tilespmem:s25], [sflag:$0x2] =	stream.linear.gather [hbm4b:s4+s23], $0x80, $0x38;
	[tilespmem:$0x1FB00] =	vst v63  }
0x1d: {  	_ =	swait.ge [sflag:s26], $0x80  }
0x1e: {  	[sflag:s26] =	ssyncset.done $0x0  }
0x1f: {  	s20 =	simm.s32 $0x1FA00;
	s24 =	rddreg [dreg:$0x5];
	[sflag:s26] =	ssyncadd.s32 $0xFFFFFF80  }
0x20: {  	[tilespmem:s20], [sflag:$0x2] =	stream.linear.gather [hbm4b:s24+s23], $0x80, $0x38;
	[tilespmem:$0x1FB00] =	vst v63  }
0x21: {  	_ =	swait.ge [sflag:s26], $0x80  }
0x22: {  	[sflag:s26] =	ssyncset.done $0x0  }
0x23: {  	s21 =	simm.s32 $0x200;
	s20 =	simm.s32 $0x0;
	[sflag:s26] =	ssyncadd.s32 $0xFFFFFF80  }
.LBB2_2:
0x24: {  	p0 =	sne.s32 s21, $0xFE00;
	[tilespmem:s20+$0x14070] =	vst v1  }
0x25: {  	[tilespmem:s20+$0x14000] =	vst v1  }
0x26: {  	[tilespmem:s20+$0x14010] =	vst v1  }
.Ltmp0:
0x27: {  	[tilespmem:s20+$0x14020] =	vst v1;
	(pc) =	sbr.rel @p0 .LBB2_2-.Ltmp0, $4  }
0x28: {  	[tilespmem:s20+$0x14030] =	vst v1  }
0x29: {  	[tilespmem:s20+$0x14040] =	vst v1  }
0x2a: {  	[tilespmem:s20+$0x14050] =	vst v1  }
0x2b: {  	[tilespmem:s20+$0x14060] =	vst v1;
	s20 =	sshra.s32 s21, $0x2;
	s21 =	sadd.s32 $0x200, s21  }
0x2c: {  	[tilespmem:s20+$0x14070] =	vst v1  }
0x2d: {  	[tilespmem:s20+$0x14000] =	vst v1  }
0x2e: {  	[tilespmem:s20+$0x14010] =	vst v1  }
0x2f: {  	[tilespmem:s20+$0x14020] =	vst v1  }
0x30: {  	[tilespmem:s20+$0x14030] =	vst v1  }
0x31: {  	[tilespmem:s20+$0x14040] =	vst v1  }
0x32: {  	[tilespmem:s20+$0x14050] =	vst v1  }
0x33: {  	[tilespmem:s20+$0x14060] =	vst v1  }
0x34: {  	[spmem:s13] =	stream.linear.scatter [tilespmem:s29], [sflag:$0x2], $0x4000, $0x38;
	[tilespmem:$0x1FB00] =	vst v63  }
0x35: {  	_ =	swait.ge [sflag:s26], $0x4000  }
0x36: {  	[sflag:s26] =	ssyncset.done $0x0  }
0x37: {  	[sflag:s26] =	ssyncadd.s32 $0xFFFFC000  }
0x38: {  	[spmem:s14] =	stream.linear.scatter [tilespmem:s29], [sflag:$0x2], $0x4000, $0x38;
	[tilespmem:$0x1FB00] =	vst v63  }
0x39: {  	_ =	swait.ge [sflag:s26], $0x4000  }
0x3a: {  	[sflag:s26] =	ssyncset.done $0x0  }
0x3b: {  	[sflag:s26] =	ssyncadd.s32 $0xFFFFC000  }
0x3c: {  	[spmem:s15] =	stream.linear.scatter [tilespmem:s29], [sflag:$0x2], $0x4000, $0x38;
	[tilespmem:$0x1FB00] =	vst v63  }
0x3d: {  	_ =	swait.ge [sflag:s26], $0x4000  }
0x3e: {  	[sflag:s26] =	ssyncset.done $0x0  }
0x3f: {  	[sflag:s26] =	ssyncadd.s32 $0xFFFFC000  }
0x40: {  	[spmem:s16] =	stream.linear.scatter [tilespmem:s29], [sflag:$0x2], $0x4000, $0x38;
	[tilespmem:$0x1FB00] =	vst v63  }
0x41: {  	_ =	swait.ge [sflag:s26], $0x4000  }
0x42: {  	[sflag:s26] =	ssyncset.done $0x0  }
0x43: {  	[sflag:s26] =	ssyncadd.s32 $0xFFFFC000  }
0x44: {  	[spmem:s17] =	stream.linear.scatter [tilespmem:s29], [sflag:$0x2], $0x4000, $0x38;
	[tilespmem:$0x1FB00] =	vst v63  }
0x45: {  	_ =	swait.ge [sflag:s26], $0x4000  }
0x46: {  	[sflag:s26] =	ssyncset.done $0x0  }
0x47: {  	[sflag:s26] =	ssyncadd.s32 $0xFFFFC000  }
0x48: {  	[bflag:$0x0] =	sbarrier.arrive $0xFFFF  }
0x49: {  	s20 =	simm.s32 $0x0;
	v7 =	vimm.f32 $0.0e+00;
	s21 =	simm.s32 $0x0;
	v6 =	vld [tilespmem:$0x1FA00]  }
.LBB2_4:
0x4a: {  	s22 =	smul.u32 $0x50, s21;
	_ =	sdelay $0x1  }
0x4b: {  	s22 =	sadd.s32 s12, s22  }
0x4c: {  	s22 =	sshrl.u32 s22, $0x3  }
0x4d: {  	s23 =	sadd.s32 s8, s22  }
0x4e: {  	[tilespmem:s30], [sflag:$0x2] =	stream.linear.gather [hbm4b:s23+s20], $0x50, $0x38;
	[tilespmem:$0x1FB00] =	vst v63  }
0x4f: {  	_ =	swait.ge [sflag:s26], $0x50  }
0x50: {  	[sflag:s26] =	ssyncset.done $0x0  }
0x51: {  	s4 =	sadd.s32 s10, s22;
	[sflag:s26] =	ssyncadd.s32 $0xFFFFFFB0  }
0x52: {  	[tilespmem:s31], [sflag:$0x2] =	stream.linear.gather [hbm4b:s4+s20], $0x50, $0x38;
	[tilespmem:$0x1FB00] =	vst v63  }
0x53: {  	_ =	swait.ge [sflag:s26], $0x50  }
0x54: {  	[sflag:s26] =	ssyncset.done $0x0  }
0x55: {  	s22 =	sadd.s32 s1, s22;
	[sflag:s26] =	ssyncadd.s32 $0xFFFFFFB0  }
0x56: {  	[tilespmem:s0], [sflag:$0x2] =	stream.linear.gather [hbm4b:s22+s20], $0x50, $0x38;
	[tilespmem:$0x1FB00] =	vst v63  }
0x57: {  	_ =	swait.ge [sflag:s26], $0x50  }
0x58: {  	[sflag:s26] =	ssyncset.done $0x0  }
0x59: {  	[sflag:s26] =	ssyncadd.s32 $0xFFFFFFB0  }
0x5a: {  	[tilespmem:s28], [sflag:$0x1] =	stream.indirect.gather [hbm4b:s5+s2], $0x80, s30, s2, $0xb8;
	[tilespmem:$0x1FB00] =	vst v63  }
0x5b: {  	_ =	swait.ge [sflag:s9], $0x2800  }
0x5c: {  	[sflag:s9] =	ssyncset.done $0x0  }
0x5d: {  	[sflag:s9] =	ssyncadd.s32 $0xFFFFD800  }
0x5e: {  	[tilespmem:s11], [sflag:$0x1] =	stream.indirect.gather [hbm4b:s6+s2], $0x80, s31, s2, $0xb8;
	[tilespmem:$0x1FB00] =	vst v63  }
0x5f: {  	_ =	swait.ge [sflag:s9], $0x2800  }
0x60: {  	[sflag:s9] =	ssyncset.done $0x0  }
0x61: {  	v10 =	vor.u32 s20, v5;
	[sflag:s9] =	ssyncadd.s32 $0xFFFFD800  }
0x62: {  	[tilespmem:s18], [sflag:$0x1] =	stream.indirect.gather [hbm4b:s7+s2], $0x80, s30, s2, $0xb8;
	[tilespmem:$0x1FB00] =	vst v63  }
0x63: {  	v11 =	vor.u32 s20, v4;
	_ =	swait.ge [sflag:s9], $0x2800  }
0x64: {  	v12 =	vor.u32 s20, v3;
	[sflag:s9] =	ssyncset.done $0x0  }
0x65: {  	v13 =	vor.u32 s20, v0;
	[sflag:s9] =	ssyncadd.s32 $0xFFFFD800  }
0x66: {  	v14 =	vld.idx.msk [tilespmem:v10+s11+$0x0], $0xffff  }
0x67: {  	v10 =	vld.idx.msk [tilespmem:v10+s28+$0x0], $0xffff  }
0x68: {  	v16 =	vld.idx.msk [tilespmem:v11+s28+$0x0], $0xffff  }
0x69: {  	v15 =	vor.u32 s20, v2;
	v17 =	vld.idx.msk [tilespmem:v12+s28+$0x0], $0xffff  }
0x6a: {  	v18 =	vld.idx.msk [tilespmem:v13+s28+$0x0], $0xffff  }
0x6b: {  	v13 =	vld.idx.msk [tilespmem:v13+s11+$0x0], $0xffff  }
0x6c: {  	v8 =	vmov s20;
	s24 =	simm.s32 $0x1;
	v12 =	vld.idx.msk [tilespmem:v12+s11+$0x0], $0xffff  }
0x6d: {  	v20 =	vor.u32 s24, v5;
	v22 =	vld.idx.msk [tilespmem:v11+s11+$0x0], $0xffff  }
0x6e: {  	v19 =	vmov s24;
	v23 =	vld.idx.msk [tilespmem:v15+s28+$0x0], $0xffff  }
0x6f: {  	v21 =	vor.u32 s24, v0;
	v24 =	vld.idx.msk [tilespmem:v15+s11+$0x0], $0xffff;
	_ =	sdelay $0x1  }
0x70: {  	v25 =	vimm.f32 $0.0e+00;
	v9 =	vld.idx.msk [tilespmem:v8+s25+$0x0], $0xffff;
	v15 =	vor.u32 s24, v3  }
0x71: {  	v8 =	vor.u32 s24, v4;
	v11 =	vld.idx.msk [tilespmem:v20+s11+$0x0], $0xffff;
	v14 =	vadd.f32 v14, v10;
	v13 =	vadd.f32 v13, v18  }
0x72: {  	v10 =	vld.idx.msk [tilespmem:v19+s25+$0x0], $0xffff;
	v18 =	vadd.f32 v12, v17;
	v19 =	vor.u32 s24, v2;
	v16 =	vadd.f32 v22, v16  }
0x73: {  	v26 =	vld.idx.msk [tilespmem:v21+s28+$0x0], $0xffff;
	v28 =	vadd.f32 v24, v23;
	v22 =	vimm.f32 $0.0e+00;
	v14 =	vmax.f32 v14, $0.0e+00  }
0x74: {  	v12 =	vld.idx.msk [tilespmem:v20+s28+$0x0], $0xffff;
	v13 =	vmax.f32 v13, $0.0e+00;
	v18 =	vmax.f32 v18, $0.0e+00;
	v23 =	vmax.f32 v16, $0.0e+00  }
0x75: {  	v20 =	vld.idx.msk [tilespmem:v15+s28+$0x0], $0xffff;
	v16 =	vimm.f32 $0.0e+00;
	v17 =	vmul.f32 v14, v9;
	v27 =	vmul.f32 v13, v9  }
0x76: {  	s22 =	simm.s32 $0x2;
	v14 =	vld.idx.msk [tilespmem:v8+s28+$0x0], $0xffff;
	v24 =	vmul.f32 v18, v9;
	v13 =	vimm.f32 $0.0e+00;
	v18 =	vimm.f32 $0.0e+00  }
.LBB2_5:
0x77: {  	v29 =	vmov s22;
	v30 =	vor.u32 s22, v4;
	p0 =	sne.s32 s22, $0x7F;
	v31 =	vld.idx.msk [tilespmem:v21+s11+$0x0], $0xffff;
	v21 =	vor.u32 s22, v0;
	s23 =	smov.u32 s22;
	s22 =	sadd.s32 $0x1, s22  }
0x78: {  	v13 =	vadd.f32 v17, v13;
	v32 =	vor.u32 s23, v5;
	v33 =	vld.idx.msk [tilespmem:v15+s11+$0x0], $0xffff;
	v15 =	vor.u32 s23, v3  }
0x79: {  	v23 =	vmul.f32 v23, v9;
	v17 =	vor.u32 s23, v2;
	v28 =	vmax.f32 v28, $0.0e+00;
	v34 =	vld.idx.msk [tilespmem:v8+s11+$0x0], $0xffff;
	v8 =	vmovc v30  }
0x7a: {  	v25 =	vadd.f32 v27, v25;
	v18 =	vadd.f32 v24, v18;
	v27 =	vmul.f32 v28, v9;
	v30 =	vld.idx.msk [tilespmem:v19+s28+$0x0], $0xffff  }
0x7b: {  	v16 =	vadd.f32 v23, v16;
	v9 =	vmov v10;
	v24 =	vld.idx.msk [tilespmem:v19+s11+$0x0], $0xffff;
	v19 =	vmov v17  }
0x7c: {  	v17 =	vadd.f32 v11, v12;
	v22 =	vadd.f32 v27, v22;
	v10 =	vld.idx.msk [tilespmem:v29+s25+$0x0], $0xffff  }
.Ltmp1:
0x7d: {  	v23 =	vadd.f32 v31, v26;
	v11 =	vld.idx.msk [tilespmem:v32+s11+$0x0], $0xffff;
	(pc) =	sbr.rel @p0 .LBB2_5-.Ltmp1, $4  }
0x7e: {  	v26 =	vadd.f32 v33, v20;
	v17 =	vmax.f32 v17, $0.0e+00;
	v12 =	vld.idx.msk [tilespmem:v32+s28+$0x0], $0xffff  }
0x7f: {  	v23 =	vmax.f32 v23, $0.0e+00;
	v29 =	vadd.f32 v34, v14;
	v17 =	vmul.f32 v17, v9;
	v14 =	vld.idx.msk [tilespmem:v8+s28+$0x0], $0xffff  }
0x80: {  	v27 =	vmul.f32 v23, v9;
	v23 =	vmax.f32 v26, $0.0e+00;
	v20 =	vld.idx.msk [tilespmem:v15+s28+$0x0], $0xffff  }
0x81: {  	v28 =	vadd.f32 v24, v30;
	v24 =	vmul.f32 v23, v9;
	v23 =	vmax.f32 v29, $0.0e+00;
	v26 =	vld.idx.msk [tilespmem:v21+s28+$0x0], $0xffff  }
0x82: {  	_ =	sdelay $0x3  }
0x83: {  	v21 =	vld.idx.msk [tilespmem:v21+s11+$0x0], $0xffff;
	_ =	sdelay $0x4  }
0x84: {  	v21 =	vadd.f32 v21, v26;
	_ =	sdelay $0x1  }
0x85: {  	v21 =	vmax.f32 v21, $0.0e+00  }
0x86: {  	v25 =	vadd.f32 v27, v25;
	v21 =	vmul.f32 v21, v10;
	_ =	sdelay $0x1  }
0x87: {  	v21 =	vadd.f32 v21, v25;
	_ =	sdelay $0x1  }
0x88: {  	v62 =	vld.idx.msk [tilespmem:v19+s28+$0x0], $0xffff;
	v21 =	vadd.f32 v21, v6  }
0x89: {  	v19 =	vld.idx.msk [tilespmem:v19+s11+$0x0], $0xffff  }
0x8a: {  	v21 =	vsub.f32 $0.0e+00, v21;
	_ =	sdelay $0x1  }
0x8b: {  	v21 =	vmul.f32 $1.442695020e+00, v21;
	_ =	sdelay $0x1  }
0x8c: {  	v63 =	vmax.f32 v28, $0.0e+00;
	v19 =	vadd.f32 v19, v62;
	(erf) = vpow2.f32 v21  }
0x8d: {  	v21 =	vmul.f32 v63, v9  }
0x8e: {  	v19 =	vmax.f32 v19, $0.0e+00  }
0x8f: {  	v19 =	vmul.f32 v19, v10;
	v21 =	vadd.f32 v21, v22;
	_ =	sdelay $0x1  }
0x90: {  	v19 =	vadd.f32 v19, v21;
	_ =	sdelay $0x1  }
0x91: {  	v19 =	vadd.f32 v19, v6  }
0x92: {  	v15 =	vld.idx.msk [tilespmem:v15+s11+$0x0], $0xffff  }
0x93: {  	v19 =	vsub.f32 $0.0e+00, v19;
	v21 =	vpop (erf)  }
0x94: {  	v21 =	vadd.f32 $1.000000000e+00, v21  }
0x95: {  	v19 =	vmul.f32 $1.442695020e+00, v19  }
0x96: {  	(erf) = vrcp.f32 v21  }
0x97: {  	v15 =	vadd.f32 v15, v20;
	(erf) = vpow2.f32 v19;
	_ =	sdelay $0x1  }
0x98: {  	v15 =	vmax.f32 v15, $0.0e+00  }
0x99: {  	v18 =	vadd.f32 v24, v18;
	v15 =	vmul.f32 v15, v10;
	_ =	sdelay $0x1  }
0x9a: {  	v15 =	vadd.f32 v15, v18;
	_ =	sdelay $0x1  }
0x9b: {  	v18 =	vld.idx.msk [tilespmem:v8+s11+$0x0], $0xffff;
	v15 =	vadd.f32 v15, v6  }
0x9c: {  	v8 =	vpop (erf)  }
0x9d: {  	v15 =	vsub.f32 $0.0e+00, v15;
	v19 =	vpop (erf)  }
0x9e: {  	v19 =	vadd.f32 $1.000000000e+00, v19  }
0x9f: {  	v15 =	vmul.f32 $1.442695020e+00, v15  }
0xa0: {  	v14 =	vadd.f32 v18, v14;
	(erf) = vrcp.f32 v19  }
0xa1: {  	v9 =	vmul.f32 v23, v9;
	(erf) = vpow2.f32 v15  }
0xa2: {  	v14 =	vmax.f32 v14, $0.0e+00  }
0xa3: {  	v14 =	vmul.f32 v14, v10;
	v9 =	vadd.f32 v9, v16;
	_ =	sdelay $0x1  }
0xa4: {  	v9 =	vadd.f32 v14, v9;
	_ =	sdelay $0x2  }
0xa5: {  	v14 =	vadd.f32 v9, v6  }
0xa6: {  	v9 =	vpop (erf)  }
0xa7: {  	v14 =	vsub.f32 $0.0e+00, v14;
	v15 =	vpop (erf)  }
0xa8: {  	v15 =	vadd.f32 $1.000000000e+00, v15  }
0xa9: {  	v14 =	vmul.f32 $1.442695020e+00, v14  }
0xaa: {  	v11 =	vadd.f32 v11, v12;
	(erf) = vrcp.f32 v15  }
0xab: {  	(erf) = vpow2.f32 v14  }
0xac: {  	v11 =	vmax.f32 v11, $0.0e+00  }
0xad: {  	v12 =	vadd.f32 v17, v13;
	v10 =	vmul.f32 v11, v10;
	_ =	sdelay $0x1  }
0xae: {  	v10 =	vadd.f32 v10, v12;
	_ =	sdelay $0x2  }
0xaf: {  	v11 =	vadd.f32 v10, v6  }
0xb0: {  	v10 =	vpop (erf)  }
0xb1: {  	v11 =	vsub.f32 $0.0e+00, v11;
	v12 =	vpop (erf)  }
0xb2: {  	v12 =	vadd.f32 $1.000000000e+00, v12  }
0xb3: {  	v11 =	vmul.f32 $1.442695020e+00, v11  }
0xb4: {  	(erf) = vrcp.f32 v12  }
0xb5: {  	(erf) = vpow2.f32 v11;
	_ =	sdelay $0x7  }
0xb6: {  	v11 =	vpop (erf)  }
0xb7: {  	v12 =	vpop (erf)  }
0xb8: {  	v12 =	vadd.f32 $1.000000000e+00, v12;
	_ =	sdelay $0x1  }
0xb9: {  	v13 =	vld [tilespmem:$0x18100];
	(erf) = vrcp.f32 v12;
	_ =	sdelay $0x1  }
0xba: {  	v12 =	vld [tilespmem:$0x18110]  }
0xbb: {  	v14 =	vld [tilespmem:$0x18120]  }
0xbc: {  	v15 =	vld [tilespmem:$0x18130]  }
0xbd: {  	v16 =	vld [tilespmem:$0x18140];
	v13 =	vmul.f32 v13, v8;
	_ =	sdelay $0x1  }
0xbe: {  	v17 =	vand.u32 $0x7FFFFFFF, v13;
	v18 =	vmul.f32 v12, v9  }
0xbf: {  	vm0 =	vgt.f32 v17, $1.000000050e-03;
	v14 =	vmul.f32 v14, v10  }
0xc0: {  	v13 =	vnsel vm0, $0x0, v13;
	v15 =	vmul.f32 v15, v11;
	v17 =	vand.u32 $0x7FFFFFFF, v18;
	v12 =	vpop (erf)  }
0xc1: {  	vm12 =	vgt.f32 v17, $1.000000050e-03;
	v17 =	vand.u32 $0x7FFFFFFF, v14;
	v16 =	vmul.f32 v16, v12  }
0xc2: {  	[tilespmem:$0x18100] =	vst v13;
	v13 =	vnsel vm12, $0x0, v18;
	vm13 =	vgt.f32 v17, $1.000000050e-03;
	v17 =	vand.u32 $0x7FFFFFFF, v15  }
0xc3: {  	[tilespmem:$0x18110] =	vst v13;
	v13 =	vnsel vm13, $0x0, v14;
	vm14 =	vgt.f32 v17, $1.000000050e-03;
	v14 =	vand.u32 $0x7FFFFFFF, v16  }
0xc4: {  	s22 =	simm.s32 $0x0;
	[tilespmem:$0x18120] =	vst v13;
	v13 =	vnsel vm14, $0x0, v15;
	vm15 =	vgt.f32 v14, $1.000000050e-03  }
0xc5: {  	[tilespmem:$0x18130] =	vst v13;
	v14 =	vmov s22;
	v13 =	vnsel vm15, $0x0, v16  }
0xc6: {  	s22 =	simm.s32 $0x1D1C0;
	[tilespmem:$0x18140] =	vst v13  }
0xc7: {  	v17 =	vld [tilespmem:s22+$0x30]  }
0xc8: {  	v20 =	vld [tilespmem:s22+$0x10]  }
0xc9: {  	v18 =	vld [tilespmem:s22+$0xFFFFFFC0]  }
0xca: {  	v14 =	vld.idx.msk [tilespmem:v14+s0+$0x0], $0xffff  }
0xcb: {  	v22 =	vld [tilespmem:s22+$0xFFFFFFE0]  }
0xcc: {  	v13 =	vld [tilespmem:s22+$0xFFFFFFF0]  }
0xcd: {  	v15 =	vld [tilespmem:s22+$0x20]  }
0xce: {  	v16 =	vld [tilespmem:s22+$0xFFFFFFD0]  }
0xcf: {  	v21 =	vmul.f32 v17, v14;
	v17 =	vld [tilespmem:s22+$0x0]  }
0xd0: {  	v19 =	vmul.f32 v18, v14  }
0xd1: {  	s23 =	simm.s32 $0x1;
	s24 =	simm.s32 $0x1D1C0;
	v18 =	vmul.f32 v22, v14;
	v20 =	vmul.f32 v20, v14  }
.LBB2_7:
0xd2: {  	p0 =	sne.s32 s23, $0x4F  }
0xd3: {  	v16 =	vmul.f32 v16, v14;
	v15 =	vmul.f32 v15, v14;
	[tilespmem:s22+$0x30] =	vst v21;
	s24 =	sadd.s32 $0x80, s24;
	s4 =	smov.u32 s23;
	s23 =	sadd.s32 $0x1, s23  }
0xd4: {  	[tilespmem:s22+$0xFFFFFFC0] =	vst v19;
	v19 =	vmul.f32 v13, v14;
	v14 =	vmul.f32 v17, v14  }
0xd5: {  	[tilespmem:s22+$0x10] =	vst v20  }
0xd6: {  	v17 =	vmov s4;
	[tilespmem:s22+$0xFFFFFFE0] =	vst v18  }
0xd7: {  	v13 =	vld [tilespmem:s24+$0xFFFFFFF0];
	[tilespmem:s22+$0xFFFFFFF0] =	vst v19  }
0xd8: {  	v18 =	vld [tilespmem:s24+$0x30];
	[tilespmem:s22+$0x0] =	vst v14  }
0xd9: {  	v20 =	vld [tilespmem:s24+$0x10];
	[tilespmem:s22+$0x20] =	vst v15  }
0xda: {  	v19 =	vld [tilespmem:s24+$0xFFFFFFC0];
	[tilespmem:s22+$0xFFFFFFD0] =	vst v16;
	s22 =	smov.u32 s24  }
0xdb: {  	v14 =	vld.idx.msk [tilespmem:v17+s0+$0x0], $0xffff  }
0xdc: {  	v22 =	vld [tilespmem:s24+$0xFFFFFFE0]  }
0xdd: {  	v15 =	vld [tilespmem:s24+$0x20]  }
.Ltmp2:
0xde: {  	v16 =	vld [tilespmem:s24+$0xFFFFFFD0];
	(pc) =	sbr.rel @p0 .LBB2_7-.Ltmp2, $3  }
0xdf: {  	v17 =	vld [tilespmem:s24+$0x0];
	_ =	sdelay $0x1  }
0xe0: {  	v19 =	vmul.f32 v19, v14;
	v21 =	vmul.f32 v18, v14  }
0xe1: {  	v20 =	vmul.f32 v20, v14;
	v18 =	vmul.f32 v22, v14  }
0xe2: {  	[tilespmem:s22+$0x30] =	vst v21  }
0xe3: {  	[tilespmem:s22+$0xFFFFFFC0] =	vst v19  }
0xe4: {  	v13 =	vmul.f32 v13, v14;
	[tilespmem:s22+$0x10] =	vst v20  }
0xe5: {  	v63 =	vmul.f32 v16, v14;
	[tilespmem:s22+$0xFFFFFFE0] =	vst v18;
	v7 =	vadd.f32 v8, v7  }
0xe6: {  	v17 =	vmul.f32 v17, v14;
	[tilespmem:s22+$0xFFFFFFF0] =	vst v13  }
0xe7: {  	s21 =	sadd.s32 $0x1, s21;
	v8 =	vmul.f32 v15, v14;
	[tilespmem:s22+$0xFFFFFFD0] =	vst v63;
	v7 =	vadd.f32 v9, v7  }
0xe8: {  	p0 =	sne.s32 s21, $0x7D;
	[tilespmem:s22+$0x0] =	vst v17  }
.Ltmp3:
0xe9: {  	[tilespmem:s22+$0x20] =	vst v8;
	v7 =	vadd.f32 v10, v7;
	(pc) =	sbr.rel @p0 .LBB2_4-.Ltmp3, $4  }
0xea: {  	[spmem:s3] =	stream.indirect.scatter.add.f32 [tilespmem:s18], [sflag:$0x2], $0x80, s31, s2, $0xb8;
	[tilespmem:$0x1FB00] =	vst v63  }
0xeb: {  	_ =	swait.ge [sflag:s26], $0x2800;
	v7 =	vadd.f32 v11, v7  }
0xec: {  	[sflag:s26] =	ssyncset.done $0x0  }
0xed: {  	[sflag:s26] =	ssyncadd.s32 $0xFFFFD800;
	v7 =	vadd.f32 v12, v7  }
0xee: {  	_ = 	snop  }
0xef: {  	s23 =	simm.s32 $0x0;
	s4 =	rddreg [dreg:$0x6];
	s20 =	simm.s32 $0x1FA80;
	[tilespmem:$0x1FA80] =	vst v7  }
0xf0: {  	[hbm4b:s4+s23] =	stream.linear.scatter [tilespmem:s20], [sflag:$0x2], $0x10, $0x38;
	[tilespmem:$0x1FB00] =	vst v63  }
0xf1: {  	_ =	swait.ge [sflag:s26], $0x10  }
0xf2: {  	[sflag:s26] =	ssyncset.done $0x0  }
0xf3: {  	s22 =	stileid.u32;
	[sflag:s26] =	ssyncadd.s32 $0xFFFFFFF0  }
0xf4: {  	s4 =	sshll.u32 s22, $0x6;
	[bflag:$0x0] =	sbarrier.arrive $0xFFFF  }
0xf5: {  	s24 =	sshrl.u32 s13, $0x3;
	s4 =	sor.u32 $0x1C02, s4;
	s21 =	rddreg [dreg:$0x7]  }
0xf6: {  	[hbm:s21], [sflag:s4] =	dma.local [spmem:s24], $0x800  }
0xf7: {  	_ =	swait.ge [sflag:s26], $0x800  }
0xf8: {  	[sflag:s26] =	ssyncset.done $0x0  }
0xf9: {  	s22 =	sshrl.u32 s14, $0x3;
	s24 =	rddreg [dreg:$0x8];
	[sflag:s26] =	ssyncadd.s32 $0xFFFFF800  }
0xfa: {  	[hbm:s24], [sflag:s4] =	dma.local [spmem:s22], $0x800  }
0xfb: {  	_ =	swait.ge [sflag:s26], $0x800  }
0xfc: {  	[sflag:s26] =	ssyncset.done $0x0  }
0xfd: {  	s22 =	sshrl.u32 s15, $0x3;
	s24 =	rddreg [dreg:$0x9];
	[sflag:s26] =	ssyncadd.s32 $0xFFFFF800  }
0xfe: {  	[hbm:s24], [sflag:s4] =	dma.local [spmem:s22], $0x800  }
0xff: {  	_ =	swait.ge [sflag:s26], $0x800  }
0x100: {  	[sflag:s26] =	ssyncset.done $0x0  }
0x101: {  	s22 =	sshrl.u32 s16, $0x3;
	s24 =	rddreg [dreg:$0xa];
	[sflag:s26] =	ssyncadd.s32 $0xFFFFF800  }
0x102: {  	[hbm:s24], [sflag:s4] =	dma.local [spmem:s22], $0x800  }
0x103: {  	_ =	swait.ge [sflag:s26], $0x800  }
0x104: {  	[sflag:s26] =	ssyncset.done $0x0  }
0x105: {  	s21 =	sshrl.u32 s17, $0x3;
	s22 =	rddreg [dreg:$0xb];
	[sflag:s26] =	ssyncadd.s32 $0xFFFFF800  }
0x106: {  	[hbm:s22], [sflag:s4] =	dma.local [spmem:s21], $0x800  }
0x107: {  	_ =	swait.ge [sflag:s26], $0x800  }
0x108: {  	s19 =	sadd.s32 $0x1, s19;
	s24 =	rddreg [dreg:$0xc]  }
0x109: {  	p0 =	sne.s32 s19, s24  }
.Ltmp4:
0x10a: {  	_ = 	snop;
	(pc) =	sbr.rel @p0 .LBB2_1-.Ltmp4, $3  }
0x10b: {  	_ =	sdelay $0x1  }
0x10c: {  	[sflag:s26] =	ssyncset.done $0x0  }
0x10d: {  	[sflag:s26] =	ssyncadd.s32 $0xFFFFF800  }
0x10e: {  	_ =	sfence.sel $0x180000  }
0x10f: {  	[bflag:$0x0] =	sbarrier.arrive $0xFFFF  }
0x110: {  	_ =	strace $0x9000004A  }
0x111: {  	s0 =	stileid.u32;
	[bflag:$0x2] =	sbarrier.arrive $0xFFFF  }
0x112: {  	p0 =	sne.s32 s0, $0x0;
	s0 =	rddreg [dreg:$0x4]  }
0x113: {  	s0 =	sadd.s32 @!p0 $0x100000, s0  }
0x114: {  	[sflag:s0] =	ssyncadd.tile.s32 @!p0 $0x1;
	_ =	shalt  }
.Lfunc_end2:
_tile_overlayer_lowered:
.L_overlay_start_2:
0x115: {  	(tag) =	ssettag $0x2  }
0x116: {  	s0 =	rddreg [dreg:$0x0];
	s2 =	stileid.u32  }
0x117: {  	s1 =	rddreg [dreg:$0x1];
	p0 =	sne.s32 s2, $0x0  }
0x118: {  	s3 =	rddreg [dreg:$0x2];
	[bflag:$0x3] =	sbarrier.arrive $0xFFFF;
	s2 =	simm.s32 @!p0 $0x1C02  }
0x119: {  	[timem:s3], [sflag:s2] =	dma.local @!p0 [hbm:s0], s1  }
0x11a: {  	s0 =	simm.s32 @!p0 $0x2  }
0x11b: {  	_ =	swait.ge @!p0 [sflag:s0], s1  }
0x11c: {  	s1 =	ssub.s32 @!p0 $0x0, s1;
	[sflag:s0] =	ssyncset.done @!p0 $0x0  }
0x11d: {  	[sflag:s0] =	ssyncadd.s32 @!p0 s1  }
0x11e: {  	[bflag:$0x3] =	sbarrier.arrive $0xFFFF  }
0x11f: {  	_ =	shalt  }

// kernel: kernel.13.cloned.1.call-start
scs
__scs_entry_jumppad:
0x0: {  	(pc) =	sbr.rel $0x88, $3  }
0x1: {  	(tag) =	ssettag $0x0;
	lr =	simm.s32 $0x1  }
0x2: {  	[smem:$0x3F93] =	sst lr;
	_ =	strace $0xD0000000  }
0x3: {  	_ = 	snop  }
0x4: {  	_ = 	snop  }
0x5: {  	_ = 	snop  }
0x6: {  	_ = 	snop  }
0x7: {  	_ = 	snop  }
__scs_overlays_trampoline_lowered:
0x8: {  	[smem:$0x3FA2] =	sst s0  }
0x9: {  	[smem:$0x3FA3] =	sst s1  }
0xa: {  	[smem:$0x3FA4] =	sst s2  }
0xb: {  	[smem:$0x3FA5] =	sst s3  }
0xc: {  	[smem:$0x3FA6] =	sst s4  }
0xd: {  	[smem:$0x3FA7] =	sst s5  }
0xe: {  	[smem:$0x3FA8] =	sst s6  }
0xf: {  	[smem:$0x3FA9] =	sst s7  }
0x10: {  	[smem:$0x3FAA] =	sst s8  }
0x11: {  	[smem:$0x3FAB] =	sst s9;
	s0 =	simm.s32 @!p0 $0x0  }
0x12: {  	s1 =	sld [smem:$0x3F91];
	s0 =	simm.s32 @p0 $0x1  }
0x13: {  	[smem:$0x3FAC] =	sst s0;
	s0 =	simm.s32 @!p1 $0x0  }
0x14: {  	s2 =	sld [smem:$0x3F90];
	s0 =	simm.s32 @p1 $0x1  }
0x15: {  	[smem:$0x3FAD] =	sst s0;
	s0 =	simm.s32 @!p2 $0x0  }
0x16: {  	s3 =	sld [smem:$0x3FDB];
	s0 =	simm.s32 @p2 $0x1  }
0x17: {  	s4 =	simm.s32 $0x1BF5;
	[smem:$0x3FAF] =	sst s0  }
0x18: {  	s0 =	sld [smem:$0x3F92];
	_ =	swait.ge [sflag:s4], $0x0  }
0x19: {  	s7 =	sld [smem:$0x3F93]  }
0x1a: {  	s8 =	sadd.s32 $0xFFFFE003, lr  }
0x1b: {  	s9 =	sadd.s32 $0xFFFFFEF7, lr;
	s5 =	simm.s32 $0xFFFFFFFF;
	p2 =	slt.u32 s8, $0xFFFFF086  }
0x1c: {  	p1 =	slt.u32 s9, $0xF7A;
	s5 =	simm.s32 @!p2 $0x0  }
0x1d: {  	s5 =	simm.s32 @p1 $0x1;
	p0 =	seq.s32 s7, s2  }
0x1e: {  	s7 =	smul.u32 @!p0 $0xF7A, s2;
	p2 =	seq.s32 @!p0 s5, $0x0  }
0x1f: {  	s9 =	smul.u32 $0xF7A, s1;
	s8 =	simm.s32 @!p0 $0x1BF5;
	p2 =	por !p2, p0  }
0x20: {  	[sflag:s8] =	ssyncset.s32 @!p0 $0xFFFFF086;
	s6 =	sadd.s32 @!p0 s3, s7;
	s7 =	simm.s32 @!p0 $0x108  }
0x21: {  	s3 =	sadd.s32 s3, s9;
	s6 =	sadd.s32 @!p0 $0x88, s6;
	s7 =	simm.s32 @p2 $0x1082  }
0x22: {  	[simem:s7], [sflag:s8] =	dma.local @!p0 [hbm:s6], $0xF7A  }
0x23: {  	s9 =	sor.u32 $0xD0000000, s2;
	s6 =	simm.s32 $0x108;
	_ =	swait.ge @!p0 [sflag:s8], $0x0  }
0x24: {  	s3 =	sadd.s32 $0x88, s3;
	s6 =	simm.s32 @!p1 $0x1082;
	[sflag:s4] =	ssyncset.s32 $0xFFFFF086  }
0x25: {  	[simem:s6], [sflag:s4] =	dma.local [hbm:s3], $0xF7A  }
0x26: {  	[smem:$0x3F93] =	sst s1;
	(tag) =	ssettag s2;
	_ =	strace s9  }
0x27: {  	s1 =	sld [smem:$0x3FA3]  }
0x28: {  	s2 =	sld [smem:$0x3FA4]  }
0x29: {  	s4 =	sld [smem:$0x3FA6]  }
0x2a: {  	p0 =	seq.s32 s5, $0x0;
	s5 =	sld [smem:$0x3FA7]  }
0x2b: {  	s6 =	sld [smem:$0x3FA8]  }
0x2c: {  	s7 =	sld [smem:$0x3FA9]  }
0x2d: {  	s3 =	simm.s32 $0x108;
	s8 =	sld [smem:$0x3FAA]  }
0x2e: {  	s3 =	simm.s32 @!p0 $0x1082;
	s9 =	sld [smem:$0x3FAB]  }
0x2f: {  	lr =	sadd.s32 s0, s3;
	s0 =	sld [smem:$0x3FA2]  }
0x30: {  	s3 =	sld [smem:$0x3FA5]  }
0x31: {  	[smem:$0x3FAE] =	sst s10  }
0x32: {  	s10 =	sld [smem:$0x3FAC];
	_ =	sdelay $0x3  }
0x33: {  	p0 =	seq.s32 s10, $0x1;
	s10 =	sld [smem:$0x3FAE];
	_ =	sdelay $0x3  }
0x34: {  	[smem:$0x3FAE] =	sst s10  }
0x35: {  	s10 =	sld [smem:$0x3FAD];
	_ =	sdelay $0x3  }
0x36: {  	p1 =	seq.s32 s10, $0x1;
	s10 =	sld [smem:$0x3FAE];
	_ =	sdelay $0x3  }
0x37: {  	[smem:$0x3FAE] =	sst s10  }
0x38: {  	s10 =	sld [smem:$0x3FAF]  }
0x39: {  	_ = 	snop;
	(pc) =	sbr.ind lr, $3  }
0x3a: {  	_ = 	snop  }
0x3b: {  	_ = 	snop  }
0x3c: {  	p2 =	seq.s32 s10, $0x1;
	s10 =	sld [smem:$0x3FAE]  }
0x3d: {  	_ =	shalt  }
0x3e: {  	_ =	shalt  }
0x3f: {  	_ =	shalt  }
0x40: {  	_ =	shalt  }
0x41: {  	_ =	shalt  }
0x42: {  	_ =	shalt  }
0x43: {  	_ =	shalt  }
0x44: {  	_ =	shalt  }
0x45: {  	_ =	shalt  }
0x46: {  	_ =	shalt  }
0x47: {  	_ =	shalt  }
0x48: {  	_ =	shalt  }
0x49: {  	_ =	shalt  }
0x4a: {  	_ =	shalt  }
0x4b: {  	_ =	shalt  }
0x4c: {  	_ =	shalt  }
0x4d: {  	_ =	shalt  }
0x4e: {  	_ =	shalt  }
0x4f: {  	_ =	shalt  }
0x50: {  	_ =	shalt  }
0x51: {  	_ =	shalt  }
0x52: {  	_ =	shalt  }
0x53: {  	_ =	shalt  }
0x54: {  	_ =	shalt  }
0x55: {  	_ =	shalt  }
0x56: {  	_ =	shalt  }
0x57: {  	_ =	shalt  }
0x58: {  	_ =	shalt  }
0x59: {  	_ =	shalt  }
0x5a: {  	_ =	shalt  }
0x5b: {  	_ =	shalt  }
0x5c: {  	_ =	shalt  }
0x5d: {  	_ =	shalt  }
0x5e: {  	_ =	shalt  }
0x5f: {  	_ =	shalt  }
0x60: {  	_ =	shalt  }
0x61: {  	_ =	shalt  }
0x62: {  	_ =	shalt  }
0x63: {  	_ =	shalt  }
0x64: {  	_ =	shalt  }
0x65: {  	_ =	shalt  }
0x66: {  	_ =	shalt  }
0x67: {  	_ =	shalt  }
0x68: {  	_ =	shalt  }
0x69: {  	_ =	shalt  }
0x6a: {  	_ =	shalt  }
0x6b: {  	_ =	shalt  }
0x6c: {  	_ =	shalt  }
0x6d: {  	_ =	shalt  }
0x6e: {  	_ =	shalt  }
0x6f: {  	_ =	shalt  }
0x70: {  	_ =	shalt  }
0x71: {  	_ =	shalt  }
0x72: {  	_ =	shalt  }
0x73: {  	_ =	shalt  }
0x74: {  	_ =	shalt  }
0x75: {  	_ =	shalt  }
0x76: {  	_ =	shalt  }
0x77: {  	_ =	shalt  }
0x78: {  	_ =	shalt  }
0x79: {  	_ =	shalt  }
0x7a: {  	_ =	shalt  }
0x7b: {  	_ =	shalt  }
0x7c: {  	_ =	shalt  }
0x7d: {  	_ =	shalt  }
0x7e: {  	_ =	shalt  }
0x7f: {  	_ =	shalt  }
0x80: {  	_ =	shalt  }
0x81: {  	_ =	shalt  }
0x82: {  	_ =	shalt  }
0x83: {  	_ =	shalt  }
0x84: {  	_ =	shalt  }
0x85: {  	_ =	shalt  }
0x86: {  	_ =	shalt  }
0x87: {  	_ =	shalt  }
.Lfunc_end0:
.L_simem_size_0:
called_computation.2_lowered:
.L_overlay_start_0:
0x88: {  	s2 =	sld [smem:$0x3FD9]  }
0x89: {  	s3 =	sld [smem:$0x3FFE];
	_ =	sdelay $0x1  }
0x8a: {  	s1 =	srdreg.scid  }
0x8b: {  	s0 =	sand.u32 $0x1, s1  }
0x8c: {  	s14 =	sshll.u32 s0, $0xA;
	s2 =	sadd.s32 s3, s2  }
0x8d: {  	s2 =	sadd.s32 s2, s14  }
0x8e: {  	[smem:$0x3FBA] =	sst s2  }
0x8f: {  	_ = 	snop  }
0x90: {  	s2 =	sld [smem:$0x3FD0];
	_ =	sdelay $0x2  }
0x91: {  	s15 =	simm.s32 $0xA;
	s4 =	simm.s32 $0x10  }
0x92: {  	[smem:s4], [sflag:s15] =	dma.local [hbm:s2], $0x1  }
0x93: {  	_ =	swait.eq [sflag:s15], $0x1  }
0x94: {  	[sflag:s15] =	ssyncset.done $0x0  }
0x95: {  	[sflag:s15] =	ssyncadd.s32 $0xFFFFFFFF  }
0x96: {  	s16 =	sld [smem:$0x10];
	(tm) =	ssettm $0x1  }
0x97: {  	s17 =	sld [smem:$0x3FFB];
	_ =	sdelay $0x3  }
0x98: {  	_ =	strace s17  }
0x99: {  	s3 =	sld [smem:$0x3FFC];
	_ =	sdelay $0x3  }
0x9a: {  	_ =	strace s3  }
0x9b: {  	s3 =	sld [smem:$0x3FFD];
	_ =	sdelay $0x3  }
0x9c: {  	_ =	strace s3  }
0x9d: {  	_ =	strace $0x8FFFFFFF  }
0x9e: {  	s18 =	sld [smem:$0x3FDB];
	_ =	sdelay $0x1  }
0x9f: {  	s19 =	simm.s32 $_scs_section_size  }
0xa0: {  	s5 =	simm.s32 $_size__tile_overlayer_lowered;
	s6 =	simm.s32 $_tile_overlayer_lowered  }
0xa1: {  	s22 =	simm.s32 $0x1BFF;
	s21 =	sshll.u32 s6, $0x1;
	s3 =	sadd.s32 s19, s18  }
0xa2: {  	s7 =	simm.s32 $0x0;
	s20 =	sshll.u32 s5, $0x1;
	s5 =	sadd.s32 s21, s3  }
0xa3: {  	[timem:s7], [sflag:s22] =	dma.local [hbm:s5], s20  }
0xa4: {  	_ =	swait.ge [sflag:s22], s20  }
0xa5: {  	s4 =	ssub.s32 $0x0, s20;
	[sflag:s22] =	ssyncset.done $0x0  }
0xa6: {  	[sflag:s22] =	ssyncadd.s32 s4;
	_ =	sdelay $0x1  }
0xa7: {  	s23 =	simm.s32 $0x1B8B  }
0xa8: {  	_ =	swait.ge [sflag:s23], $0x1  }
0xa9: {  	[sflag:s23] =	ssyncset.done $0x0  }
0xaa: {  	s25 =	simm.s32 $0x1B8E;
	s24 =	sld [smem:$0x3FFE];
	[sflag:s23] =	ssyncadd.s32 $0xFFFFFFFF  }
0xab: {  	s26 =	simm.s32 $execute0_lowered;
	[smem:$0x3FD2] =	sst s25  }
0xac: {  	s5 =	sshll.u32 s26, $0x1;
	_ =	strace $0x8000004C;
	[dreg:$0x1] =	wrdreg $0xFFFFFFFF  }
0xad: {  	s28 =	simm.s32 $_size_execute0_lowered;
	s3 =	sadd.s32 s3, s5;
	[dreg:$0x0] =	wrdreg $0x0  }
0xae: {  	s5 =	sshll.u32 s28, $0x1;
	[dreg:$0x2] =	wrdreg s3  }
0xaf: {  	[dreg:$0x3] =	wrdreg s5  }
0xb0: {  	[dreg:$0x4] =	wrdreg $0xC0  }
0xb1: {  	_ =	task [dreg:s7], $0x5FFFF  }
0xb2: {  	[dreg:$0x1] =	wrdreg $0xFFFFFFFF  }
0xb3: {  	[dreg:$0x0] =	wrdreg $0x60  }
0xb4: {  	[dreg:$0x2] =	wrdreg s24  }
0xb5: {  	[dreg:$0x3] =	wrdreg s16  }
0xb6: {  	[dreg:$0x4] =	wrdreg $0x9  }
0xb7: {  	_ =	task.clear_ibuf [dreg:s7], $0x5FFFF;
	_ =	strace $0x9000004C  }
0xb8: {  	s29 =	simm.s32 $0x9;
	_ =	strace $0x8000004E  }
0xb9: {  	_ =	swait.ge [sflag:s29], $0x1  }
0xba: {  	[sflag:s29] =	ssyncadd.s32 $0xFFFFFFFF  }
0xbb: {  	_ =	strace $0x9000004E  }
0xbc: {  	_ =	sfence  }
0xbd: {  	s30 =	sld [smem:$0x0];
	_ =	sdelay $0x2  }
0xbe: {  	s31 =	sshll.u32 s1, $0xD;
	s1 =	sshrl.u32 s1, $0x2  }
0xbf: {  	s3 =	sand.u32 $0x4000, s31;
	s1 =	sadd.s32 s1, s30  }
0xc0: {  	s0 =	sor.u32 s3, s0;
	s1 =	sshll.u32 s1, $0x11  }
0xc1: {  	s0 =	sor.u32 s1, s0  }
0xc2: {  	s0 =	sadd.s32 $0x8F2B, s0  }
0xc3: {  	[sflag:s0] =	ssyncadd.remote.s32 $0x1  }
0xc4: {  	_ =	sfence.sel $0xFFFF  }
0xc5: {  	[dreg:$0x0] =	wrdreg $0xFFFFFFFF;
	(pc) =	sbr.abs _section_cstart, $3  }
0xc6: {  	[dreg:$0x1] =	wrdreg $0xFFFFFFFF  }
0xc7: {  	_ =	task.clear_ibuf [dreg:s7], $0x2FFFF;
	_ =	strace $0x9FFFFFFF  }
0xc8: {  	(tm) =	ssettm $0x7FFFFFFF  }
0xc9: {  	_ =	shalt  }
tec
execute0_lowered:
.L_overlay_start_1:
0x0: {  	(tag) =	ssettag $0x1  }
0x1: {  	s3 =	rddreg [dreg:$0x0]  }
0x2: {  	s0 =	srdreg.scid;
	s8 =	rddreg [dreg:$0x1]  }
0x3: {  	s1 =	rddreg [dreg:$0x2];
	s4 =	sand.u32 $0x1, s0  }
0x4: {  	s2 =	simm.s32 $0x0;
	s0 =	stileid.u32;
	s5 =	smul.u32 $0xC800, s4  }
0x5: {  	s10 =	simm.s32 $0xA000;
	s11 =	simm.s32 $0xA080;
	s6 =	smul.u32 $0xC80, s0  }
0x6: {  	s12 =	simm.s32 $0xA100;
	s13 =	simm.s32 $0xA180;
	s4 =	ssub.s32 $0x2, s4  }
0x7: {  	s14 =	simm.s32 $0x0;
	s31 =	sshrl.u32 s4, $0x1;
	s5 =	sadd.s32 s6, s5  }
0x8: {  	[smem:$0x7FF] =	sst s2;
	s4 =	ssub.s32 s4, s31;
	s9 =	sshrl.u32 s5, $0x3  }
0x9: {  	_ =	strace $0x8000004D;
	s4 =	smax.u32 s4, $0x1;
	s7 =	sadd.s32 s9, s3  }
0xa: {  	s3 =	sadd.s32 $0x3C00, s3;
	s8 =	sadd.s32 s9, s8;
	s9 =	simm.s32 $0x1  }
0xb: {  	s5 =	sadd.s32 $0x8200, s7;
	s6 =	sadd.s32 $0x5000, s7;
	s7 =	sadd.s32 $0xDFC00, s7  }
.LBB2_1:
0xc: {  	[tilespmem:s2], [sflag:$0x1] =	stream.linear.gather [hbm4b:s3+s2], $0xA000, $0x38;
	[tilespmem:$0xA200] =	vst v63  }
0xd: {  	_ =	swait.ge [sflag:s9], $0xA000  }
0xe: {  	[sflag:s9] =	ssyncset.done $0x0  }
0xf: {  	s15 =	sadd.s32 $0x0, s8;
	[sflag:s9] =	ssyncadd.s32 $0xFFFF6000  }
0x10: {  	[tilespmem:s10], [sflag:$0x1] =	stream.linear.gather [hbm4b:s15+s2], $0x50, $0x38;
	[tilespmem:$0xA200] =	vst v63  }
0x11: {  	_ =	swait.ge [sflag:s9], $0x50  }
0x12: {  	[sflag:s9] =	ssyncset.done $0x0  }
0x13: {  	s31 =	sadd.s32 $0x0, s7;
	[sflag:s9] =	ssyncadd.s32 $0xFFFFFFB0  }
0x14: {  	[tilespmem:s11], [sflag:$0x1] =	stream.linear.gather [hbm4b:s31+s2], $0x50, $0x38;
	[tilespmem:$0xA200] =	vst v63  }
0x15: {  	_ =	swait.ge [sflag:s9], $0x50  }
0x16: {  	[sflag:s9] =	ssyncset.done $0x0  }
0x17: {  	[sflag:s9] =	ssyncadd.s32 $0xFFFFFFB0  }
0x18: {  	v0 =	vld [tilespmem:$0xA080]  }
0x19: {  	v1 =	vld [tilespmem:$0xA000];
	_ =	sdelay $0x4  }
0x1a: {  	v0 =	vshll.u32 v0, $0x2;
	v1 =	vshll.u32 v1, $0x2  }
0x1b: {  	v2 =	vor.u32 $0x2, v0;
	_ =	sdelay $0x3  }
0x1c: {  	v3 =	vld.idx.msk [tilespmem:v1+s2+$0x0], $0xffff  }
0x1d: {  	v2 =	vld.idx.msk [tilespmem:v2+s2+$0x0], $0xffff;
	_ =	sdelay $0x2  }
0x1e: {  	v1 =	vor.u32 $0x1, v1  }
0x1f: {  	v0 =	vor.u32 $0x3, v0  }
0x20: {  	v2 =	vadd.f32 v2, v3  }
0x21: {  	v4 =	vld [tilespmem:$0xA090]  }
0x22: {  	v3 =	vld [tilespmem:$0xA010];
	[tilespmem:$0xA100] =	vst v2  }
0x23: {  	v1 =	vld.idx.msk [tilespmem:v1+s2+$0x0], $0xffff  }
0x24: {  	v0 =	vld.idx.msk [tilespmem:v0+s2+$0x0], $0xffff;
	_ =	sdelay $0x2  }
0x25: {  	v2 =	vshll.u32 v4, $0x2;
	v3 =	vshll.u32 v3, $0x2  }
0x26: {  	v4 =	vor.u32 $0x2, v2  }
0x27: {  	v0 =	vadd.f32 v0, v1;
	_ =	sdelay $0x1  }
0x28: {  	[tilespmem:$0xA180] =	vst v0  }
0x29: {  	v0 =	vld.idx.msk [tilespmem:v3+s2+$0x0], $0xffff  }
0x2a: {  	v1 =	vld.idx.msk [tilespmem:v4+s2+$0x0], $0xffff;
	_ =	sdelay $0x2  }
0x2b: {  	v3 =	vor.u32 $0x1, v3  }
0x2c: {  	v2 =	vor.u32 $0x3, v2  }
0x2d: {  	v0 =	vadd.f32 v1, v0  }
0x2e: {  	v61 =	vld [tilespmem:$0xA0A0]  }
0x2f: {  	v1 =	vld [tilespmem:$0xA020];
	[tilespmem:$0xA110] =	vst v0  }
0x30: {  	v0 =	vld.idx.msk [tilespmem:v3+s2+$0x0], $0xffff  }
0x31: {  	v2 =	vld.idx.msk [tilespmem:v2+s2+$0x0], $0xffff;
	_ =	sdelay $0x2  }
0x32: {  	v3 =	vshll.u32 v61, $0x2;
	v1 =	vshll.u32 v1, $0x2  }
0x33: {  	v4 =	vor.u32 $0x2, v3  }
0x34: {  	v0 =	vadd.f32 v2, v0;
	_ =	sdelay $0x1  }
0x35: {  	[tilespmem:$0xA190] =	vst v0  }
0x36: {  	v0 =	vld.idx.msk [tilespmem:v1+s2+$0x0], $0xffff  }
0x37: {  	v2 =	vld.idx.msk [tilespmem:v4+s2+$0x0], $0xffff;
	_ =	sdelay $0x2  }
0x38: {  	v1 =	vor.u32 $0x1, v1  }
0x39: {  	v3 =	vor.u32 $0x3, v3  }
0x3a: {  	v0 =	vadd.f32 v2, v0  }
0x3b: {  	v62 =	vld [tilespmem:$0xA0B0]  }
0x3c: {  	v2 =	vld [tilespmem:$0xA030];
	[tilespmem:$0xA120] =	vst v0  }
0x3d: {  	v0 =	vld.idx.msk [tilespmem:v1+s2+$0x0], $0xffff  }
0x3e: {  	v1 =	vld.idx.msk [tilespmem:v3+s2+$0x0], $0xffff;
	_ =	sdelay $0x2  }
0x3f: {  	v3 =	vshll.u32 v62, $0x2;
	v2 =	vshll.u32 v2, $0x2  }
0x40: {  	v4 =	vor.u32 $0x2, v3  }
0x41: {  	v0 =	vadd.f32 v1, v0;
	_ =	sdelay $0x1  }
0x42: {  	[tilespmem:$0xA1A0] =	vst v0  }
0x43: {  	v0 =	vld.idx.msk [tilespmem:v2+s2+$0x0], $0xffff  }
0x44: {  	v1 =	vld.idx.msk [tilespmem:v4+s2+$0x0], $0xffff;
	_ =	sdelay $0x2  }
0x45: {  	v2 =	vor.u32 $0x1, v2  }
0x46: {  	v3 =	vor.u32 $0x3, v3  }
0x47: {  	v0 =	vadd.f32 v1, v0  }
0x48: {  	v63 =	vld [tilespmem:$0xA0C0]  }
0x49: {  	v1 =	vld [tilespmem:$0xA040];
	[tilespmem:$0xA130] =	vst v0  }
0x4a: {  	v0 =	vld.idx.msk [tilespmem:v2+s2+$0x0], $0xffff  }
0x4b: {  	v2 =	vld.idx.msk [tilespmem:v3+s2+$0x0], $0xffff;
	_ =	sdelay $0x2  }
0x4c: {  	v3 =	vshll.u32 v63, $0x2;
	v1 =	vshll.u32 v1, $0x2  }
0x4d: {  	v4 =	vor.u32 $0x2, v3  }
0x4e: {  	v0 =	vadd.f32 v2, v0;
	_ =	sdelay $0x1  }
0x4f: {  	[tilespmem:$0xA1B0] =	vst v0  }
0x50: {  	v0 =	vld.idx.msk [tilespmem:v1+s2+$0x0], $0xffff  }
0x51: {  	v2 =	vld.idx.msk [tilespmem:v4+s2+$0x0], $0xffff;
	_ =	sdelay $0x2  }
0x52: {  	v1 =	vor.u32 $0x1, v1  }
0x53: {  	v3 =	vor.u32 $0x3, v3  }
0x54: {  	v0 =	vadd.f32 v2, v0;
	_ =	sdelay $0x1  }
0x55: {  	[tilespmem:$0xA140] =	vst v0  }
0x56: {  	v0 =	vld.idx.msk [tilespmem:v1+s2+$0x0], $0xffff  }
0x57: {  	s16 =	simm.s32 $0xA;
	s15 =	simm.s32 $0x0;
	v1 =	vld.idx.msk [tilespmem:v3+s2+$0x0], $0xffff  }
.LBB2_2:
0x58: {  	_ =	sdelay $0x3  }
0x59: {  	p0 =	sne.s32 s16, $0x186;
	s17 =	smov.u32 s16;
	s16 =	sadd.s32 $0xA, s16;
	v0 =	vadd.f32 v1, v0  }
0x5a: {  	s18 =	sadd.s32 s15, s6  }
0x5b: {  	[tilespmem:$0xA1C0] =	vst v0  }
0x5c: {  	[hbm4b:s18+s2] =	stream.linear.scatter [tilespmem:s12], [sflag:$0x1], $0x50, $0x38;
	[tilespmem:$0xA200] =	vst v63  }
0x5d: {  	_ =	swait.ge [sflag:s9], $0x50  }
0x5e: {  	s18 =	sadd.s32 s15, s5;
	s15 =	smov.u32 s17;
	[sflag:s9] =	ssyncset.done $0x0  }
0x5f: {  	[sflag:s9] =	ssyncadd.s32 $0xFFFFFFB0  }
0x60: {  	[hbm4b:s18+s2] =	stream.linear.scatter [tilespmem:s13], [sflag:$0x1], $0x50, $0x38;
	[tilespmem:$0xA200] =	vst v63  }
0x61: {  	_ =	swait.ge [sflag:s9], $0x50  }
0x62: {  	[sflag:s9] =	ssyncset.done $0x0  }
0x63: {  	s17 =	sadd.s32 s15, s8;
	[sflag:s9] =	ssyncadd.s32 $0xFFFFFFB0  }
0x64: {  	[tilespmem:s10], [sflag:$0x1] =	stream.linear.gather [hbm4b:s17+s2], $0x50, $0x38;
	[tilespmem:$0xA200] =	vst v63  }
0x65: {  	_ =	swait.ge [sflag:s9], $0x50  }
0x66: {  	[sflag:s9] =	ssyncset.done $0x0  }
0x67: {  	s17 =	sadd.s32 s15, s7;
	[sflag:s9] =	ssyncadd.s32 $0xFFFFFFB0  }
0x68: {  	[tilespmem:s11], [sflag:$0x1] =	stream.linear.gather [hbm4b:s17+s2], $0x50, $0x38;
	[tilespmem:$0xA200] =	vst v63  }
0x69: {  	_ =	swait.ge [sflag:s9], $0x50  }
0x6a: {  	[sflag:s9] =	ssyncset.done $0x0  }
0x6b: {  	[sflag:s9] =	ssyncadd.s32 $0xFFFFFFB0  }
0x6c: {  	v0 =	vld [tilespmem:$0xA080]  }
0x6d: {  	v1 =	vld [tilespmem:$0xA000]  }
0x6e: {  	v2 =	vld [tilespmem:$0xA010]  }
0x6f: {  	v3 =	vld [tilespmem:$0xA090]  }
0x70: {  	v4 =	vld [tilespmem:$0xA020]  }
0x71: {  	v5 =	vshll.u32 v0, $0x2;
	v0 =	vld [tilespmem:$0xA0A0]  }
0x72: {  	v1 =	vshll.u32 v1, $0x2;
	v6 =	vor.u32 $0x2, v5;
	v7 =	vld [tilespmem:$0xA030]  }
0x73: {  	v8 =	vld [tilespmem:$0xA0B0]  }
0x74: {  	v3 =	vshll.u32 v3, $0x2;
	v9 =	vld [tilespmem:$0xA040]  }
0x75: {  	v10 =	vld [tilespmem:$0xA0C0]  }
0x76: {  	v11 =	vshll.u32 v0, $0x2  }
0x77: {  	v6 =	vld.idx.msk [tilespmem:v6+s2+$0x0], $0xffff  }
0x78: {  	v12 =	vld.idx.msk [tilespmem:v1+s2+$0x0], $0xffff;
	v8 =	vshll.u32 v8, $0x2;
	_ =	sdelay $0x1  }
0x79: {  	v0 =	vshll.u32 v10, $0x2;
	_ =	sdelay $0x1  }
0x7a: {  	v1 =	vor.u32 $0x1, v1  }
0x7b: {  	v5 =	vor.u32 $0x3, v5  }
0x7c: {  	v6 =	vadd.f32 v6, v12;
	_ =	sdelay $0x1  }
0x7d: {  	[tilespmem:$0xA100] =	vst v6  }
0x7e: {  	v1 =	vld.idx.msk [tilespmem:v1+s2+$0x0], $0xffff  }
0x7f: {  	v5 =	vld.idx.msk [tilespmem:v5+s2+$0x0], $0xffff;
	_ =	sdelay $0x3  }
0x80: {  	v2 =	vshll.u32 v2, $0x2  }
0x81: {  	v6 =	vor.u32 $0x2, v3  }
0x82: {  	v1 =	vadd.f32 v5, v1;
	_ =	sdelay $0x1  }
0x83: {  	[tilespmem:$0xA180] =	vst v1  }
0x84: {  	v1 =	vld.idx.msk [tilespmem:v2+s2+$0x0], $0xffff  }
0x85: {  	v5 =	vld.idx.msk [tilespmem:v6+s2+$0x0], $0xffff;
	_ =	sdelay $0x3  }
0x86: {  	v2 =	vor.u32 $0x1, v2  }
0x87: {  	v3 =	vor.u32 $0x3, v3  }
0x88: {  	v1 =	vadd.f32 v5, v1;
	_ =	sdelay $0x1  }
0x89: {  	[tilespmem:$0xA110] =	vst v1  }
0x8a: {  	v1 =	vld.idx.msk [tilespmem:v2+s2+$0x0], $0xffff  }
0x8b: {  	v2 =	vld.idx.msk [tilespmem:v3+s2+$0x0], $0xffff;
	_ =	sdelay $0x3  }
0x8c: {  	v3 =	vshll.u32 v4, $0x2  }
0x8d: {  	v4 =	vor.u32 $0x2, v11  }
0x8e: {  	v1 =	vadd.f32 v2, v1;
	_ =	sdelay $0x1  }
0x8f: {  	[tilespmem:$0xA190] =	vst v1  }
0x90: {  	v1 =	vld.idx.msk [tilespmem:v3+s2+$0x0], $0xffff  }
0x91: {  	v2 =	vld.idx.msk [tilespmem:v4+s2+$0x0], $0xffff;
	_ =	sdelay $0x3  }
0x92: {  	v3 =	vor.u32 $0x1, v3  }
0x93: {  	v4 =	vor.u32 $0x3, v11  }
0x94: {  	v1 =	vadd.f32 v2, v1;
	_ =	sdelay $0x1  }
0x95: {  	[tilespmem:$0xA120] =	vst v1  }
0x96: {  	v1 =	vld.idx.msk [tilespmem:v3+s2+$0x0], $0xffff  }
0x97: {  	v2 =	vld.idx.msk [tilespmem:v4+s2+$0x0], $0xffff;
	_ =	sdelay $0x3  }
0x98: {  	v3 =	vshll.u32 v7, $0x2  }
0x99: {  	v4 =	vor.u32 $0x2, v8  }
0x9a: {  	v1 =	vadd.f32 v2, v1;
	_ =	sdelay $0x1  }
0x9b: {  	[tilespmem:$0xA1A0] =	vst v1  }
0x9c: {  	v1 =	vld.idx.msk [tilespmem:v3+s2+$0x0], $0xffff  }
0x9d: {  	v2 =	vld.idx.msk [tilespmem:v4+s2+$0x0], $0xffff;
	_ =	sdelay $0x3  }
0x9e: {  	v3 =	vor.u32 $0x1, v3  }
0x9f: {  	v4 =	vor.u32 $0x3, v8  }
0xa0: {  	v1 =	vadd.f32 v2, v1;
	_ =	sdelay $0x1  }
0xa1: {  	[tilespmem:$0xA130] =	vst v1  }
0xa2: {  	v1 =	vld.idx.msk [tilespmem:v3+s2+$0x0], $0xffff  }
0xa3: {  	v2 =	vld.idx.msk [tilespmem:v4+s2+$0x0], $0xffff;
	_ =	sdelay $0x3  }
0xa4: {  	v3 =	vshll.u32 v9, $0x2  }
0xa5: {  	v4 =	vor.u32 $0x2, v0  }
0xa6: {  	v1 =	vadd.f32 v2, v1;
	_ =	sdelay $0x1  }
0xa7: {  	[tilespmem:$0xA1B0] =	vst v1  }
0xa8: {  	v1 =	vld.idx.msk [tilespmem:v3+s2+$0x0], $0xffff  }
0xa9: {  	v2 =	vld.idx.msk [tilespmem:v4+s2+$0x0], $0xffff;
	_ =	sdelay $0x3  }
0xaa: {  	v3 =	vor.u32 $0x1, v3;
	v4 =	vor.u32 $0x3, v0;
	_ =	sdelay $0x1  }
.Ltmp0:
0xab: {  	v0 =	vadd.f32 v2, v1;
	(pc) =	sbr.rel @p0 .LBB2_2-.Ltmp0, $4  }
0xac: {  	_ = 	snop  }
0xad: {  	[tilespmem:$0xA140] =	vst v0  }
0xae: {  	v0 =	vld.idx.msk [tilespmem:v3+s2+$0x0], $0xffff  }
0xaf: {  	v1 =	vld.idx.msk [tilespmem:v4+s2+$0x0], $0xffff  }
0xb0: {  	_ =	sdelay $0x3  }
0xb1: {  	v0 =	vadd.f32 v1, v0;
	_ =	sdelay $0x1  }
0xb2: {  	s16 =	sadd.s32 s15, s6;
	[tilespmem:$0xA1C0] =	vst v0  }
0xb3: {  	[hbm4b:s16+s2] =	stream.linear.scatter [tilespmem:s12], [sflag:$0x1], $0x50, $0x38;
	[tilespmem:$0xA200] =	vst v63  }
0xb4: {  	s14 =	sadd.s32 $0x1, s14;
	_ =	swait.ge [sflag:s9], $0x50  }
0xb5: {  	p0 =	sne.s32 s14, s4;
	[sflag:s9] =	ssyncset.done $0x0  }
.Ltmp1:
0xb6: {  	s31 =	sadd.s32 s15, s5;
	[sflag:s9] =	ssyncadd.s32 $0xFFFFFFB0;
	(pc) =	sbr.rel @p0 .LBB2_1-.Ltmp1, $4  }
0xb7: {  	[hbm4b:s31+s2] =	stream.linear.scatter [tilespmem:s13], [sflag:$0x1], $0x50, $0x38;
	[tilespmem:$0xA200] =	vst v63  }
0xb8: {  	_ =	swait.ge [sflag:s9], $0x50  }
0xb9: {  	[sflag:s9] =	ssyncset.done $0x0  }
0xba: {  	[sflag:s9] =	ssyncadd.s32 $0xFFFFFFB0  }
0xbb: {  	_ =	sfence.sel $0x180000  }
0xbc: {  	[bflag:$0x0] =	sbarrier.arrive $0xFFFF  }
0xbd: {  	p0 =	sne.s32 s0, $0x0;
	_ =	strace $0x9000004D  }
0xbe: {  	s0 =	sadd.s32 @!p0 $0x100000, s1;
	[bflag:$0x2] =	sbarrier.arrive $0xFFFF  }
0xbf: {  	[sflag:s0] =	ssyncadd.tile.s32 @!p0 $0x1;
	_ =	shalt  }
.Lfunc_end2:
_tile_overlayer_lowered:
.L_overlay_start_2:
0xc0: {  	(tag) =	ssettag $0x2  }
0xc1: {  	s0 =	rddreg [dreg:$0x0];
	s2 =	stileid.u32  }
0xc2: {  	s1 =	rddreg [dreg:$0x1];
	p0 =	sne.s32 s2, $0x0  }
0xc3: {  	s3 =	rddreg [dreg:$0x2];
	[bflag:$0x3] =	sbarrier.arrive $0xFFFF;
	s2 =	simm.s32 @!p0 $0x1C01  }
0xc4: {  	[timem:s3], [sflag:s2] =	dma.local @!p0 [hbm:s0], s1  }
0xc5: {  	s0 =	simm.s32 @!p0 $0x1  }
0xc6: {  	_ =	swait.ge @!p0 [sflag:s0], s1  }
0xc7: {  	s1 =	ssub.s32 @!p0 $0x0, s1;
	[sflag:s0] =	ssyncset.done @!p0 $0x0  }
0xc8: {  	[sflag:s0] =	ssyncadd.s32 @!p0 s1  }
0xc9: {  	[bflag:$0x3] =	sbarrier.arrive $0xFFFF  }
0xca: {  	_ =	shalt  }

// kernel: kernel.7.cloned.1.call-start
scs
__scs_entry_jumppad:
0x0: {  	(pc) =	sbr.rel $0x88, $3  }
0x1: {  	(tag) =	ssettag $0x0;
	lr =	simm.s32 $0x1  }
0x2: {  	[smem:$0x3F93] =	sst lr;
	_ =	strace $0xD0000000  }
0x3: {  	_ = 	snop  }
0x4: {  	_ = 	snop  }
0x5: {  	_ = 	snop  }
0x6: {  	_ = 	snop  }
0x7: {  	_ = 	snop  }
__scs_overlays_trampoline_lowered:
0x8: {  	[smem:$0x3FA2] =	sst s0  }
0x9: {  	[smem:$0x3FA3] =	sst s1  }
0xa: {  	[smem:$0x3FA4] =	sst s2  }
0xb: {  	[smem:$0x3FA5] =	sst s3  }
0xc: {  	[smem:$0x3FA6] =	sst s4  }
0xd: {  	[smem:$0x3FA7] =	sst s5  }
0xe: {  	[smem:$0x3FA8] =	sst s6  }
0xf: {  	[smem:$0x3FA9] =	sst s7  }
0x10: {  	[smem:$0x3FAA] =	sst s8  }
0x11: {  	[smem:$0x3FAB] =	sst s9;
	s0 =	simm.s32 @!p0 $0x0  }
0x12: {  	s1 =	sld [smem:$0x3F91];
	s0 =	simm.s32 @p0 $0x1  }
0x13: {  	[smem:$0x3FAC] =	sst s0;
	s0 =	simm.s32 @!p1 $0x0  }
0x14: {  	s2 =	sld [smem:$0x3F90];
	s0 =	simm.s32 @p1 $0x1  }
0x15: {  	[smem:$0x3FAD] =	sst s0;
	s0 =	simm.s32 @!p2 $0x0  }
0x16: {  	s3 =	sld [smem:$0x3FDB];
	s0 =	simm.s32 @p2 $0x1  }
0x17: {  	s4 =	simm.s32 $0x1BF5;
	[smem:$0x3FAF] =	sst s0  }
0x18: {  	s0 =	sld [smem:$0x3F92];
	_ =	swait.ge [sflag:s4], $0x0  }
0x19: {  	s7 =	sld [smem:$0x3F93]  }
0x1a: {  	s8 =	sadd.s32 $0xFFFFE003, lr  }
0x1b: {  	s9 =	sadd.s32 $0xFFFFFEF7, lr;
	s5 =	simm.s32 $0xFFFFFFFF;
	p2 =	slt.u32 s8, $0xFFFFF086  }
0x1c: {  	p1 =	slt.u32 s9, $0xF7A;
	s5 =	simm.s32 @!p2 $0x0  }
0x1d: {  	s5 =	simm.s32 @p1 $0x1;
	p0 =	seq.s32 s7, s2  }
0x1e: {  	s7 =	smul.u32 @!p0 $0xF7A, s2;
	p2 =	seq.s32 @!p0 s5, $0x0  }
0x1f: {  	s9 =	smul.u32 $0xF7A, s1;
	s8 =	simm.s32 @!p0 $0x1BF5;
	p2 =	por !p2, p0  }
0x20: {  	[sflag:s8] =	ssyncset.s32 @!p0 $0xFFFFF086;
	s6 =	sadd.s32 @!p0 s3, s7;
	s7 =	simm.s32 @!p0 $0x108  }
0x21: {  	s3 =	sadd.s32 s3, s9;
	s6 =	sadd.s32 @!p0 $0x88, s6;
	s7 =	simm.s32 @p2 $0x1082  }
0x22: {  	[simem:s7], [sflag:s8] =	dma.local @!p0 [hbm:s6], $0xF7A  }
0x23: {  	s9 =	sor.u32 $0xD0000000, s2;
	s6 =	simm.s32 $0x108;
	_ =	swait.ge @!p0 [sflag:s8], $0x0  }
0x24: {  	s3 =	sadd.s32 $0x88, s3;
	s6 =	simm.s32 @!p1 $0x1082;
	[sflag:s4] =	ssyncset.s32 $0xFFFFF086  }
0x25: {  	[simem:s6], [sflag:s4] =	dma.local [hbm:s3], $0xF7A  }
0x26: {  	[smem:$0x3F93] =	sst s1;
	(tag) =	ssettag s2;
	_ =	strace s9  }
0x27: {  	s1 =	sld [smem:$0x3FA3]  }
0x28: {  	s2 =	sld [smem:$0x3FA4]  }
0x29: {  	s4 =	sld [smem:$0x3FA6]  }
0x2a: {  	p0 =	seq.s32 s5, $0x0;
	s5 =	sld [smem:$0x3FA7]  }
0x2b: {  	s6 =	sld [smem:$0x3FA8]  }
0x2c: {  	s7 =	sld [smem:$0x3FA9]  }
0x2d: {  	s3 =	simm.s32 $0x108;
	s8 =	sld [smem:$0x3FAA]  }
0x2e: {  	s3 =	simm.s32 @!p0 $0x1082;
	s9 =	sld [smem:$0x3FAB]  }
0x2f: {  	lr =	sadd.s32 s0, s3;
	s0 =	sld [smem:$0x3FA2]  }
0x30: {  	s3 =	sld [smem:$0x3FA5]  }
0x31: {  	[smem:$0x3FAE] =	sst s10  }
0x32: {  	s10 =	sld [smem:$0x3FAC];
	_ =	sdelay $0x3  }
0x33: {  	p0 =	seq.s32 s10, $0x1;
	s10 =	sld [smem:$0x3FAE];
	_ =	sdelay $0x3  }
0x34: {  	[smem:$0x3FAE] =	sst s10  }
0x35: {  	s10 =	sld [smem:$0x3FAD];
	_ =	sdelay $0x3  }
0x36: {  	p1 =	seq.s32 s10, $0x1;
	s10 =	sld [smem:$0x3FAE];
	_ =	sdelay $0x3  }
0x37: {  	[smem:$0x3FAE] =	sst s10  }
0x38: {  	s10 =	sld [smem:$0x3FAF]  }
0x39: {  	_ = 	snop;
	(pc) =	sbr.ind lr, $3  }
0x3a: {  	_ = 	snop  }
0x3b: {  	_ = 	snop  }
0x3c: {  	p2 =	seq.s32 s10, $0x1;
	s10 =	sld [smem:$0x3FAE]  }
0x3d: {  	_ =	shalt  }
0x3e: {  	_ =	shalt  }
0x3f: {  	_ =	shalt  }
0x40: {  	_ =	shalt  }
0x41: {  	_ =	shalt  }
0x42: {  	_ =	shalt  }
0x43: {  	_ =	shalt  }
0x44: {  	_ =	shalt  }
0x45: {  	_ =	shalt  }
0x46: {  	_ =	shalt  }
0x47: {  	_ =	shalt  }
0x48: {  	_ =	shalt  }
0x49: {  	_ =	shalt  }
0x4a: {  	_ =	shalt  }
0x4b: {  	_ =	shalt  }
0x4c: {  	_ =	shalt  }
0x4d: {  	_ =	shalt  }
0x4e: {  	_ =	shalt  }
0x4f: {  	_ =	shalt  }
0x50: {  	_ =	shalt  }
0x51: {  	_ =	shalt  }
0x52: {  	_ =	shalt  }
0x53: {  	_ =	shalt  }
0x54: {  	_ =	shalt  }
0x55: {  	_ =	shalt  }
0x56: {  	_ =	shalt  }
0x57: {  	_ =	shalt  }
0x58: {  	_ =	shalt  }
0x59: {  	_ =	shalt  }
0x5a: {  	_ =	shalt  }
0x5b: {  	_ =	shalt  }
0x5c: {  	_ =	shalt  }
0x5d: {  	_ =	shalt  }
0x5e: {  	_ =	shalt  }
0x5f: {  	_ =	shalt  }
0x60: {  	_ =	shalt  }
0x61: {  	_ =	shalt  }
0x62: {  	_ =	shalt  }
0x63: {  	_ =	shalt  }
0x64: {  	_ =	shalt  }
0x65: {  	_ =	shalt  }
0x66: {  	_ =	shalt  }
0x67: {  	_ =	shalt  }
0x68: {  	_ =	shalt  }
0x69: {  	_ =	shalt  }
0x6a: {  	_ =	shalt  }
0x6b: {  	_ =	shalt  }
0x6c: {  	_ =	shalt  }
0x6d: {  	_ =	shalt  }
0x6e: {  	_ =	shalt  }
0x6f: {  	_ =	shalt  }
0x70: {  	_ =	shalt  }
0x71: {  	_ =	shalt  }
0x72: {  	_ =	shalt  }
0x73: {  	_ =	shalt  }
0x74: {  	_ =	shalt  }
0x75: {  	_ =	shalt  }
0x76: {  	_ =	shalt  }
0x77: {  	_ =	shalt  }
0x78: {  	_ =	shalt  }
0x79: {  	_ =	shalt  }
0x7a: {  	_ =	shalt  }
0x7b: {  	_ =	shalt  }
0x7c: {  	_ =	shalt  }
0x7d: {  	_ =	shalt  }
0x7e: {  	_ =	shalt  }
0x7f: {  	_ =	shalt  }
0x80: {  	_ =	shalt  }
0x81: {  	_ =	shalt  }
0x82: {  	_ =	shalt  }
0x83: {  	_ =	shalt  }
0x84: {  	_ =	shalt  }
0x85: {  	_ =	shalt  }
0x86: {  	_ =	shalt  }
0x87: {  	_ =	shalt  }
.Lfunc_end0:
.L_simem_size_0:
called_computation_lowered:
.L_overlay_start_0:
0x88: {  	s2 =	sld [smem:$0x3FD9]  }
0x89: {  	s3 =	sld [smem:$0x3FFE];
	_ =	sdelay $0x1  }
0x8a: {  	s1 =	srdreg.scid  }
0x8b: {  	s0 =	sand.u32 $0x1, s1  }
0x8c: {  	s17 =	sshll.u32 s0, $0xA;
	s2 =	sadd.s32 s3, s2  }
0x8d: {  	s2 =	sadd.s32 s2, s17  }
0x8e: {  	[smem:$0x3FBA] =	sst s2  }
0x8f: {  	_ = 	snop  }
0x90: {  	s2 =	sld [smem:$0x3FC7];
	(tm) =	ssettm $0x1  }
0x91: {  	s18 =	sld [smem:$0x3FFB];
	_ =	sdelay $0x3  }
0x92: {  	_ =	strace s18  }
0x93: {  	s3 =	sld [smem:$0x3FFC];
	_ =	sdelay $0x3  }
0x94: {  	_ =	strace s3  }
0x95: {  	s3 =	sld [smem:$0x3FFD];
	_ =	sdelay $0x3  }
0x96: {  	_ =	strace s3  }
0x97: {  	_ =	strace $0x8FFFFFFF  }
0x98: {  	s19 =	sld [smem:$0x3FDB];
	_ =	sdelay $0x1  }
0x99: {  	s4 =	simm.s32 $_scs_section_size  }
0x9a: {  	s5 =	simm.s32 $_size__tile_overlayer_lowered;
	s6 =	simm.s32 $_tile_overlayer_lowered  }
0x9b: {  	s22 =	simm.s32 $0x1BFF;
	s21 =	sshll.u32 s6, $0x1;
	s3 =	sadd.s32 s4, s19  }
0x9c: {  	s7 =	simm.s32 $0x0;
	s20 =	sshll.u32 s5, $0x1;
	s5 =	sadd.s32 s21, s3  }
0x9d: {  	[timem:s7], [sflag:s22] =	dma.local [hbm:s5], s20  }
0x9e: {  	_ =	swait.ge [sflag:s22], s20  }
0x9f: {  	s4 =	ssub.s32 $0x0, s20;
	[sflag:s22] =	ssyncset.done $0x0  }
0xa0: {  	[sflag:s22] =	ssyncadd.s32 s4;
	_ =	sdelay $0x1  }
0xa1: {  	s23 =	simm.s32 $0x1B8B  }
0xa2: {  	_ =	swait.ge [sflag:s23], $0x1  }
0xa3: {  	[sflag:s23] =	ssyncset.done $0x0  }
0xa4: {  	s25 =	simm.s32 $0x1B8E;
	s24 =	sld [smem:$0x3FFE];
	[sflag:s23] =	ssyncadd.s32 $0xFFFFFFFF  }
0xa5: {  	s26 =	simm.s32 $execute0_lowered;
	[smem:$0x3FD2] =	sst s25  }
0xa6: {  	s5 =	sshll.u32 s26, $0x1;
	_ =	strace $0x80000046;
	[dreg:$0x1] =	wrdreg $0xFFFFFFFF  }
0xa7: {  	s28 =	simm.s32 $_size_execute0_lowered;
	s3 =	sadd.s32 s3, s5;
	[dreg:$0x0] =	wrdreg $0x0  }
0xa8: {  	s5 =	sshll.u32 s28, $0x1;
	[dreg:$0x2] =	wrdreg s3  }
0xa9: {  	[dreg:$0x3] =	wrdreg s5  }
0xaa: {  	[dreg:$0x4] =	wrdreg $0xC0  }
0xab: {  	_ =	task [dreg:s7], $0x5FFFF  }
0xac: {  	[dreg:$0x1] =	wrdreg $0xFFFFFFFF  }
0xad: {  	[dreg:$0x0] =	wrdreg $0x60  }
0xae: {  	[dreg:$0x2] =	wrdreg s24  }
0xaf: {  	[dreg:$0x3] =	wrdreg s2  }
0xb0: {  	[dreg:$0x4] =	wrdreg $0x0  }
0xb1: {  	[dreg:$0x5] =	wrdreg $0x9  }
0xb2: {  	_ =	task.clear_ibuf [dreg:s7], $0x6FFFF;
	_ =	strace $0x90000046  }
0xb3: {  	s29 =	simm.s32 $0x9;
	_ =	strace $0x80000048  }
0xb4: {  	_ =	swait.ge [sflag:s29], $0x1  }
0xb5: {  	[sflag:s29] =	ssyncadd.s32 $0xFFFFFFFF  }
0xb6: {  	_ =	strace $0x90000048  }
0xb7: {  	_ =	sfence  }
0xb8: {  	s30 =	sld [smem:$0x0];
	_ =	sdelay $0x2  }
0xb9: {  	s31 =	sshll.u32 s1, $0xD;
	s1 =	sshrl.u32 s1, $0x2  }
0xba: {  	s3 =	sand.u32 $0x4000, s31;
	s1 =	sadd.s32 s1, s30  }
0xbb: {  	s0 =	sor.u32 s3, s0;
	s1 =	sshll.u32 s1, $0x11  }
0xbc: {  	s0 =	sor.u32 s1, s0  }
0xbd: {  	s0 =	sadd.s32 $0x8F2B, s0  }
0xbe: {  	[sflag:s0] =	ssyncadd.remote.s32 $0x1  }
0xbf: {  	_ =	sfence.sel $0xFFFF  }
0xc0: {  	[dreg:$0x0] =	wrdreg $0xFFFFFFFF;
	(pc) =	sbr.abs _section_cstart, $3  }
0xc1: {  	[dreg:$0x1] =	wrdreg $0xFFFFFFFF  }
0xc2: {  	_ =	task.clear_ibuf [dreg:s7], $0x2FFFF;
	_ =	strace $0x9FFFFFFF  }
0xc3: {  	(tm) =	ssettm $0x7FFFFFFF  }
tec
execute0_lowered:
.L_overlay_start_1:
0x0: {  	(tag) =	ssettag $0x1  }
0x1: {  	s0 =	rddreg [dreg:$0x0]  }
0x2: {  	s1 =	rddreg [dreg:$0x1]  }
0x3: {  	s2 =	rddreg [dreg:$0x2];
	s3 =	simm.s32 $0x0  }
0x4: {  	s4 =	srdreg.scid;
	s12 =	stileid.u32;
	s21 =	simm.s32 $0x2  }
0x5: {  	s22 =	simm.s32 $0x18000;
	s23 =	simm.s32 $0x18080;
	s24 =	simm.s32 $0x18100  }
0x6: {  	s25 =	simm.s32 $0x50;
	s26 =	simm.s32 $0x18180;
	s28 =	simm.s32 $0x1  }
0x7: {  	s29 =	simm.s32 $0x0;
	[smem:$0x7FF] =	sst s3;
	s5 =	sadd.s32 $0x17800, s0  }
0x8: {  	s6 =	sadd.s32 $0xDA00, s0;
	s4 =	sand.u32 $0x1, s4;
	s9 =	smul.u32 $0x50000, s12  }
0x9: {  	s7 =	sadd.s32 $0x3C00, s0;
	s0 =	sadd.s32 $0x3F800, s0;
	s13 =	smul.u32 $0x14000, s12  }
0xa: {  	_ =	strace $0x80000047;
	s8 =	ssub.s32 $0x2, s4;
	s11 =	sshll.u32 s4, $0x4  }
0xb: {  	s4 =	smul.u32 $0x140000, s4;
	s10 =	sshrl.u32 s8, $0x1;
	s11 =	sor.u32 s12, s11  }
0xc: {  	s9 =	sshrl.u32 s9, $0x2;
	s14 =	sadd.s32 $0x4000, s13;
	s16 =	sadd.s32 $0x8000, s13  }
0xd: {  	s17 =	sadd.s32 $0xC000, s13;
	s18 =	sadd.s32 $0x10000, s13;
	s19 =	ssub.s32 s8, s10  }
0xe: {  	s8 =	smul.u32 $0x2710, s11;
	s9 =	sadd.s32 s9, s2;
	s10 =	sadd.s32 s14, s2  }
0xf: {  	s11 =	sadd.s32 s16, s2;
	s12 =	sadd.s32 s17, s2;
	s15 =	sadd.s32 s13, s4  }
0x10: {  	s14 =	sadd.s32 s4, s14;
	s13 =	sadd.s32 s18, s2;
	s16 =	sadd.s32 s4, s16  }
0x11: {  	s17 =	sadd.s32 s4, s17;
	s4 =	sadd.s32 s4, s18;
	s15 =	sshrl.u32 s15, $0x3  }
0x12: {  	s20 =	sshrl.u32 s14, $0x3;
	s16 =	sshrl.u32 s16, $0x3;
	s17 =	sshrl.u32 s17, $0x3  }
0x13: {  	s4 =	sshrl.u32 s4, $0x3;
	s19 =	smax.u32 s19, $0x1;
	s31 =	sadd.s32 s0, s15  }
0x14: {  	s15 =	sadd.s32 s0, s20;
	s16 =	sadd.s32 s0, s16;
	s17 =	sadd.s32 s0, s17  }
0x15: {  	v0 =	vimm.f32 $0.0e+00;
	s18 =	sadd.s32 s0, s4;
	s20 =	simm.s32 $0x14000;
	[dreg:$0x4] =	wrdreg s31  }
.LBB2_1:
0x16: {  	s0 =	simm.s32 $0x0;
	s4 =	simm.s32 $0x200  }
.LBB2_2:
0x17: {  	p0 =	sne.s32 s4, $0xFE00;
	[tilespmem:s0+$0x14070] =	vst v0  }
0x18: {  	[tilespmem:s0+$0x14000] =	vst v0  }
0x19: {  	[tilespmem:s0+$0x14010] =	vst v0  }
.Ltmp0:
0x1a: {  	[tilespmem:s0+$0x14020] =	vst v0;
	(pc) =	sbr.rel @p0 .LBB2_2-.Ltmp0, $4  }
0x1b: {  	[tilespmem:s0+$0x14030] =	vst v0  }
0x1c: {  	[tilespmem:s0+$0x14040] =	vst v0  }
0x1d: {  	[tilespmem:s0+$0x14050] =	vst v0  }
0x1e: {  	[tilespmem:s0+$0x14060] =	vst v0;
	s0 =	sshra.s32 s4, $0x2;
	s4 =	sadd.s32 $0x200, s4  }
0x1f: {  	[tilespmem:s0+$0x14070] =	vst v0  }
0x20: {  	[tilespmem:s0+$0x14000] =	vst v0  }
0x21: {  	[tilespmem:s0+$0x14010] =	vst v0  }
0x22: {  	[tilespmem:s0+$0x14020] =	vst v0  }
0x23: {  	[tilespmem:s0+$0x14030] =	vst v0  }
0x24: {  	[tilespmem:s0+$0x14040] =	vst v0  }
0x25: {  	[tilespmem:s0+$0x14050] =	vst v0  }
0x26: {  	[tilespmem:s0+$0x14060] =	vst v0  }
0x27: {  	[spmem:s9] =	stream.linear.scatter [tilespmem:s20], [sflag:$0x2], $0x4000, $0x38;
	[tilespmem:$0x1A980] =	vst v63  }
0x28: {  	_ =	swait.ge [sflag:s21], $0x4000  }
0x29: {  	[sflag:s21] =	ssyncset.done $0x0  }
0x2a: {  	[sflag:s21] =	ssyncadd.s32 $0xFFFFC000  }
0x2b: {  	[spmem:s10] =	stream.linear.scatter [tilespmem:s20], [sflag:$0x2], $0x4000, $0x38;
	[tilespmem:$0x1A980] =	vst v63  }
0x2c: {  	_ =	swait.ge [sflag:s21], $0x4000  }
0x2d: {  	[sflag:s21] =	ssyncset.done $0x0  }
0x2e: {  	[sflag:s21] =	ssyncadd.s32 $0xFFFFC000  }
0x2f: {  	[spmem:s11] =	stream.linear.scatter [tilespmem:s20], [sflag:$0x2], $0x4000, $0x38;
	[tilespmem:$0x1A980] =	vst v63  }
0x30: {  	_ =	swait.ge [sflag:s21], $0x4000  }
0x31: {  	[sflag:s21] =	ssyncset.done $0x0  }
0x32: {  	[sflag:s21] =	ssyncadd.s32 $0xFFFFC000  }
0x33: {  	[spmem:s12] =	stream.linear.scatter [tilespmem:s20], [sflag:$0x2], $0x4000, $0x38;
	[tilespmem:$0x1A980] =	vst v63  }
0x34: {  	_ =	swait.ge [sflag:s21], $0x4000  }
0x35: {  	[sflag:s21] =	ssyncset.done $0x0  }
0x36: {  	[sflag:s21] =	ssyncadd.s32 $0xFFFFC000  }
0x37: {  	[spmem:s13] =	stream.linear.scatter [tilespmem:s20], [sflag:$0x2], $0x4000, $0x38;
	[tilespmem:$0x1A980] =	vst v63  }
0x38: {  	_ =	swait.ge [sflag:s21], $0x4000  }
0x39: {  	[sflag:s21] =	ssyncset.done $0x0  }
0x3a: {  	[sflag:s21] =	ssyncadd.s32 $0xFFFFC000  }
0x3b: {  	s30 =	simm.s32 $0x0;
	[bflag:$0x0] =	sbarrier.arrive $0xFFFF  }
.LBB2_4:
0x3c: {  	s0 =	smul.u32 $0x50, s30;
	_ =	sdelay $0x1  }
0x3d: {  	s0 =	sadd.s32 s8, s0  }
0x3e: {  	s0 =	sshrl.u32 s0, $0x3  }
0x3f: {  	s4 =	sadd.s32 s6, s0  }
0x40: {  	[tilespmem:s22], [sflag:$0x2] =	stream.linear.gather [hbm4b:s4+s29], $0x50, $0x38;
	[tilespmem:$0x1A980] =	vst v63  }
0x41: {  	_ =	swait.ge [sflag:s21], $0x50  }
0x42: {  	[sflag:s21] =	ssyncset.done $0x0  }
0x43: {  	s14 =	sadd.s32 s7, s0;
	[sflag:s21] =	ssyncadd.s32 $0xFFFFFFB0  }
0x44: {  	[tilespmem:s23], [sflag:$0x2] =	stream.linear.gather [hbm4b:s14+s29], $0x50, $0x38;
	[tilespmem:$0x1A980] =	vst v63  }
0x45: {  	_ =	swait.ge [sflag:s21], $0x50  }
0x46: {  	[sflag:s21] =	ssyncset.done $0x0  }
0x47: {  	s0 =	sadd.s32 s1, s0;
	[sflag:s21] =	ssyncadd.s32 $0xFFFFFFB0  }
0x48: {  	[tilespmem:s24], [sflag:$0x2] =	stream.linear.gather [hbm4b:s0+s29], $0x50, $0x38;
	[tilespmem:$0x1A980] =	vst v63  }
0x49: {  	_ =	swait.ge [sflag:s21], $0x50  }
0x4a: {  	[sflag:s21] =	ssyncset.done $0x0  }
0x4b: {  	[sflag:s21] =	ssyncadd.s32 $0xFFFFFFB0  }
0x4c: {  	[tilespmem:s26], [sflag:$0x1] =	stream.indirect.gather [hbm4b:s5+s25], $0x80, s22, s25, $0xb8;
	[tilespmem:$0x1A980] =	vst v63  }
0x4d: {  	_ =	swait.ge [sflag:s28], $0x2800  }
0x4e: {  	v1 =	vmov s29;
	[sflag:s28] =	ssyncset.done $0x0  }
0x4f: {  	s31 =	simm.s32 $0x181C0;
	[sflag:s28] =	ssyncadd.s32 $0xFFFFD800  }
0x50: {  	v5 =	vld [tilespmem:s31+$0x30]  }
0x51: {  	v8 =	vld [tilespmem:s31+$0x10]  }
0x52: {  	v6 =	vld [tilespmem:s31+$0xFFFFFFC0]  }
0x53: {  	v2 =	vld.idx.msk [tilespmem:v1+s24+$0x0], $0xffff  }
0x54: {  	v10 =	vld [tilespmem:s31+$0xFFFFFFE0]  }
0x55: {  	v1 =	vld [tilespmem:s31+$0xFFFFFFF0]  }
0x56: {  	v3 =	vld [tilespmem:s31+$0x20]  }
0x57: {  	v4 =	vld [tilespmem:s31+$0xFFFFFFD0]  }
0x58: {  	v9 =	vmul.f32 v5, v2;
	v5 =	vld [tilespmem:s31+$0x0]  }
0x59: {  	v7 =	vmul.f32 v6, v2  }
0x5a: {  	s4 =	simm.s32 $0x181C0;
	s0 =	simm.s32 $0x1;
	v6 =	vmul.f32 v10, v2;
	v8 =	vmul.f32 v8, v2  }
.LBB2_5:
0x5b: {  	p0 =	sne.s32 s0, $0x4F  }
0x5c: {  	v4 =	vmul.f32 v4, v2;
	v3 =	vmul.f32 v3, v2;
	[tilespmem:s31+$0x30] =	vst v9;
	s4 =	sadd.s32 $0x80, s4;
	s14 =	smov.u32 s0;
	s0 =	sadd.s32 $0x1, s0  }
0x5d: {  	[tilespmem:s31+$0xFFFFFFC0] =	vst v7;
	v7 =	vmul.f32 v1, v2;
	v2 =	vmul.f32 v5, v2  }
0x5e: {  	[tilespmem:s31+$0x10] =	vst v8  }
0x5f: {  	v5 =	vmov s14;
	[tilespmem:s31+$0xFFFFFFE0] =	vst v6  }
0x60: {  	v1 =	vld [tilespmem:s4+$0xFFFFFFF0];
	[tilespmem:s31+$0xFFFFFFF0] =	vst v7  }
0x61: {  	v6 =	vld [tilespmem:s4+$0x30];
	[tilespmem:s31+$0x0] =	vst v2  }
0x62: {  	v8 =	vld [tilespmem:s4+$0x10];
	[tilespmem:s31+$0x20] =	vst v3  }
0x63: {  	v7 =	vld [tilespmem:s4+$0xFFFFFFC0];
	[tilespmem:s31+$0xFFFFFFD0] =	vst v4;
	s31 =	smov.u32 s4  }
0x64: {  	v2 =	vld.idx.msk [tilespmem:v5+s24+$0x0], $0xffff  }
0x65: {  	v10 =	vld [tilespmem:s4+$0xFFFFFFE0]  }
0x66: {  	v3 =	vld [tilespmem:s4+$0x20]  }
.Ltmp1:
0x67: {  	v4 =	vld [tilespmem:s4+$0xFFFFFFD0];
	(pc) =	sbr.rel @p0 .LBB2_5-.Ltmp1, $3  }
0x68: {  	v5 =	vld [tilespmem:s4+$0x0];
	_ =	sdelay $0x1  }
0x69: {  	v7 =	vmul.f32 v7, v2;
	v9 =	vmul.f32 v6, v2  }
0x6a: {  	v8 =	vmul.f32 v8, v2;
	v6 =	vmul.f32 v10, v2  }
0x6b: {  	[tilespmem:s31+$0x30] =	vst v9  }
0x6c: {  	[tilespmem:s31+$0xFFFFFFC0] =	vst v7  }
0x6d: {  	v1 =	vmul.f32 v1, v2;
	[tilespmem:s31+$0x10] =	vst v8  }
0x6e: {  	v3 =	vmul.f32 v3, v2;
	[tilespmem:s31+$0xFFFFFFE0] =	vst v6  }
0x6f: {  	v5 =	vmul.f32 v5, v2;
	[tilespmem:s31+$0xFFFFFFF0] =	vst v1  }
0x70: {  	s30 =	sadd.s32 $0x1, s30;
	v1 =	vmul.f32 v4, v2;
	[tilespmem:s31+$0x20] =	vst v3  }
0x71: {  	p0 =	sne.s32 s30, $0x7D;
	[tilespmem:s31+$0x0] =	vst v5  }
.Ltmp2:
0x72: {  	[tilespmem:s31+$0xFFFFFFD0] =	vst v1;
	(pc) =	sbr.rel @p0 .LBB2_4-.Ltmp2, $4  }
0x73: {  	[spmem:s2] =	stream.indirect.scatter.add.f32 [tilespmem:s26], [sflag:$0x2], $0x80, s23, s25, $0xb8;
	[tilespmem:$0x1A980] =	vst v63  }
0x74: {  	_ =	swait.ge [sflag:s21], $0x2800  }
0x75: {  	[sflag:s21] =	ssyncset.done $0x0  }
0x76: {  	[sflag:s21] =	ssyncadd.s32 $0xFFFFD800  }
0x77: {  	s0 =	stileid.u32  }
0x78: {  	[bflag:$0x0] =	sbarrier.arrive $0xFFFF;
	s0 =	sshll.u32 s0, $0x6  }
0x79: {  	s4 =	sshrl.u32 s9, $0x3;
	s14 =	rddreg [dreg:$0x4];
	s0 =	sor.u32 $0x1C02, s0  }
0x7a: {  	[hbm:s14], [sflag:s0] =	dma.local [spmem:s4], $0x800  }
0x7b: {  	_ =	swait.ge [sflag:s21], $0x800  }
0x7c: {  	[sflag:s21] =	ssyncset.done $0x0  }
0x7d: {  	s31 =	sshrl.u32 s10, $0x3;
	[sflag:s21] =	ssyncadd.s32 $0xFFFFF800  }
0x7e: {  	[hbm:s15], [sflag:s0] =	dma.local [spmem:s31], $0x800  }
0x7f: {  	_ =	swait.ge [sflag:s21], $0x800  }
0x80: {  	[sflag:s21] =	ssyncset.done $0x0  }
0x81: {  	s14 =	sshrl.u32 s11, $0x3;
	[sflag:s21] =	ssyncadd.s32 $0xFFFFF800  }
0x82: {  	[hbm:s16], [sflag:s0] =	dma.local [spmem:s14], $0x800  }
0x83: {  	_ =	swait.ge [sflag:s21], $0x800  }
0x84: {  	[sflag:s21] =	ssyncset.done $0x0  }
0x85: {  	s30 =	sshrl.u32 s12, $0x3;
	[sflag:s21] =	ssyncadd.s32 $0xFFFFF800  }
0x86: {  	[hbm:s17], [sflag:s0] =	dma.local [spmem:s30], $0x800  }
0x87: {  	s3 =	sadd.s32 $0x1, s3;
	_ =	swait.ge [sflag:s21], $0x800  }
0x88: {  	p0 =	sne.s32 s3, s19;
	[sflag:s21] =	ssyncset.done $0x0  }
.Ltmp3:
0x89: {  	s31 =	sshrl.u32 s13, $0x3;
	[sflag:s21] =	ssyncadd.s32 $0xFFFFF800;
	(pc) =	sbr.rel @p0 .LBB2_1-.Ltmp3, $4  }
0x8a: {  	[hbm:s18], [sflag:s0] =	dma.local [spmem:s31], $0x800  }
0x8b: {  	_ =	swait.ge [sflag:s21], $0x800  }
0x8c: {  	[sflag:s21] =	ssyncset.done $0x0  }
0x8d: {  	[sflag:s21] =	ssyncadd.s32 $0xFFFFF800  }
0x8e: {  	_ =	sfence.sel $0x180000  }
0x8f: {  	[bflag:$0x0] =	sbarrier.arrive $0xFFFF  }
0x90: {  	_ =	strace $0x90000047  }
0x91: {  	s0 =	stileid.u32;
	[bflag:$0x2] =	sbarrier.arrive $0xFFFF  }
0x92: {  	p0 =	sne.s32 s0, $0x0;
	s0 =	rddreg [dreg:$0x3]  }
0x93: {  	s0 =	sadd.s32 @!p0 $0x100000, s0  }
0x94: {  	[sflag:s0] =	ssyncadd.tile.s32 @!p0 $0x1;
	_ =	shalt  }
.Lfunc_end2:
_tile_overlayer_lowered:
.L_overlay_start_2:
0x95: {  	(tag) =	ssettag $0x2  }
0x96: {  	s0 =	rddreg [dreg:$0x0];
	s2 =	stileid.u32  }
0x97: {  	s1 =	rddreg [dreg:$0x1];
	p0 =	sne.s32 s2, $0x0  }
0x98: {  	s3 =	rddreg [dreg:$0x2];
	[bflag:$0x3] =	sbarrier.arrive $0xFFFF;
	s2 =	simm.s32 @!p0 $0x1C02  }
0x99: {  	[timem:s3], [sflag:s2] =	dma.local @!p0 [hbm:s0], s1  }
0x9a: {  	s0 =	simm.s32 @!p0 $0x2  }
0x9b: {  	_ =	swait.ge @!p0 [sflag:s0], s1  }
0x9c: {  	s1 =	ssub.s32 @!p0 $0x0, s1;
	[sflag:s0] =	ssyncset.done @!p0 $0x0  }
0x9d: {  	[sflag:s0] =	ssyncadd.s32 @!p0 s1  }
0x9e: {  	[bflag:$0x3] =	sbarrier.arrive $0xFFFF  }
0x9f: {  	_ =	shalt  }

</sc_bundles>
